<compile_context>
chip_gen: v7x
topology: tpu7x:2x2x1
jax: 0.10.2.dev20260603
libtpu: 0.0.44.dev20260713+nightly
codegen_flags: <defaults>
</compile_context>

<pallas_src>
import dataclasses
import functools

import jax
import jax.numpy as jnp
from jax import lax
from jax.experimental import pallas as pl
from jax.experimental.pallas import tpu as pltpu
from jax.experimental.pallas import tpu_sc as plsc

D = 128
NC, NS = 2, 16
NW = NC * NS
CH = 128
ROW_BLK = 1000


def _mlp_body(x_ref, w1_ref, b1_ref, w2_ref, b2_ref, wg_ref, out_ref):
    i = pl.program_id(0)
    use_d = i < (pl.num_programs(0) // 2)
    w = jnp.where(use_d, w1_ref[...], w2_ref[...])
    b = jnp.where(use_d, b1_ref[...], b2_ref[...])
    h = jnp.maximum(
        jnp.dot(x_ref[...], w, precision=lax.Precision.HIGHEST) + b, 0.0)
    out_ref[...] = jnp.dot(h, wg_ref[...], precision=lax.Precision.HIGHEST)


def _scale_body(xw_ref, dp_ref, out_ref):
    deg = dp_ref[0, :, 0:1] + dp_ref[1, :, 0:1] + 1.0
    out_ref[...] = xw_ref[...] * lax.rsqrt(deg)


def _final_body(mp_ref, xws_ref, dp_ref, bg_ref, out_ref):
    deg = dp_ref[0, :, 0:1] + dp_ref[1, :, 0:1] + 1.0
    dinv = lax.rsqrt(deg)
    s = mp_ref[0] + mp_ref[1] + xws_ref[...]
    out_ref[...] = jnp.maximum(dinv * s + bg_ref[...], 0.0)


def kernel(xd, xm, edge_index, edge_index_test,
           W_mlp1, b_mlp1, W_mlp2, b_mlp2, W_gcn, b_gcn):
    n_d = xd.shape[0]
    n = n_d + xm.shape[0]
    e = edge_index.shape[1]
    e_test = edge_index_test.shape[1]

    acc_rows = ((n + CH - 1) // CH + 1) * CH
    rpt = acc_rows // NS
    e_ch = -(-e // (NW * CH))
    e_ch += e_ch % 2
    t_ch = -(-e_test // (NW * CH))
    t_ch += t_ch % 2

    xin = jnp.concatenate([xd, xm], axis=0)
    src = edge_index[0].astype(jnp.int32)
    dst = edge_index[1].astype(jnp.int32)
    pad_e = NW * e_ch * CH - e
    srcc = jnp.concatenate([src, jnp.zeros((pad_e,), jnp.int32)])
    srcc = srcc.reshape(NW, e_ch, CH)
    dstc = jnp.concatenate([dst, jnp.full((pad_e,), n, jnp.int32)])
    dstc = dstc.reshape(NW, e_ch, CH)

    n_c0, n_c1 = e_ch, e_ch
    e_max = max(n_c0, n_c1)
    cnts = [n_c0] * NS + [n_c1] * NS
    segs, segd, off = [], [], 0
    for w in range(NW):
        cap = cnts[w] * CH
        take = min(cap, max(0, e - off))
        pad_w = e_max * CH - take
        s_seg = src[off:off + take]
        d_seg = dst[off:off + take]
        segs.append(jnp.concatenate(
            [s_seg, jnp.zeros((pad_w,), jnp.int32)]))
        segd.append(jnp.concatenate(
            [d_seg, jnp.full((pad_w,), n, jnp.int32)]))
        off += take
    assert off == e, (off, e)
    srcc2 = jnp.stack(segs).reshape(NW, e_max, CH)
    dstc2 = jnp.stack(segd).reshape(NW, e_max, CH)
    t0 = edge_index_test[0].astype(jnp.int32)
    t1 = edge_index_test[1].astype(jnp.int32)
    pad_t = NW * t_ch * CH - e_test
    t0c = jnp.concatenate([t0, jnp.zeros((pad_t,), jnp.int32)])
    t0c = t0c.reshape(NW, t_ch, CH)
    t1c = jnp.concatenate([t1, jnp.zeros((pad_t,), jnp.int32)])
    t1c = t1c.reshape(NW, t_ch, CH)
    ones128 = jnp.ones((CH, D), jnp.float32)
    zrow = jnp.zeros((rpt, D), jnp.float32)
    b1r = b_mlp1.reshape(1, D)
    b2r = b_mlp2.reshape(1, D)
    bgr = b_gcn.reshape(1, D)

    n_blk = n // ROW_BLK
    xw = pl.pallas_call(
        _mlp_body,
        grid=(n_blk,),
        in_specs=[
            pl.BlockSpec((ROW_BLK, D), lambda i: (i, 0)),
            pl.BlockSpec((D, D), lambda i: (0, 0)),
            pl.BlockSpec((1, D), lambda i: (0, 0)),
            pl.BlockSpec((D, D), lambda i: (0, 0)),
            pl.BlockSpec((1, D), lambda i: (0, 0)),
            pl.BlockSpec((D, D), lambda i: (0, 0)),
        ],
        out_specs=pl.BlockSpec((ROW_BLK, D), lambda i: (i, 0)),
        out_shape=jax.ShapeDtypeStruct((n, D), jnp.float32),
    )(xin, W_mlp1, b1r, W_mlp2, b2r, W_gcn)

    mesh = plsc.VectorSubcoreMesh(
        core_axis_name="c", subcore_axis_name="s",
        num_cores=NC, num_subcores=NS)

    @functools.partial(
        pl.kernel,
        out_type=jax.ShapeDtypeStruct((NC, acc_rows, D), jnp.float32),
        mesh=mesh,
        scratch_types=[
            pltpu.VMEM((CH,), jnp.int32),
            pltpu.VMEM((CH, D), jnp.float32),
            pltpu.VMEM_SHARED((acc_rows, D), jnp.float32),
        ],
    )
    def sc_deg(dst_hbm, ones_hbm, zdeg_hbm, degp_hbm, didx, onesv, acc):
        c = lax.axis_index("c")
        s = lax.axis_index("s")
        wid = c * NS + s
        pltpu.sync_copy(zdeg_hbm, acc.at[pl.ds(s * rpt, rpt)])
        pltpu.sync_copy(ones_hbm, onesv)
        plsc.subcore_barrier()

        @pl.loop(0, e_ch)
        def _(ch):
            pltpu.sync_copy(dst_hbm.at[wid, ch], didx)
            pltpu.sync_copy(onesv, acc.at[didx], add=True)

        plsc.subcore_barrier()
        pltpu.sync_copy(acc.at[pl.ds(s * rpt, rpt)],
                        degp_hbm.at[c, pl.ds(s * rpt, rpt)])

    degp = sc_deg(dstc, ones128, zrow)

    dp_spec = pl.BlockSpec((NC, ROW_BLK, D), lambda i: (0, i, 0))
    xws = pl.pallas_call(
        _scale_body,
        grid=(n_blk,),
        in_specs=[pl.BlockSpec((ROW_BLK, D), lambda i: (i, 0)), dp_spec],
        out_specs=pl.BlockSpec((ROW_BLK, D), lambda i: (i, 0)),
        out_shape=jax.ShapeDtypeStruct((n, D), jnp.float32),
    )(xw, degp)

    @functools.partial(
        pl.kernel,
        out_type=jax.ShapeDtypeStruct((NC, acc_rows, D), jnp.float32),
        mesh=mesh,
        scratch_types=[
            pltpu.VMEM((CH,), jnp.int32),
            pltpu.VMEM((CH,), jnp.int32),
            pltpu.VMEM((CH,), jnp.int32),
            pltpu.VMEM((CH,), jnp.int32),
            pltpu.VMEM((CH, D), jnp.float32),
            pltpu.VMEM((CH, D), jnp.float32),
            pltpu.VMEM_SHARED((acc_rows, D), jnp.float32),
            pltpu.SemaphoreType.DMA,
            pltpu.SemaphoreType.DMA,
        ],
    )
    def sc_msg(src_hbm, dst_hbm, xws_hbm, zrow_hbm, msgp_hbm,
               sidx0, didx0, sidx1, didx1, rows0, rows1, acc, sem0, sem1):
        c = lax.axis_index("c")
        s = lax.axis_index("s")
        wid = c * NS + s
        nch = jnp.where(c == 0, n_c0, n_c1)
        pltpu.sync_copy(zrow_hbm, acc.at[pl.ds(s * rpt, rpt)])
        plsc.subcore_barrier()

        def load_idx(ch, sidxb, didxb):
            pltpu.sync_copy(src_hbm.at[wid, ch], sidxb)
            pltpu.sync_copy(dst_hbm.at[wid, ch], didxb)

        load_idx(0, sidx0, didx0)
        pltpu.async_copy(xws_hbm.at[sidx0], rows0, sem0)

        @pl.loop(0, nch // 2)
        def _(g):
            ch = g * 2
            load_idx(ch + 1, sidx1, didx1)
            pltpu.async_copy(xws_hbm.at[sidx1], rows1, sem1)
            pltpu.make_async_copy(xws_hbm.at[sidx0], rows0, sem0).wait()
            pltpu.sync_copy(rows0, acc.at[didx0], add=True)

            @pl.when(ch + 2 < nch)
            def _():
                load_idx(ch + 2, sidx0, didx0)
                pltpu.async_copy(xws_hbm.at[sidx0], rows0, sem0)

            pltpu.make_async_copy(xws_hbm.at[sidx1], rows1, sem1).wait()
            pltpu.sync_copy(rows1, acc.at[didx1], add=True)

        plsc.subcore_barrier()
        pltpu.sync_copy(acc.at[pl.ds(s * rpt, rpt)],
                        msgp_hbm.at[c, pl.ds(s * rpt, rpt)])

    msgp = sc_msg(srcc2, dstc2, xws, zrow)

    xf = pl.pallas_call(
        _final_body,
        grid=(n_blk,),
        in_specs=[
            pl.BlockSpec((NC, ROW_BLK, D), lambda i: (0, i, 0)),
            pl.BlockSpec((ROW_BLK, D), lambda i: (i, 0)),
            dp_spec,
            pl.BlockSpec((1, D), lambda i: (0, 0)),
        ],
        out_specs=pl.BlockSpec((ROW_BLK, D), lambda i: (i, 0)),
        out_shape=jax.ShapeDtypeStruct((n, D), jnp.float32),
    )(msgp, xws, degp, bgr)

    n_grp = CH // 16
    cp = pltpu.CompilerParams()
    if "needs_layout_passes" in pltpu.CompilerParams.__dataclass_fields__:
        cp = dataclasses.replace(cp, needs_layout_passes=False)

    @functools.partial(
        pl.kernel,
        out_type=jax.ShapeDtypeStruct((NW, t_ch, CH), jnp.float32),
        mesh=mesh,
        compiler_params=cp,
        scratch_types=[
            pltpu.VMEM((CH,), jnp.int32),
            pltpu.VMEM((CH,), jnp.int32),
            pltpu.VMEM((CH,), jnp.int32),
            pltpu.VMEM((CH,), jnp.int32),
            pltpu.VMEM((CH, D), jnp.float32),
            pltpu.VMEM((CH, D), jnp.float32),
            pltpu.VMEM((CH, D), jnp.float32),
            pltpu.VMEM((CH, D), jnp.float32),
            pltpu.VMEM((CH,), jnp.float32),
            pltpu.SemaphoreType.DMA,
            pltpu.SemaphoreType.DMA,
            pltpu.SemaphoreType.DMA,
            pltpu.SemaphoreType.DMA,
        ],
    )
    def sc_score(t0_hbm, t1_hbm, xf_hbm, out_hbm,
                 t0v0, t1v0, t0v1, t1v1, ub0, vb0, ub1, vb1, sb,
                 us0, vs0, us1, vs1):
        c = lax.axis_index("c")
        s = lax.axis_index("s")
        wid = c * NS + s
        lane = lax.iota(jnp.int32, 16)
        row_ids = [lane + g * 16 for g in range(n_grp)]
        UN = 4

        def load_idx(ch, t0b, t1b):
            pltpu.sync_copy(t0_hbm.at[wid, ch], t0b)
            pltpu.sync_copy(t1_hbm.at[wid, ch], t1b)

        def fire(t0b, t1b, ubuf, vbuf, usem, vsem):
            pltpu.async_copy(xf_hbm.at[t0b], ubuf, usem)
            pltpu.async_copy(xf_hbm.at[t1b], vbuf, vsem)

        def drain(t0b, t1b, ubuf, vbuf, usem, vsem):
            pltpu.make_async_copy(xf_hbm.at[t0b], ubuf, usem).wait()
            pltpu.make_async_copy(xf_hbm.at[t1b], vbuf, vsem).wait()

        def compute(ch, ubuf, vbuf):
            def body(j, carry):
                accs, col = carry[:-1], carry[-1]
                new = list(accs)
                for k in range(UN):
                    ck = col + k
                    for g in range(n_grp):
                        pu = plsc.load_gather(ubuf, [row_ids[g], ck])
                        pv = plsc.load_gather(vbuf, [row_ids[g], ck])
                        new[g] = new[g] + pu * pv
                return (*new, col + UN)

            init = tuple(jnp.zeros((16,), jnp.float32)
                         for _ in range(n_grp)) + (jnp.zeros((16,), jnp.int32),)
            res = lax.fori_loop(0, D // UN, body, init)
            for g in range(n_grp):
                sb[pl.ds(g * 16, 16)] = res[g]
            pltpu.sync_copy(sb, out_hbm.at[wid, ch])

        load_idx(0, t0v0, t1v0)
        fire(t0v0, t1v0, ub0, vb0, us0, vs0)

        @pl.loop(0, t_ch // 2)
        def _(g):
            ch = g * 2
            load_idx(ch + 1, t0v1, t1v1)
            fire(t0v1, t1v1, ub1, vb1, us1, vs1)
            drain(t0v0, t1v0, ub0, vb0, us0, vs0)
            compute(ch, ub0, vb0)

            @pl.when(ch + 2 < t_ch)
            def _():
                load_idx(ch + 2, t0v0, t1v0)
                fire(t0v0, t1v0, ub0, vb0, us0, vs0)

            drain(t0v1, t1v1, ub1, vb1, us1, vs1)
            compute(ch + 1, ub1, vb1)

    sco = sc_score(t0c, t1c, xf)
    return sco.reshape(-1)[:e_test]

# --- scband reference (transcript-rebuilt; emitter-appended) ---
"""Pipeline reference for scband-gcnnet-60722247631463 (READ-ONLY COPY).

The authoritative reference and input builder live on the scoring server;
editing this copy changes nothing except your own understanding.
"""

import jax, jax.numpy as jnp
import numpy as np

N_D = 5000
N_M = 5000
N = N_D + N_M
E = 320000
E_TEST = 100000
IN_D = 128
IN_M = 128
HID = 128
OUT = 64  # GCNConv output dim = out_channels*2 = 128


def setup_inputs(seed: int = 0) -> dict:
    key = jax.random.key(seed)
    ks = jax.random.split(key, 12)
    xd = jax.random.normal(ks[0], (N_D, IN_D), dtype=jnp.float32)
    xm = jax.random.normal(ks[1], (N_M, IN_M), dtype=jnp.float32)
    edge_index = jax.random.randint(ks[2], (2, E), 0, N, dtype=jnp.int64)
    edge_index_test = jax.random.randint(ks[3], (2, E_TEST), 0, N, dtype=jnp.int64)
    W_mlp1 = jax.random.normal(ks[4], (IN_D, HID), dtype=jnp.float32) / np.sqrt(IN_D)
    b_mlp1 = jnp.zeros((HID,), dtype=jnp.float32)
    W_mlp2 = jax.random.normal(ks[5], (IN_M, HID), dtype=jnp.float32) / np.sqrt(IN_M)
    b_mlp2 = jnp.zeros((HID,), dtype=jnp.float32)
    W_gcn = jax.random.normal(ks[6], (HID, OUT * 2), dtype=jnp.float32) / np.sqrt(HID)
    b_gcn = jnp.zeros((OUT * 2,), dtype=jnp.float32)
    return {
        "xd": xd, "xm": xm,
        "edge_index": edge_index, "edge_index_test": edge_index_test,
        "W_mlp1": W_mlp1, "b_mlp1": b_mlp1,
        "W_mlp2": W_mlp2, "b_mlp2": b_mlp2,
        "W_gcn": W_gcn, "b_gcn": b_gcn,
    }


def gcn_conv(x, edge_index, W, b, n_nodes):
    # PyG-style GCNConv: add self-loops, symmetric normalization, then scatter-add.
    src = edge_index[0]
    dst = edge_index[1]
    loop = jnp.arange(n_nodes, dtype=src.dtype)
    src = jnp.concatenate([src, loop], axis=0)
    dst = jnp.concatenate([dst, loop], axis=0)
    deg = jax.ops.segment_sum(jnp.ones_like(dst, dtype=x.dtype), dst, num_segments=n_nodes)
    dinv = jnp.where(deg > 0, deg ** -0.5, 0.0)
    norm = dinv[src] * dinv[dst]
    xw = x @ W
    msg = jnp.take(xw, src, axis=0) * norm[:, None]
    out = jax.ops.segment_sum(msg, dst, num_segments=n_nodes)
    return out + b


def reference(xd, xm, edge_index, edge_index_test, W_mlp1, b_mlp1, W_mlp2, b_mlp2, W_gcn, b_gcn):
    # NOTE: the original forward also runs a loop over a global `drug_smiles` list whose
    # result (`matrix`) is never used in the returned output, so it is omitted here.
    xd = jax.nn.relu(xd @ W_mlp1 + b_mlp1)
    xm = jax.nn.relu(xm @ W_mlp2 + b_mlp2)
    x = jnp.concatenate([xd, xm], axis=0)
    x = jax.nn.relu(gcn_conv(x, edge_index, W_gcn, b_gcn, N))
    scores = (jnp.take(x, edge_index_test[0], axis=0) * jnp.take(x, edge_index_test[1], axis=0)).sum(axis=-1)
    return scores

if __name__ == "__main__":
    import jax
    _d = setup_inputs()
    print(jax.jit(kernel)(*tuple(_d.values())))

</pallas_src>

<mosaic_0001>
#map = affine_map<(d0, d1) -> (0, 0, 0)>
#map1 = affine_map<(d0, d1) -> (0, 0)>
module attributes {stable_mosaic.version = 14 : i64} {
  func.func @sc_score(%arg0: i32, %arg1: i32, %arg2: memref<32x26x128xi32, #tpu.memory_space<hbm>>, %arg3: memref<32x26x128xi32, #tpu.memory_space<hbm>>, %arg4: memref<10000x128xf32, #tpu.memory_space<hbm>>, %arg5: memref<32x26x128xf32, #tpu.memory_space<hbm>>, %arg6: memref<128xi32, #tpu.memory_space<vmem>>, %arg7: memref<128xi32, #tpu.memory_space<vmem>>, %arg8: memref<128xi32, #tpu.memory_space<vmem>>, %arg9: memref<128xi32, #tpu.memory_space<vmem>>, %arg10: memref<128x128xf32, #tpu.memory_space<vmem>>, %arg11: memref<128x128xf32, #tpu.memory_space<vmem>>, %arg12: memref<128x128xf32, #tpu.memory_space<vmem>>, %arg13: memref<128x128xf32, #tpu.memory_space<vmem>>, %arg14: memref<128xf32, #tpu.memory_space<vmem>>, %arg15: memref<!tpu.dma_semaphore, #tpu.memory_space<semaphore_mem>>, %arg16: memref<!tpu.dma_semaphore, #tpu.memory_space<semaphore_mem>>, %arg17: memref<!tpu.dma_semaphore, #tpu.memory_space<semaphore_mem>>, %arg18: memref<!tpu.dma_semaphore, #tpu.memory_space<semaphore_mem>>) attributes {dimension_semantics = [#tpu.dimension_semantics<core_parallel>, #tpu.dimension_semantics<subcore_parallel>], iteration_bounds = array<i64: 2, 16>, scalar_prefetch = 0 : i64, scratch_operands = 13 : i64, tpu.core_type = #tpu.core_type<sc_vector_subcore>, window_params = [{transform_indices = #map}, {transform_indices = #map}, {transform_indices = #map1}, {transform_indices = #map}]} {
    %mul3A = arith.constant 16 : i32
    %mul3A_0 = arith.muli %arg0, %mul3A : i32
    %add3A = arith.addi %mul3A_0, %arg1 : i32
    %iota3A = tpu.iota {dimensions = array<i32: 0>} : vector<16xi32>
    %add3A_1 = arith.constant 0 : i32
    %add3A_2 = vector.broadcast %add3A_1 : i32 to vector<16xi32>
    %add3A_3 = arith.addi %iota3A, %add3A_2 : vector<16xi32>
    %add3A_4 = arith.constant 16 : i32
    %add3A_5 = vector.broadcast %add3A_4 : i32 to vector<16xi32>
    %add3A_6 = arith.addi %iota3A, %add3A_5 : vector<16xi32>
    %add3A_7 = arith.constant 32 : i32
    %add3A_8 = vector.broadcast %add3A_7 : i32 to vector<16xi32>
    %add3A_9 = arith.addi %iota3A, %add3A_8 : vector<16xi32>
    %add3A_10 = arith.constant 48 : i32
    %add3A_11 = vector.broadcast %add3A_10 : i32 to vector<16xi32>
    %add3A_12 = arith.addi %iota3A, %add3A_11 : vector<16xi32>
    %add3A_13 = arith.constant 64 : i32
    %add3A_14 = vector.broadcast %add3A_13 : i32 to vector<16xi32>
    %add3A_15 = arith.addi %iota3A, %add3A_14 : vector<16xi32>
    %add3A_16 = arith.constant 80 : i32
    %add3A_17 = vector.broadcast %add3A_16 : i32 to vector<16xi32>
    %add3A_18 = arith.addi %iota3A, %add3A_17 : vector<16xi32>
    %add3A_19 = arith.constant 96 : i32
    %add3A_20 = vector.broadcast %add3A_19 : i32 to vector<16xi32>
    %add3A_21 = arith.addi %iota3A, %add3A_20 : vector<16xi32>
    %add3A_22 = arith.constant 112 : i32
    %add3A_23 = vector.broadcast %add3A_22 : i32 to vector<16xi32>
    %add3A_24 = arith.addi %iota3A, %add3A_23 : vector<16xi32>
    %run_scoped3A = arith.constant 0 : i32
    "tpu.region"() ({
      %run_scoped3A_35 = tpu.sem_alloc : memref<!tpu.dma_semaphore, #tpu.memory_space<semaphore_mem>>
      %dma_start3A_36 = arith.constant 0 : i32
      %dma_start3A_37 = tpu.memref_slice %arg2[%add3A, %run_scoped3A, %dma_start3A_36] : memref<32x26x128xi32, #tpu.memory_space<hbm>> -> memref<1x1x128xi32, #tpu.memory_space<hbm>>
      %dma_start3A_38 = tpu.memref_squeeze %dma_start3A_37 : memref<1x1x128xi32, #tpu.memory_space<hbm>> -> memref<128xi32, #tpu.memory_space<hbm>>
      %dma_start3A_39 = arith.constant 0 : i32
      %dma_start3A_40 = tpu.memref_slice %arg2[%add3A, %run_scoped3A, %dma_start3A_39] : memref<32x26x128xi32, #tpu.memory_space<hbm>> -> memref<1x1x128xi32, #tpu.memory_space<hbm>>
      %dma_start3A_41 = tpu.memref_squeeze %dma_start3A_40 : memref<1x1x128xi32, #tpu.memory_space<hbm>> -> memref<128xi32, #tpu.memory_space<hbm>>
      tpu.enqueue_dma source(%dma_start3A_41 : memref<128xi32, #tpu.memory_space<hbm>>) target(%arg6 : memref<128xi32, #tpu.memory_space<vmem>>) target_semaphore(%run_scoped3A_35 : memref<!tpu.dma_semaphore, #tpu.memory_space<semaphore_mem>>)
      %dma_wait3A = arith.constant 0 : i32
      %dma_wait3A_42 = tpu.memref_slice %arg2[%add3A, %run_scoped3A, %dma_wait3A] : memref<32x26x128xi32, #tpu.memory_space<hbm>> -> memref<1x1x128xi32, #tpu.memory_space<hbm>>
      %dma_wait3A_43 = tpu.memref_squeeze %dma_wait3A_42 : memref<1x1x128xi32, #tpu.memory_space<hbm>> -> memref<128xi32, #tpu.memory_space<hbm>>
      %dma_wait3A_44 = arith.constant 0 : i32
      %dma_wait3A_45 = tpu.memref_slice %arg2[%add3A, %run_scoped3A, %dma_wait3A_44] : memref<32x26x128xi32, #tpu.memory_space<hbm>> -> memref<1x1x128xi32, #tpu.memory_space<hbm>>
      %dma_wait3A_46 = tpu.memref_squeeze %dma_wait3A_45 : memref<1x1x128xi32, #tpu.memory_space<hbm>> -> memref<128xi32, #tpu.memory_space<hbm>>
      tpu.wait_dma2 semaphore(%run_scoped3A_35 : memref<!tpu.dma_semaphore, #tpu.memory_space<semaphore_mem>>) src(%dma_wait3A_46 : memref<128xi32, #tpu.memory_space<hbm>>) dst(%arg6 : memref<128xi32, #tpu.memory_space<vmem>>)
      tpu.yield
    }) : () -> ()
    %run_scoped3A_25 = arith.constant 0 : i32
    "tpu.region"() ({
      %run_scoped3A_35 = tpu.sem_alloc : memref<!tpu.dma_semaphore, #tpu.memory_space<semaphore_mem>>
      %dma_start3A_36 = arith.constant 0 : i32
      %dma_start3A_37 = tpu.memref_slice %arg3[%add3A, %run_scoped3A_25, %dma_start3A_36] : memref<32x26x128xi32, #tpu.memory_space<hbm>> -> memref<1x1x128xi32, #tpu.memory_space<hbm>>
      %dma_start3A_38 = tpu.memref_squeeze %dma_start3A_37 : memref<1x1x128xi32, #tpu.memory_space<hbm>> -> memref<128xi32, #tpu.memory_space<hbm>>
      %dma_start3A_39 = arith.constant 0 : i32
      %dma_start3A_40 = tpu.memref_slice %arg3[%add3A, %run_scoped3A_25, %dma_start3A_39] : memref<32x26x128xi32, #tpu.memory_space<hbm>> -> memref<1x1x128xi32, #tpu.memory_space<hbm>>
      %dma_start3A_41 = tpu.memref_squeeze %dma_start3A_40 : memref<1x1x128xi32, #tpu.memory_space<hbm>> -> memref<128xi32, #tpu.memory_space<hbm>>
      tpu.enqueue_dma source(%dma_start3A_41 : memref<128xi32, #tpu.memory_space<hbm>>) target(%arg7 : memref<128xi32, #tpu.memory_space<vmem>>) target_semaphore(%run_scoped3A_35 : memref<!tpu.dma_semaphore, #tpu.memory_space<semaphore_mem>>)
      %dma_wait3A = arith.constant 0 : i32
      %dma_wait3A_42 = tpu.memref_slice %arg3[%add3A, %run_scoped3A_25, %dma_wait3A] : memref<32x26x128xi32, #tpu.memory_space<hbm>> -> memref<1x1x128xi32, #tpu.memory_space<hbm>>
      %dma_wait3A_43 = tpu.memref_squeeze %dma_wait3A_42 : memref<1x1x128xi32, #tpu.memory_space<hbm>> -> memref<128xi32, #tpu.memory_space<hbm>>
      %dma_wait3A_44 = arith.constant 0 : i32
      %dma_wait3A_45 = tpu.memref_slice %arg3[%add3A, %run_scoped3A_25, %dma_wait3A_44] : memref<32x26x128xi32, #tpu.memory_space<hbm>> -> memref<1x1x128xi32, #tpu.memory_space<hbm>>
      %dma_wait3A_46 = tpu.memref_squeeze %dma_wait3A_45 : memref<1x1x128xi32, #tpu.memory_space<hbm>> -> memref<128xi32, #tpu.memory_space<hbm>>
      tpu.wait_dma2 semaphore(%run_scoped3A_35 : memref<!tpu.dma_semaphore, #tpu.memory_space<semaphore_mem>>) src(%dma_wait3A_46 : memref<128xi32, #tpu.memory_space<hbm>>) dst(%arg7 : memref<128xi32, #tpu.memory_space<vmem>>)
      tpu.yield
    }) : () -> ()
    %dma_start3A = arith.constant 0 : i32
    %dma_start3A_26 = arith.constant 0 : i32
    %dma_start3A_27 = tpu.memref_slice %arg4[%dma_start3A, %dma_start3A_26] : memref<10000x128xf32, #tpu.memory_space<hbm>> -> memref<10000x128xf32, #tpu.memory_space<hbm>>
    tpu.enqueue_indirect_dma source(%dma_start3A_27 : memref<10000x128xf32, #tpu.memory_space<hbm>>) target(%arg10 : memref<128x128xf32, #tpu.memory_space<vmem>>) offsets(%arg6 : memref<128xi32, #tpu.memory_space<vmem>>) semaphore(%arg15 : memref<!tpu.dma_semaphore, #tpu.memory_space<semaphore_mem>>)
    %dma_start3A_28 = arith.constant 0 : i32
    %dma_start3A_29 = arith.constant 0 : i32
    %dma_start3A_30 = tpu.memref_slice %arg4[%dma_start3A_28, %dma_start3A_29] : memref<10000x128xf32, #tpu.memory_space<hbm>> -> memref<10000x128xf32, #tpu.memory_space<hbm>>
    tpu.enqueue_indirect_dma source(%dma_start3A_30 : memref<10000x128xf32, #tpu.memory_space<hbm>>) target(%arg11 : memref<128x128xf32, #tpu.memory_space<vmem>>) offsets(%arg7 : memref<128xi32, #tpu.memory_space<vmem>>) semaphore(%arg16 : memref<!tpu.dma_semaphore, #tpu.memory_space<semaphore_mem>>)
    %scan3A = arith.constant 0 : i32
    %scan3A_31 = arith.constant 13 : i32
    %scan3A_32 = arith.addi %scan3A, %scan3A_31 : i32
    %scan3A_33 = arith.constant 1 : i32
    scf.for %scan3A_35 = %scan3A to %scan3A_32 step %scan3A_33  : i32 {
      %mul3A_36 = arith.constant 1 : i32
      %mul3A_37 = arith.muli %scan3A_35, %mul3A_36 : i32
      %add3A_38 = arith.constant 0 : i32
      %add3A_39 = arith.addi %add3A_38, %mul3A_37 : i32
      %mul3A_40 = arith.constant 2 : i32
      %mul3A_41 = arith.muli %add3A_39, %mul3A_40 : i32
      %add3A_42 = arith.constant 1 : i32
      %add3A_43 = arith.addi %mul3A_41, %add3A_42 : i32
      "tpu.region"() ({
        %run_scoped3A_145 = tpu.sem_alloc : memref<!tpu.dma_semaphore, #tpu.memory_space<semaphore_mem>>
        %dma_start3A_146 = arith.constant 0 : i32
        %dma_start3A_147 = tpu.memref_slice %arg2[%add3A, %add3A_43, %dma_start3A_146] : memref<32x26x128xi32, #tpu.memory_space<hbm>> -> memref<1x1x128xi32, #tpu.memory_space<hbm>>
        %dma_start3A_148 = tpu.memref_squeeze %dma_start3A_147 : memref<1x1x128xi32, #tpu.memory_space<hbm>> -> memref<128xi32, #tpu.memory_space<hbm>>
        %dma_start3A_149 = arith.constant 0 : i32
        %dma_start3A_150 = tpu.memref_slice %arg2[%add3A, %add3A_43, %dma_start3A_149] : memref<32x26x128xi32, #tpu.memory_space<hbm>> -> memref<1x1x128xi32, #tpu.memory_space<hbm>>
        %dma_start3A_151 = tpu.memref_squeeze %dma_start3A_150 : memref<1x1x128xi32, #tpu.memory_space<hbm>> -> memref<128xi32, #tpu.memory_space<hbm>>
        tpu.enqueue_dma source(%dma_start3A_151 : memref<128xi32, #tpu.memory_space<hbm>>) target(%arg8 : memref<128xi32, #tpu.memory_space<vmem>>) target_semaphore(%run_scoped3A_145 : memref<!tpu.dma_semaphore, #tpu.memory_space<semaphore_mem>>)
        %dma_wait3A_152 = arith.constant 0 : i32
        %dma_wait3A_153 = tpu.memref_slice %arg2[%add3A, %add3A_43, %dma_wait3A_152] : memref<32x26x128xi32, #tpu.memory_space<hbm>> -> memref<1x1x128xi32, #tpu.memory_space<hbm>>
        %dma_wait3A_154 = tpu.memref_squeeze %dma_wait3A_153 : memref<1x1x128xi32, #tpu.memory_space<hbm>> -> memref<128xi32, #tpu.memory_space<hbm>>
        %dma_wait3A_155 = arith.constant 0 : i32
        %dma_wait3A_156 = tpu.memref_slice %arg2[%add3A, %add3A_43, %dma_wait3A_155] : memref<32x26x128xi32, #tpu.memory_space<hbm>> -> memref<1x1x128xi32, #tpu.memory_space<hbm>>
        %dma_wait3A_157 = tpu.memref_squeeze %dma_wait3A_156 : memref<1x1x128xi32, #tpu.memory_space<hbm>> -> memref<128xi32, #tpu.memory_space<hbm>>
        tpu.wait_dma2 semaphore(%run_scoped3A_145 : memref<!tpu.dma_semaphore, #tpu.memory_space<semaphore_mem>>) src(%dma_wait3A_157 : memref<128xi32, #tpu.memory_space<hbm>>) dst(%arg8 : memref<128xi32, #tpu.memory_space<vmem>>)
        tpu.yield
      }) : () -> ()
      "tpu.region"() ({
        %run_scoped3A_145 = tpu.sem_alloc : memref<!tpu.dma_semaphore, #tpu.memory_space<semaphore_mem>>
        %dma_start3A_146 = arith.constant 0 : i32
        %dma_start3A_147 = tpu.memref_slice %arg3[%add3A, %add3A_43, %dma_start3A_146] : memref<32x26x128xi32, #tpu.memory_space<hbm>> -> memref<1x1x128xi32, #tpu.memory_space<hbm>>
        %dma_start3A_148 = tpu.memref_squeeze %dma_start3A_147 : memref<1x1x128xi32, #tpu.memory_space<hbm>> -> memref<128xi32, #tpu.memory_space<hbm>>
        %dma_start3A_149 = arith.constant 0 : i32
        %dma_start3A_150 = tpu.memref_slice %arg3[%add3A, %add3A_43, %dma_start3A_149] : memref<32x26x128xi32, #tpu.memory_space<hbm>> -> memref<1x1x128xi32, #tpu.memory_space<hbm>>
        %dma_start3A_151 = tpu.memref_squeeze %dma_start3A_150 : memref<1x1x128xi32, #tpu.memory_space<hbm>> -> memref<128xi32, #tpu.memory_space<hbm>>
        tpu.enqueue_dma source(%dma_start3A_151 : memref<128xi32, #tpu.memory_space<hbm>>) target(%arg9 : memref<128xi32, #tpu.memory_space<vmem>>) target_semaphore(%run_scoped3A_145 : memref<!tpu.dma_semaphore, #tpu.memory_space<semaphore_mem>>)
        %dma_wait3A_152 = arith.constant 0 : i32
        %dma_wait3A_153 = tpu.memref_slice %arg3[%add3A, %add3A_43, %dma_wait3A_152] : memref<32x26x128xi32, #tpu.memory_space<hbm>> -> memref<1x1x128xi32, #tpu.memory_space<hbm>>
        %dma_wait3A_154 = tpu.memref_squeeze %dma_wait3A_153 : memref<1x1x128xi32, #tpu.memory_space<hbm>> -> memref<128xi32, #tpu.memory_space<hbm>>
        %dma_wait3A_155 = arith.constant 0 : i32
        %dma_wait3A_156 = tpu.memref_slice %arg3[%add3A, %add3A_43, %dma_wait3A_155] : memref<32x26x128xi32, #tpu.memory_space<hbm>> -> memref<1x1x128xi32, #tpu.memory_space<hbm>>
        %dma_wait3A_157 = tpu.memref_squeeze %dma_wait3A_156 : memref<1x1x128xi32, #tpu.memory_space<hbm>> -> memref<128xi32, #tpu.memory_space<hbm>>
        tpu.wait_dma2 semaphore(%run_scoped3A_145 : memref<!tpu.dma_semaphore, #tpu.memory_space<semaphore_mem>>) src(%dma_wait3A_157 : memref<128xi32, #tpu.memory_space<hbm>>) dst(%arg9 : memref<128xi32, #tpu.memory_space<vmem>>)
        tpu.yield
      }) : () -> ()
      %dma_start3A_44 = arith.constant 0 : i32
      %dma_start3A_45 = arith.constant 0 : i32
      %dma_start3A_46 = tpu.memref_slice %arg4[%dma_start3A_44, %dma_start3A_45] : memref<10000x128xf32, #tpu.memory_space<hbm>> -> memref<10000x128xf32, #tpu.memory_space<hbm>>
      tpu.enqueue_indirect_dma source(%dma_start3A_46 : memref<10000x128xf32, #tpu.memory_space<hbm>>) target(%arg12 : memref<128x128xf32, #tpu.memory_space<vmem>>) offsets(%arg8 : memref<128xi32, #tpu.memory_space<vmem>>) semaphore(%arg17 : memref<!tpu.dma_semaphore, #tpu.memory_space<semaphore_mem>>)
      %dma_start3A_47 = arith.constant 0 : i32
      %dma_start3A_48 = arith.constant 0 : i32
      %dma_start3A_49 = tpu.memref_slice %arg4[%dma_start3A_47, %dma_start3A_48] : memref<10000x128xf32, #tpu.memory_space<hbm>> -> memref<10000x128xf32, #tpu.memory_space<hbm>>
      tpu.enqueue_indirect_dma source(%dma_start3A_49 : memref<10000x128xf32, #tpu.memory_space<hbm>>) target(%arg13 : memref<128x128xf32, #tpu.memory_space<vmem>>) offsets(%arg9 : memref<128xi32, #tpu.memory_space<vmem>>) semaphore(%arg18 : memref<!tpu.dma_semaphore, #tpu.memory_space<semaphore_mem>>)
      %dma_wait3A = arith.constant 0 : i32
      %dma_wait3A_50 = arith.constant 0 : i32
      %dma_wait3A_51 = tpu.memref_slice %arg4[%dma_wait3A, %dma_wait3A_50] : memref<10000x128xf32, #tpu.memory_space<hbm>> -> memref<10000x128xf32, #tpu.memory_space<hbm>>
      tpu.wait_indirect_dma semaphore(%arg15 : memref<!tpu.dma_semaphore, #tpu.memory_space<semaphore_mem>>) src(%dma_wait3A_51 : memref<10000x128xf32, #tpu.memory_space<hbm>>) dst(%arg10 : memref<128x128xf32, #tpu.memory_space<vmem>>)
      %dma_wait3A_52 = arith.constant 0 : i32
      %dma_wait3A_53 = arith.constant 0 : i32
      %dma_wait3A_54 = tpu.memref_slice %arg4[%dma_wait3A_52, %dma_wait3A_53] : memref<10000x128xf32, #tpu.memory_space<hbm>> -> memref<10000x128xf32, #tpu.memory_space<hbm>>
      tpu.wait_indirect_dma semaphore(%arg16 : memref<!tpu.dma_semaphore, #tpu.memory_space<semaphore_mem>>) src(%dma_wait3A_54 : memref<10000x128xf32, #tpu.memory_space<hbm>>) dst(%arg11 : memref<128x128xf32, #tpu.memory_space<vmem>>)
      %broadcast_in_dim3A = arith.constant 0.000000e+00 : f32
      %broadcast_in_dim3A_55 = vector.broadcast %broadcast_in_dim3A : f32 to vector<16xf32>
      %broadcast_in_dim3A_56 = arith.constant 0.000000e+00 : f32
      %broadcast_in_dim3A_57 = vector.broadcast %broadcast_in_dim3A_56 : f32 to vector<16xf32>
      %broadcast_in_dim3A_58 = arith.constant 0.000000e+00 : f32
      %broadcast_in_dim3A_59 = vector.broadcast %broadcast_in_dim3A_58 : f32 to vector<16xf32>
      %broadcast_in_dim3A_60 = arith.constant 0.000000e+00 : f32
      %broadcast_in_dim3A_61 = vector.broadcast %broadcast_in_dim3A_60 : f32 to vector<16xf32>
      %broadcast_in_dim3A_62 = arith.constant 0.000000e+00 : f32
      %broadcast_in_dim3A_63 = vector.broadcast %broadcast_in_dim3A_62 : f32 to vector<16xf32>
      %broadcast_in_dim3A_64 = arith.constant 0.000000e+00 : f32
      %broadcast_in_dim3A_65 = vector.broadcast %broadcast_in_dim3A_64 : f32 to vector<16xf32>
      %broadcast_in_dim3A_66 = arith.constant 0.000000e+00 : f32
      %broadcast_in_dim3A_67 = vector.broadcast %broadcast_in_dim3A_66 : f32 to vector<16xf32>
      %broadcast_in_dim3A_68 = arith.constant 0.000000e+00 : f32
      %broadcast_in_dim3A_69 = vector.broadcast %broadcast_in_dim3A_68 : f32 to vector<16xf32>
      %broadcast_in_dim3A_70 = arith.constant 0 : i32
      %broadcast_in_dim3A_71 = vector.broadcast %broadcast_in_dim3A_70 : i32 to vector<16xi32>
      %scan3A_72 = arith.constant 0 : i32
      %scan3A_73 = arith.constant 32 : i32
      %scan3A_74 = arith.addi %scan3A_72, %scan3A_73 : i32
      %scan3A_75 = arith.constant 1 : i32
      %scan3A_76:9 = scf.for %scan3A_145 = %scan3A_72 to %scan3A_74 step %scan3A_75 iter_args(%scan3A_146 = %broadcast_in_dim3A_55, %scan3A_147 = %broadcast_in_dim3A_57, %scan3A_148 = %broadcast_in_dim3A_59, %scan3A_149 = %broadcast_in_dim3A_61, %scan3A_150 = %broadcast_in_dim3A_63, %scan3A_151 = %broadcast_in_dim3A_65, %scan3A_152 = %broadcast_in_dim3A_67, %scan3A_153 = %broadcast_in_dim3A_69, %scan3A_154 = %broadcast_in_dim3A_71) -> (vector<16xf32>, vector<16xf32>, vector<16xf32>, vector<16xf32>, vector<16xf32>, vector<16xf32>, vector<16xf32>, vector<16xf32>, vector<16xi32>)  : i32 {
        %add3A_155 = arith.constant 0 : i32
        %add3A_156 = vector.broadcast %add3A_155 : i32 to vector<16xi32>
        %add3A_157 = arith.addi %scan3A_154, %add3A_156 : vector<16xi32>
        %gather3A = tpu.vector_load_idx %arg10[%add3A_3, %add3A_157] : memref<128x128xf32, #tpu.memory_space<vmem>>[vector<16xi32>, vector<16xi32>], vector<16xf32>,
        %gather3A_158 = tpu.vector_load_idx %arg11[%add3A_3, %add3A_157] : memref<128x128xf32, #tpu.memory_space<vmem>>[vector<16xi32>, vector<16xi32>], vector<16xf32>,
        %mul3A_159 = arith.mulf %gather3A, %gather3A_158 : vector<16xf32>
        %add3A_160 = arith.addf %scan3A_146, %mul3A_159 : vector<16xf32>
        %gather3A_161 = tpu.vector_load_idx %arg10[%add3A_6, %add3A_157] : memref<128x128xf32, #tpu.memory_space<vmem>>[vector<16xi32>, vector<16xi32>], vector<16xf32>,
        %gather3A_162 = tpu.vector_load_idx %arg11[%add3A_6, %add3A_157] : memref<128x128xf32, #tpu.memory_space<vmem>>[vector<16xi32>, vector<16xi32>], vector<16xf32>,
        %mul3A_163 = arith.mulf %gather3A_161, %gather3A_162 : vector<16xf32>
        %add3A_164 = arith.addf %scan3A_147, %mul3A_163 : vector<16xf32>
        %gather3A_165 = tpu.vector_load_idx %arg10[%add3A_9, %add3A_157] : memref<128x128xf32, #tpu.memory_space<vmem>>[vector<16xi32>, vector<16xi32>], vector<16xf32>,
        %gather3A_166 = tpu.vector_load_idx %arg11[%add3A_9, %add3A_157] : memref<128x128xf32, #tpu.memory_space<vmem>>[vector<16xi32>, vector<16xi32>], vector<16xf32>,
        %mul3A_167 = arith.mulf %gather3A_165, %gather3A_166 : vector<16xf32>
        %add3A_168 = arith.addf %scan3A_148, %mul3A_167 : vector<16xf32>
        %gather3A_169 = tpu.vector_load_idx %arg10[%add3A_12, %add3A_157] : memref<128x128xf32, #tpu.memory_space<vmem>>[vector<16xi32>, vector<16xi32>], vector<16xf32>,
        %gather3A_170 = tpu.vector_load_idx %arg11[%add3A_12, %add3A_157] : memref<128x128xf32, #tpu.memory_space<vmem>>[vector<16xi32>, vector<16xi32>], vector<16xf32>,
        %mul3A_171 = arith.mulf %gather3A_169, %gather3A_170 : vector<16xf32>
        %add3A_172 = arith.addf %scan3A_149, %mul3A_171 : vector<16xf32>
        %gather3A_173 = tpu.vector_load_idx %arg10[%add3A_15, %add3A_157] : memref<128x128xf32, #tpu.memory_space<vmem>>[vector<16xi32>, vector<16xi32>], vector<16xf32>,
        %gather3A_174 = tpu.vector_load_idx %arg11[%add3A_15, %add3A_157] : memref<128x128xf32, #tpu.memory_space<vmem>>[vector<16xi32>, vector<16xi32>], vector<16xf32>,
        %mul3A_175 = arith.mulf %gather3A_173, %gather3A_174 : vector<16xf32>
        %add3A_176 = arith.addf %scan3A_150, %mul3A_175 : vector<16xf32>
        %gather3A_177 = tpu.vector_load_idx %arg10[%add3A_18, %add3A_157] : memref<128x128xf32, #tpu.memory_space<vmem>>[vector<16xi32>, vector<16xi32>], vector<16xf32>,
        %gather3A_178 = tpu.vector_load_idx %arg11[%add3A_18, %add3A_157] : memref<128x128xf32, #tpu.memory_space<vmem>>[vector<16xi32>, vector<16xi32>], vector<16xf32>,
        %mul3A_179 = arith.mulf %gather3A_177, %gather3A_178 : vector<16xf32>
        %add3A_180 = arith.addf %scan3A_151, %mul3A_179 : vector<16xf32>
        %gather3A_181 = tpu.vector_load_idx %arg10[%add3A_21, %add3A_157] : memref<128x128xf32, #tpu.memory_space<vmem>>[vector<16xi32>, vector<16xi32>], vector<16xf32>,
        %gather3A_182 = tpu.vector_load_idx %arg11[%add3A_21, %add3A_157] : memref<128x128xf32, #tpu.memory_space<vmem>>[vector<16xi32>, vector<16xi32>], vector<16xf32>,
        %mul3A_183 = arith.mulf %gather3A_181, %gather3A_182 : vector<16xf32>
        %add3A_184 = arith.addf %scan3A_152, %mul3A_183 : vector<16xf32>
        %gather3A_185 = tpu.vector_load_idx %arg10[%add3A_24, %add3A_157] : memref<128x128xf32, #tpu.memory_space<vmem>>[vector<16xi32>, vector<16xi32>], vector<16xf32>,
        %gather3A_186 = tpu.vector_load_idx %arg11[%add3A_24, %add3A_157] : memref<128x128xf32, #tpu.memory_space<vmem>>[vector<16xi32>, vector<16xi32>], vector<16xf32>,
        %mul3A_187 = arith.mulf %gather3A_185, %gather3A_186 : vector<16xf32>
        %add3A_188 = arith.addf %scan3A_153, %mul3A_187 : vector<16xf32>
        %add3A_189 = arith.constant 1 : i32
        %add3A_190 = vector.broadcast %add3A_189 : i32 to vector<16xi32>
        %add3A_191 = arith.addi %scan3A_154, %add3A_190 : vector<16xi32>
        %gather3A_192 = tpu.vector_load_idx %arg10[%add3A_3, %add3A_191] : memref<128x128xf32, #tpu.memory_space<vmem>>[vector<16xi32>, vector<16xi32>], vector<16xf32>,
        %gather3A_193 = tpu.vector_load_idx %arg11[%add3A_3, %add3A_191] : memref<128x128xf32, #tpu.memory_space<vmem>>[vector<16xi32>, vector<16xi32>], vector<16xf32>,
        %mul3A_194 = arith.mulf %gather3A_192, %gather3A_193 : vector<16xf32>
        %add3A_195 = arith.addf %add3A_160, %mul3A_194 : vector<16xf32>
        %gather3A_196 = tpu.vector_load_idx %arg10[%add3A_6, %add3A_191] : memref<128x128xf32, #tpu.memory_space<vmem>>[vector<16xi32>, vector<16xi32>], vector<16xf32>,
        %gather3A_197 = tpu.vector_load_idx %arg11[%add3A_6, %add3A_191] : memref<128x128xf32, #tpu.memory_space<vmem>>[vector<16xi32>, vector<16xi32>], vector<16xf32>,
        %mul3A_198 = arith.mulf %gather3A_196, %gather3A_197 : vector<16xf32>
        %add3A_199 = arith.addf %add3A_164, %mul3A_198 : vector<16xf32>
        %gather3A_200 = tpu.vector_load_idx %arg10[%add3A_9, %add3A_191] : memref<128x128xf32, #tpu.memory_space<vmem>>[vector<16xi32>, vector<16xi32>], vector<16xf32>,
        %gather3A_201 = tpu.vector_load_idx %arg11[%add3A_9, %add3A_191] : memref<128x128xf32, #tpu.memory_space<vmem>>[vector<16xi32>, vector<16xi32>], vector<16xf32>,
        %mul3A_202 = arith.mulf %gather3A_200, %gather3A_201 : vector<16xf32>
        %add3A_203 = arith.addf %add3A_168, %mul3A_202 : vector<16xf32>
        %gather3A_204 = tpu.vector_load_idx %arg10[%add3A_12, %add3A_191] : memref<128x128xf32, #tpu.memory_space<vmem>>[vector<16xi32>, vector<16xi32>], vector<16xf32>,
        %gather3A_205 = tpu.vector_load_idx %arg11[%add3A_12, %add3A_191] : memref<128x128xf32, #tpu.memory_space<vmem>>[vector<16xi32>, vector<16xi32>], vector<16xf32>,
        %mul3A_206 = arith.mulf %gather3A_204, %gather3A_205 : vector<16xf32>
        %add3A_207 = arith.addf %add3A_172, %mul3A_206 : vector<16xf32>
        %gather3A_208 = tpu.vector_load_idx %arg10[%add3A_15, %add3A_191] : memref<128x128xf32, #tpu.memory_space<vmem>>[vector<16xi32>, vector<16xi32>], vector<16xf32>,
        %gather3A_209 = tpu.vector_load_idx %arg11[%add3A_15, %add3A_191] : memref<128x128xf32, #tpu.memory_space<vmem>>[vector<16xi32>, vector<16xi32>], vector<16xf32>,
        %mul3A_210 = arith.mulf %gather3A_208, %gather3A_209 : vector<16xf32>
        %add3A_211 = arith.addf %add3A_176, %mul3A_210 : vector<16xf32>
        %gather3A_212 = tpu.vector_load_idx %arg10[%add3A_18, %add3A_191] : memref<128x128xf32, #tpu.memory_space<vmem>>[vector<16xi32>, vector<16xi32>], vector<16xf32>,
        %gather3A_213 = tpu.vector_load_idx %arg11[%add3A_18, %add3A_191] : memref<128x128xf32, #tpu.memory_space<vmem>>[vector<16xi32>, vector<16xi32>], vector<16xf32>,
        %mul3A_214 = arith.mulf %gather3A_212, %gather3A_213 : vector<16xf32>
        %add3A_215 = arith.addf %add3A_180, %mul3A_214 : vector<16xf32>
        %gather3A_216 = tpu.vector_load_idx %arg10[%add3A_21, %add3A_191] : memref<128x128xf32, #tpu.memory_space<vmem>>[vector<16xi32>, vector<16xi32>], vector<16xf32>,
        %gather3A_217 = tpu.vector_load_idx %arg11[%add3A_21, %add3A_191] : memref<128x128xf32, #tpu.memory_space<vmem>>[vector<16xi32>, vector<16xi32>], vector<16xf32>,
        %mul3A_218 = arith.mulf %gather3A_216, %gather3A_217 : vector<16xf32>
        %add3A_219 = arith.addf %add3A_184, %mul3A_218 : vector<16xf32>
        %gather3A_220 = tpu.vector_load_idx %arg10[%add3A_24, %add3A_191] : memref<128x128xf32, #tpu.memory_space<vmem>>[vector<16xi32>, vector<16xi32>], vector<16xf32>,
        %gather3A_221 = tpu.vector_load_idx %arg11[%add3A_24, %add3A_191] : memref<128x128xf32, #tpu.memory_space<vmem>>[vector<16xi32>, vector<16xi32>], vector<16xf32>,
        %mul3A_222 = arith.mulf %gather3A_220, %gather3A_221 : vector<16xf32>
        %add3A_223 = arith.addf %add3A_188, %mul3A_222 : vector<16xf32>
        %add3A_224 = arith.constant 2 : i32
        %add3A_225 = vector.broadcast %add3A_224 : i32 to vector<16xi32>
        %add3A_226 = arith.addi %scan3A_154, %add3A_225 : vector<16xi32>
        %gather3A_227 = tpu.vector_load_idx %arg10[%add3A_3, %add3A_226] : memref<128x128xf32, #tpu.memory_space<vmem>>[vector<16xi32>, vector<16xi32>], vector<16xf32>,
        %gather3A_228 = tpu.vector_load_idx %arg11[%add3A_3, %add3A_226] : memref<128x128xf32, #tpu.memory_space<vmem>>[vector<16xi32>, vector<16xi32>], vector<16xf32>,
        %mul3A_229 = arith.mulf %gather3A_227, %gather3A_228 : vector<16xf32>
        %add3A_230 = arith.addf %add3A_195, %mul3A_229 : vector<16xf32>
        %gather3A_231 = tpu.vector_load_idx %arg10[%add3A_6, %add3A_226] : memref<128x128xf32, #tpu.memory_space<vmem>>[vector<16xi32>, vector<16xi32>], vector<16xf32>,
        %gather3A_232 = tpu.vector_load_idx %arg11[%add3A_6, %add3A_226] : memref<128x128xf32, #tpu.memory_space<vmem>>[vector<16xi32>, vector<16xi32>], vector<16xf32>,
        %mul3A_233 = arith.mulf %gather3A_231, %gather3A_232 : vector<16xf32>
        %add3A_234 = arith.addf %add3A_199, %mul3A_233 : vector<16xf32>
        %gather3A_235 = tpu.vector_load_idx %arg10[%add3A_9, %add3A_226] : memref<128x128xf32, #tpu.memory_space<vmem>>[vector<16xi32>, vector<16xi32>], vector<16xf32>,
        %gather3A_236 = tpu.vector_load_idx %arg11[%add3A_9, %add3A_226] : memref<128x128xf32, #tpu.memory_space<vmem>>[vector<16xi32>, vector<16xi32>], vector<16xf32>,
        %mul3A_237 = arith.mulf %gather3A_235, %gather3A_236 : vector<16xf32>
        %add3A_238 = arith.addf %add3A_203, %mul3A_237 : vector<16xf32>
        %gather3A_239 = tpu.vector_load_idx %arg10[%add3A_12, %add3A_226] : memref<128x128xf32, #tpu.memory_space<vmem>>[vector<16xi32>, vector<16xi32>], vector<16xf32>,
        %gather3A_240 = tpu.vector_load_idx %arg11[%add3A_12, %add3A_226] : memref<128x128xf32, #tpu.memory_space<vmem>>[vector<16xi32>, vector<16xi32>], vector<16xf32>,
        %mul3A_241 = arith.mulf %gather3A_239, %gather3A_240 : vector<16xf32>
        %add3A_242 = arith.addf %add3A_207, %mul3A_241 : vector<16xf32>
        %gather3A_243 = tpu.vector_load_idx %arg10[%add3A_15, %add3A_226] : memref<128x128xf32, #tpu.memory_space<vmem>>[vector<16xi32>, vector<16xi32>], vector<16xf32>,
        %gather3A_244 = tpu.vector_load_idx %arg11[%add3A_15, %add3A_226] : memref<128x128xf32, #tpu.memory_space<vmem>>[vector<16xi32>, vector<16xi32>], vector<16xf32>,
        %mul3A_245 = arith.mulf %gather3A_243, %gather3A_244 : vector<16xf32>
        %add3A_246 = arith.addf %add3A_211, %mul3A_245 : vector<16xf32>
        %gather3A_247 = tpu.vector_load_idx %arg10[%add3A_18, %add3A_226] : memref<128x128xf32, #tpu.memory_space<vmem>>[vector<16xi32>, vector<16xi32>], vector<16xf32>,
        %gather3A_248 = tpu.vector_load_idx %arg11[%add3A_18, %add3A_226] : memref<128x128xf32, #tpu.memory_space<vmem>>[vector<16xi32>, vector<16xi32>], vector<16xf32>,
        %mul3A_249 = arith.mulf %gather3A_247, %gather3A_248 : vector<16xf32>
        %add3A_250 = arith.addf %add3A_215, %mul3A_249 : vector<16xf32>
        %gather3A_251 = tpu.vector_load_idx %arg10[%add3A_21, %add3A_226] : memref<128x128xf32, #tpu.memory_space<vmem>>[vector<16xi32>, vector<16xi32>], vector<16xf32>,
        %gather3A_252 = tpu.vector_load_idx %arg11[%add3A_21, %add3A_226] : memref<128x128xf32, #tpu.memory_space<vmem>>[vector<16xi32>, vector<16xi32>], vector<16xf32>,
        %mul3A_253 = arith.mulf %gather3A_251, %gather3A_252 : vector<16xf32>
        %add3A_254 = arith.addf %add3A_219, %mul3A_253 : vector<16xf32>
        %gather3A_255 = tpu.vector_load_idx %arg10[%add3A_24, %add3A_226] : memref<128x128xf32, #tpu.memory_space<vmem>>[vector<16xi32>, vector<16xi32>], vector<16xf32>,
        %gather3A_256 = tpu.vector_load_idx %arg11[%add3A_24, %add3A_226] : memref<128x128xf32, #tpu.memory_space<vmem>>[vector<16xi32>, vector<16xi32>], vector<16xf32>,
        %mul3A_257 = arith.mulf %gather3A_255, %gather3A_256 : vector<16xf32>
        %add3A_258 = arith.addf %add3A_223, %mul3A_257 : vector<16xf32>
        %add3A_259 = arith.constant 3 : i32
        %add3A_260 = vector.broadcast %add3A_259 : i32 to vector<16xi32>
        %add3A_261 = arith.addi %scan3A_154, %add3A_260 : vector<16xi32>
        %gather3A_262 = tpu.vector_load_idx %arg10[%add3A_3, %add3A_261] : memref<128x128xf32, #tpu.memory_space<vmem>>[vector<16xi32>, vector<16xi32>], vector<16xf32>,
        %gather3A_263 = tpu.vector_load_idx %arg11[%add3A_3, %add3A_261] : memref<128x128xf32, #tpu.memory_space<vmem>>[vector<16xi32>, vector<16xi32>], vector<16xf32>,
        %mul3A_264 = arith.mulf %gather3A_262, %gather3A_263 : vector<16xf32>
        %add3A_265 = arith.addf %add3A_230, %mul3A_264 : vector<16xf32>
        %gather3A_266 = tpu.vector_load_idx %arg10[%add3A_6, %add3A_261] : memref<128x128xf32, #tpu.memory_space<vmem>>[vector<16xi32>, vector<16xi32>], vector<16xf32>,
        %gather3A_267 = tpu.vector_load_idx %arg11[%add3A_6, %add3A_261] : memref<128x128xf32, #tpu.memory_space<vmem>>[vector<16xi32>, vector<16xi32>], vector<16xf32>,
        %mul3A_268 = arith.mulf %gather3A_266, %gather3A_267 : vector<16xf32>
        %add3A_269 = arith.addf %add3A_234, %mul3A_268 : vector<16xf32>
        %gather3A_270 = tpu.vector_load_idx %arg10[%add3A_9, %add3A_261] : memref<128x128xf32, #tpu.memory_space<vmem>>[vector<16xi32>, vector<16xi32>], vector<16xf32>,
        %gather3A_271 = tpu.vector_load_idx %arg11[%add3A_9, %add3A_261] : memref<128x128xf32, #tpu.memory_space<vmem>>[vector<16xi32>, vector<16xi32>], vector<16xf32>,
        %mul3A_272 = arith.mulf %gather3A_270, %gather3A_271 : vector<16xf32>
        %add3A_273 = arith.addf %add3A_238, %mul3A_272 : vector<16xf32>
        %gather3A_274 = tpu.vector_load_idx %arg10[%add3A_12, %add3A_261] : memref<128x128xf32, #tpu.memory_space<vmem>>[vector<16xi32>, vector<16xi32>], vector<16xf32>,
        %gather3A_275 = tpu.vector_load_idx %arg11[%add3A_12, %add3A_261] : memref<128x128xf32, #tpu.memory_space<vmem>>[vector<16xi32>, vector<16xi32>], vector<16xf32>,
        %mul3A_276 = arith.mulf %gather3A_274, %gather3A_275 : vector<16xf32>
        %add3A_277 = arith.addf %add3A_242, %mul3A_276 : vector<16xf32>
        %gather3A_278 = tpu.vector_load_idx %arg10[%add3A_15, %add3A_261] : memref<128x128xf32, #tpu.memory_space<vmem>>[vector<16xi32>, vector<16xi32>], vector<16xf32>,
        %gather3A_279 = tpu.vector_load_idx %arg11[%add3A_15, %add3A_261] : memref<128x128xf32, #tpu.memory_space<vmem>>[vector<16xi32>, vector<16xi32>], vector<16xf32>,
        %mul3A_280 = arith.mulf %gather3A_278, %gather3A_279 : vector<16xf32>
        %add3A_281 = arith.addf %add3A_246, %mul3A_280 : vector<16xf32>
        %gather3A_282 = tpu.vector_load_idx %arg10[%add3A_18, %add3A_261] : memref<128x128xf32, #tpu.memory_space<vmem>>[vector<16xi32>, vector<16xi32>], vector<16xf32>,
        %gather3A_283 = tpu.vector_load_idx %arg11[%add3A_18, %add3A_261] : memref<128x128xf32, #tpu.memory_space<vmem>>[vector<16xi32>, vector<16xi32>], vector<16xf32>,
        %mul3A_284 = arith.mulf %gather3A_282, %gather3A_283 : vector<16xf32>
        %add3A_285 = arith.addf %add3A_250, %mul3A_284 : vector<16xf32>
        %gather3A_286 = tpu.vector_load_idx %arg10[%add3A_21, %add3A_261] : memref<128x128xf32, #tpu.memory_space<vmem>>[vector<16xi32>, vector<16xi32>], vector<16xf32>,
        %gather3A_287 = tpu.vector_load_idx %arg11[%add3A_21, %add3A_261] : memref<128x128xf32, #tpu.memory_space<vmem>>[vector<16xi32>, vector<16xi32>], vector<16xf32>,
        %mul3A_288 = arith.mulf %gather3A_286, %gather3A_287 : vector<16xf32>
        %add3A_289 = arith.addf %add3A_254, %mul3A_288 : vector<16xf32>
        %gather3A_290 = tpu.vector_load_idx %arg10[%add3A_24, %add3A_261] : memref<128x128xf32, #tpu.memory_space<vmem>>[vector<16xi32>, vector<16xi32>], vector<16xf32>,
        %gather3A_291 = tpu.vector_load_idx %arg11[%add3A_24, %add3A_261] : memref<128x128xf32, #tpu.memory_space<vmem>>[vector<16xi32>, vector<16xi32>], vector<16xf32>,
        %mul3A_292 = arith.mulf %gather3A_290, %gather3A_291 : vector<16xf32>
        %add3A_293 = arith.addf %add3A_258, %mul3A_292 : vector<16xf32>
        %add3A_294 = arith.constant 4 : i32
        %add3A_295 = vector.broadcast %add3A_294 : i32 to vector<16xi32>
        %add3A_296 = arith.addi %scan3A_154, %add3A_295 : vector<16xi32>
        scf.yield %add3A_265, %add3A_269, %add3A_273, %add3A_277, %add3A_281, %add3A_285, %add3A_289, %add3A_293, %add3A_296 : vector<16xf32>, vector<16xf32>, vector<16xf32>, vector<16xf32>, vector<16xf32>, vector<16xf32>, vector<16xf32>, vector<16xf32>, vector<16xi32>
      }
      %scan3A_77 = arith.constant 32 : i32
      %swap3A = arith.constant 0 : index
      %swap3A_78 = tpu.vector_load %arg14[%swap3A] {strides = array<i32>} : memref<128xf32, #tpu.memory_space<vmem>>, vector<16xf32>,
      tpu.vector_store %arg14[%swap3A], %scan3A_76#0 {strides = array<i32>} : memref<128xf32, #tpu.memory_space<vmem>>, vector<16xf32>,
      %swap3A_79 = arith.constant 16 : index
      %swap3A_80 = tpu.vector_load %arg14[%swap3A_79] {strides = array<i32>} : memref<128xf32, #tpu.memory_space<vmem>>, vector<16xf32>,
      tpu.vector_store %arg14[%swap3A_79], %scan3A_76#1 {strides = array<i32>} : memref<128xf32, #tpu.memory_space<vmem>>, vector<16xf32>,
      %swap3A_81 = arith.constant 32 : index
      %swap3A_82 = tpu.vector_load %arg14[%swap3A_81] {strides = array<i32>} : memref<128xf32, #tpu.memory_space<vmem>>, vector<16xf32>,
      tpu.vector_store %arg14[%swap3A_81], %scan3A_76#2 {strides = array<i32>} : memref<128xf32, #tpu.memory_space<vmem>>, vector<16xf32>,
      %swap3A_83 = arith.constant 48 : index
      %swap3A_84 = tpu.vector_load %arg14[%swap3A_83] {strides = array<i32>} : memref<128xf32, #tpu.memory_space<vmem>>, vector<16xf32>,
      tpu.vector_store %arg14[%swap3A_83], %scan3A_76#3 {strides = array<i32>} : memref<128xf32, #tpu.memory_space<vmem>>, vector<16xf32>,
      %swap3A_85 = arith.constant 64 : index
      %swap3A_86 = tpu.vector_load %arg14[%swap3A_85] {strides = array<i32>} : memref<128xf32, #tpu.memory_space<vmem>>, vector<16xf32>,
      tpu.vector_store %arg14[%swap3A_85], %scan3A_76#4 {strides = array<i32>} : memref<128xf32, #tpu.memory_space<vmem>>, vector<16xf32>,
      %swap3A_87 = arith.constant 80 : index
      %swap3A_88 = tpu.vector_load %arg14[%swap3A_87] {strides = array<i32>} : memref<128xf32, #tpu.memory_space<vmem>>, vector<16xf32>,
      tpu.vector_store %arg14[%swap3A_87], %scan3A_76#5 {strides = array<i32>} : memref<128xf32, #tpu.memory_space<vmem>>, vector<16xf32>,
      %swap3A_89 = arith.constant 96 : index
      %swap3A_90 = tpu.vector_load %arg14[%swap3A_89] {strides = array<i32>} : memref<128xf32, #tpu.memory_space<vmem>>, vector<16xf32>,
      tpu.vector_store %arg14[%swap3A_89], %scan3A_76#6 {strides = array<i32>} : memref<128xf32, #tpu.memory_space<vmem>>, vector<16xf32>,
      %swap3A_91 = arith.constant 112 : index
      %swap3A_92 = tpu.vector_load %arg14[%swap3A_91] {strides = array<i32>} : memref<128xf32, #tpu.memory_space<vmem>>, vector<16xf32>,
      tpu.vector_store %arg14[%swap3A_91], %scan3A_76#7 {strides = array<i32>} : memref<128xf32, #tpu.memory_space<vmem>>, vector<16xf32>,
      "tpu.region"() ({
        %run_scoped3A_145 = tpu.sem_alloc : memref<!tpu.dma_semaphore, #tpu.memory_space<semaphore_mem>>
        %dma_start3A_146 = arith.constant 0 : i32
        %dma_start3A_147 = tpu.memref_slice %arg5[%add3A, %mul3A_41, %dma_start3A_146] : memref<32x26x128xf32, #tpu.memory_space<hbm>> -> memref<1x1x128xf32, #tpu.memory_space<hbm>>
        %dma_start3A_148 = tpu.memref_squeeze %dma_start3A_147 : memref<1x1x128xf32, #tpu.memory_space<hbm>> -> memref<128xf32, #tpu.memory_space<hbm>>
        %dma_start3A_149 = arith.constant 0 : i32
        %dma_start3A_150 = tpu.memref_slice %arg5[%add3A, %mul3A_41, %dma_start3A_149] : memref<32x26x128xf32, #tpu.memory_space<hbm>> -> memref<1x1x128xf32, #tpu.memory_space<hbm>>
        %dma_start3A_151 = tpu.memref_squeeze %dma_start3A_150 : memref<1x1x128xf32, #tpu.memory_space<hbm>> -> memref<128xf32, #tpu.memory_space<hbm>>
        tpu.enqueue_dma source(%arg14 : memref<128xf32, #tpu.memory_space<vmem>>) target(%dma_start3A_151 : memref<128xf32, #tpu.memory_space<hbm>>) target_semaphore(%run_scoped3A_145 : memref<!tpu.dma_semaphore, #tpu.memory_space<semaphore_mem>>)
        %dma_wait3A_152 = arith.constant 0 : i32
        %dma_wait3A_153 = tpu.memref_slice %arg5[%add3A, %mul3A_41, %dma_wait3A_152] : memref<32x26x128xf32, #tpu.memory_space<hbm>> -> memref<1x1x128xf32, #tpu.memory_space<hbm>>
        %dma_wait3A_154 = tpu.memref_squeeze %dma_wait3A_153 : memref<1x1x128xf32, #tpu.memory_space<hbm>> -> memref<128xf32, #tpu.memory_space<hbm>>
        %dma_wait3A_155 = arith.constant 0 : i32
        %dma_wait3A_156 = tpu.memref_slice %arg5[%add3A, %mul3A_41, %dma_wait3A_155] : memref<32x26x128xf32, #tpu.memory_space<hbm>> -> memref<1x1x128xf32, #tpu.memory_space<hbm>>
        %dma_wait3A_157 = tpu.memref_squeeze %dma_wait3A_156 : memref<1x1x128xf32, #tpu.memory_space<hbm>> -> memref<128xf32, #tpu.memory_space<hbm>>
        tpu.wait_dma2 semaphore(%run_scoped3A_145 : memref<!tpu.dma_semaphore, #tpu.memory_space<semaphore_mem>>) src(%arg14 : memref<128xf32, #tpu.memory_space<vmem>>) dst(%dma_wait3A_157 : memref<128xf32, #tpu.memory_space<hbm>>)
        tpu.yield
      }) : () -> ()
      %add3A_93 = arith.constant 2 : i32
      %add3A_94 = arith.addi %mul3A_41, %add3A_93 : i32
      %lt3A = arith.constant 26 : i32
      %lt3A_95 = arith.cmpi slt, %add3A_94, %lt3A : i32
      %convert_element_type3A = arith.extui %lt3A_95 : i1 to i32
      %cond3A = arith.constant 0 : i32
      %cond3A_96 = arith.cmpi ne, %convert_element_type3A, %cond3A : i32
      scf.if %cond3A_96 {
        %add3A_145 = arith.constant 2 : i32
        %add3A_146 = arith.addi %mul3A_41, %add3A_145 : i32
        "tpu.region"() ({
          %run_scoped3A_153 = tpu.sem_alloc : memref<!tpu.dma_semaphore, #tpu.memory_space<semaphore_mem>>
          %dma_start3A_154 = arith.constant 0 : i32
          %dma_start3A_155 = tpu.memref_slice %arg2[%add3A, %add3A_146, %dma_start3A_154] : memref<32x26x128xi32, #tpu.memory_space<hbm>> -> memref<1x1x128xi32, #tpu.memory_space<hbm>>
          %dma_start3A_156 = tpu.memref_squeeze %dma_start3A_155 : memref<1x1x128xi32, #tpu.memory_space<hbm>> -> memref<128xi32, #tpu.memory_space<hbm>>
          %dma_start3A_157 = arith.constant 0 : i32
          %dma_start3A_158 = tpu.memref_slice %arg2[%add3A, %add3A_146, %dma_start3A_157] : memref<32x26x128xi32, #tpu.memory_space<hbm>> -> memref<1x1x128xi32, #tpu.memory_space<hbm>>
          %dma_start3A_159 = tpu.memref_squeeze %dma_start3A_158 : memref<1x1x128xi32, #tpu.memory_space<hbm>> -> memref<128xi32, #tpu.memory_space<hbm>>
          tpu.enqueue_dma source(%dma_start3A_159 : memref<128xi32, #tpu.memory_space<hbm>>) target(%arg6 : memref<128xi32, #tpu.memory_space<vmem>>) target_semaphore(%run_scoped3A_153 : memref<!tpu.dma_semaphore, #tpu.memory_space<semaphore_mem>>)
          %dma_wait3A_160 = arith.constant 0 : i32
          %dma_wait3A_161 = tpu.memref_slice %arg2[%add3A, %add3A_146, %dma_wait3A_160] : memref<32x26x128xi32, #tpu.memory_space<hbm>> -> memref<1x1x128xi32, #tpu.memory_space<hbm>>
          %dma_wait3A_162 = tpu.memref_squeeze %dma_wait3A_161 : memref<1x1x128xi32, #tpu.memory_space<hbm>> -> memref<128xi32, #tpu.memory_space<hbm>>
          %dma_wait3A_163 = arith.constant 0 : i32
          %dma_wait3A_164 = tpu.memref_slice %arg2[%add3A, %add3A_146, %dma_wait3A_163] : memref<32x26x128xi32, #tpu.memory_space<hbm>> -> memref<1x1x128xi32, #tpu.memory_space<hbm>>
          %dma_wait3A_165 = tpu.memref_squeeze %dma_wait3A_164 : memref<1x1x128xi32, #tpu.memory_space<hbm>> -> memref<128xi32, #tpu.memory_space<hbm>>
          tpu.wait_dma2 semaphore(%run_scoped3A_153 : memref<!tpu.dma_semaphore, #tpu.memory_space<semaphore_mem>>) src(%dma_wait3A_165 : memref<128xi32, #tpu.memory_space<hbm>>) dst(%arg6 : memref<128xi32, #tpu.memory_space<vmem>>)
          tpu.yield
        }) : () -> ()
        "tpu.region"() ({
          %run_scoped3A_153 = tpu.sem_alloc : memref<!tpu.dma_semaphore, #tpu.memory_space<semaphore_mem>>
          %dma_start3A_154 = arith.constant 0 : i32
          %dma_start3A_155 = tpu.memref_slice %arg3[%add3A, %add3A_146, %dma_start3A_154] : memref<32x26x128xi32, #tpu.memory_space<hbm>> -> memref<1x1x128xi32, #tpu.memory_space<hbm>>
          %dma_start3A_156 = tpu.memref_squeeze %dma_start3A_155 : memref<1x1x128xi32, #tpu.memory_space<hbm>> -> memref<128xi32, #tpu.memory_space<hbm>>
          %dma_start3A_157 = arith.constant 0 : i32
          %dma_start3A_158 = tpu.memref_slice %arg3[%add3A, %add3A_146, %dma_start3A_157] : memref<32x26x128xi32, #tpu.memory_space<hbm>> -> memref<1x1x128xi32, #tpu.memory_space<hbm>>
          %dma_start3A_159 = tpu.memref_squeeze %dma_start3A_158 : memref<1x1x128xi32, #tpu.memory_space<hbm>> -> memref<128xi32, #tpu.memory_space<hbm>>
          tpu.enqueue_dma source(%dma_start3A_159 : memref<128xi32, #tpu.memory_space<hbm>>) target(%arg7 : memref<128xi32, #tpu.memory_space<vmem>>) target_semaphore(%run_scoped3A_153 : memref<!tpu.dma_semaphore, #tpu.memory_space<semaphore_mem>>)
          %dma_wait3A_160 = arith.constant 0 : i32
          %dma_wait3A_161 = tpu.memref_slice %arg3[%add3A, %add3A_146, %dma_wait3A_160] : memref<32x26x128xi32, #tpu.memory_space<hbm>> -> memref<1x1x128xi32, #tpu.memory_space<hbm>>
          %dma_wait3A_162 = tpu.memref_squeeze %dma_wait3A_161 : memref<1x1x128xi32, #tpu.memory_space<hbm>> -> memref<128xi32, #tpu.memory_space<hbm>>
          %dma_wait3A_163 = arith.constant 0 : i32
          %dma_wait3A_164 = tpu.memref_slice %arg3[%add3A, %add3A_146, %dma_wait3A_163] : memref<32x26x128xi32, #tpu.memory_space<hbm>> -> memref<1x1x128xi32, #tpu.memory_space<hbm>>
          %dma_wait3A_165 = tpu.memref_squeeze %dma_wait3A_164 : memref<1x1x128xi32, #tpu.memory_space<hbm>> -> memref<128xi32, #tpu.memory_space<hbm>>
          tpu.wait_dma2 semaphore(%run_scoped3A_153 : memref<!tpu.dma_semaphore, #tpu.memory_space<semaphore_mem>>) src(%dma_wait3A_165 : memref<128xi32, #tpu.memory_space<hbm>>) dst(%arg7 : memref<128xi32, #tpu.memory_space<vmem>>)
          tpu.yield
        }) : () -> ()
        %dma_start3A_147 = arith.constant 0 : i32
        %dma_start3A_148 = arith.constant 0 : i32
        %dma_start3A_149 = tpu.memref_slice %arg4[%dma_start3A_147, %dma_start3A_148] : memref<10000x128xf32, #tpu.memory_space<hbm>> -> memref<10000x128xf32, #tpu.memory_space<hbm>>
        tpu.enqueue_indirect_dma source(%dma_start3A_149 : memref<10000x128xf32, #tpu.memory_space<hbm>>) target(%arg10 : memref<128x128xf32, #tpu.memory_space<vmem>>) offsets(%arg6 : memref<128xi32, #tpu.memory_space<vmem>>) semaphore(%arg15 : memref<!tpu.dma_semaphore, #tpu.memory_space<semaphore_mem>>)
        %dma_start3A_150 = arith.constant 0 : i32
        %dma_start3A_151 = arith.constant 0 : i32
        %dma_start3A_152 = tpu.memref_slice %arg4[%dma_start3A_150, %dma_start3A_151] : memref<10000x128xf32, #tpu.memory_space<hbm>> -> memref<10000x128xf32, #tpu.memory_space<hbm>>
        tpu.enqueue_indirect_dma source(%dma_start3A_152 : memref<10000x128xf32, #tpu.memory_space<hbm>>) target(%arg11 : memref<128x128xf32, #tpu.memory_space<vmem>>) offsets(%arg7 : memref<128xi32, #tpu.memory_space<vmem>>) semaphore(%arg16 : memref<!tpu.dma_semaphore, #tpu.memory_space<semaphore_mem>>)
      } else {
      }
      %dma_wait3A_97 = arith.constant 0 : i32
      %dma_wait3A_98 = arith.constant 0 : i32
      %dma_wait3A_99 = tpu.memref_slice %arg4[%dma_wait3A_97, %dma_wait3A_98] : memref<10000x128xf32, #tpu.memory_space<hbm>> -> memref<10000x128xf32, #tpu.memory_space<hbm>>
      tpu.wait_indirect_dma semaphore(%arg17 : memref<!tpu.dma_semaphore, #tpu.memory_space<semaphore_mem>>) src(%dma_wait3A_99 : memref<10000x128xf32, #tpu.memory_space<hbm>>) dst(%arg12 : memref<128x128xf32, #tpu.memory_space<vmem>>)
      %dma_wait3A_100 = arith.constant 0 : i32
      %dma_wait3A_101 = arith.constant 0 : i32
      %dma_wait3A_102 = tpu.memref_slice %arg4[%dma_wait3A_100, %dma_wait3A_101] : memref<10000x128xf32, #tpu.memory_space<hbm>> -> memref<10000x128xf32, #tpu.memory_space<hbm>>
      tpu.wait_indirect_dma semaphore(%arg18 : memref<!tpu.dma_semaphore, #tpu.memory_space<semaphore_mem>>) src(%dma_wait3A_102 : memref<10000x128xf32, #tpu.memory_space<hbm>>) dst(%arg13 : memref<128x128xf32, #tpu.memory_space<vmem>>)
      %add3A_103 = arith.constant 1 : i32
      %add3A_104 = arith.addi %mul3A_41, %add3A_103 : i32
      %broadcast_in_dim3A_105 = arith.constant 0.000000e+00 : f32
      %broadcast_in_dim3A_106 = vector.broadcast %broadcast_in_dim3A_105 : f32 to vector<16xf32>
      %broadcast_in_dim3A_107 = arith.constant 0.000000e+00 : f32
      %broadcast_in_dim3A_108 = vector.broadcast %broadcast_in_dim3A_107 : f32 to vector<16xf32>
      %broadcast_in_dim3A_109 = arith.constant 0.000000e+00 : f32
      %broadcast_in_dim3A_110 = vector.broadcast %broadcast_in_dim3A_109 : f32 to vector<16xf32>
      %broadcast_in_dim3A_111 = arith.constant 0.000000e+00 : f32
      %broadcast_in_dim3A_112 = vector.broadcast %broadcast_in_dim3A_111 : f32 to vector<16xf32>
      %broadcast_in_dim3A_113 = arith.constant 0.000000e+00 : f32
      %broadcast_in_dim3A_114 = vector.broadcast %broadcast_in_dim3A_113 : f32 to vector<16xf32>
      %broadcast_in_dim3A_115 = arith.constant 0.000000e+00 : f32
      %broadcast_in_dim3A_116 = vector.broadcast %broadcast_in_dim3A_115 : f32 to vector<16xf32>
      %broadcast_in_dim3A_117 = arith.constant 0.000000e+00 : f32
      %broadcast_in_dim3A_118 = vector.broadcast %broadcast_in_dim3A_117 : f32 to vector<16xf32>
      %broadcast_in_dim3A_119 = arith.constant 0.000000e+00 : f32
      %broadcast_in_dim3A_120 = vector.broadcast %broadcast_in_dim3A_119 : f32 to vector<16xf32>
      %broadcast_in_dim3A_121 = arith.constant 0 : i32
      %broadcast_in_dim3A_122 = vector.broadcast %broadcast_in_dim3A_121 : i32 to vector<16xi32>
      %scan3A_123 = arith.constant 0 : i32
      %scan3A_124 = arith.constant 32 : i32
      %scan3A_125 = arith.addi %scan3A_123, %scan3A_124 : i32
      %scan3A_126 = arith.constant 1 : i32
      %scan3A_127:9 = scf.for %scan3A_145 = %scan3A_123 to %scan3A_125 step %scan3A_126 iter_args(%scan3A_146 = %broadcast_in_dim3A_106, %scan3A_147 = %broadcast_in_dim3A_108, %scan3A_148 = %broadcast_in_dim3A_110, %scan3A_149 = %broadcast_in_dim3A_112, %scan3A_150 = %broadcast_in_dim3A_114, %scan3A_151 = %broadcast_in_dim3A_116, %scan3A_152 = %broadcast_in_dim3A_118, %scan3A_153 = %broadcast_in_dim3A_120, %scan3A_154 = %broadcast_in_dim3A_122) -> (vector<16xf32>, vector<16xf32>, vector<16xf32>, vector<16xf32>, vector<16xf32>, vector<16xf32>, vector<16xf32>, vector<16xf32>, vector<16xi32>)  : i32 {
        %add3A_155 = arith.constant 0 : i32
        %add3A_156 = vector.broadcast %add3A_155 : i32 to vector<16xi32>
        %add3A_157 = arith.addi %scan3A_154, %add3A_156 : vector<16xi32>
        %gather3A = tpu.vector_load_idx %arg12[%add3A_3, %add3A_157] : memref<128x128xf32, #tpu.memory_space<vmem>>[vector<16xi32>, vector<16xi32>], vector<16xf32>,
        %gather3A_158 = tpu.vector_load_idx %arg13[%add3A_3, %add3A_157] : memref<128x128xf32, #tpu.memory_space<vmem>>[vector<16xi32>, vector<16xi32>], vector<16xf32>,
        %mul3A_159 = arith.mulf %gather3A, %gather3A_158 : vector<16xf32>
        %add3A_160 = arith.addf %scan3A_146, %mul3A_159 : vector<16xf32>
        %gather3A_161 = tpu.vector_load_idx %arg12[%add3A_6, %add3A_157] : memref<128x128xf32, #tpu.memory_space<vmem>>[vector<16xi32>, vector<16xi32>], vector<16xf32>,
        %gather3A_162 = tpu.vector_load_idx %arg13[%add3A_6, %add3A_157] : memref<128x128xf32, #tpu.memory_space<vmem>>[vector<16xi32>, vector<16xi32>], vector<16xf32>,
        %mul3A_163 = arith.mulf %gather3A_161, %gather3A_162 : vector<16xf32>
        %add3A_164 = arith.addf %scan3A_147, %mul3A_163 : vector<16xf32>
        %gather3A_165 = tpu.vector_load_idx %arg12[%add3A_9, %add3A_157] : memref<128x128xf32, #tpu.memory_space<vmem>>[vector<16xi32>, vector<16xi32>], vector<16xf32>,
        %gather3A_166 = tpu.vector_load_idx %arg13[%add3A_9, %add3A_157] : memref<128x128xf32, #tpu.memory_space<vmem>>[vector<16xi32>, vector<16xi32>], vector<16xf32>,
        %mul3A_167 = arith.mulf %gather3A_165, %gather3A_166 : vector<16xf32>
        %add3A_168 = arith.addf %scan3A_148, %mul3A_167 : vector<16xf32>
        %gather3A_169 = tpu.vector_load_idx %arg12[%add3A_12, %add3A_157] : memref<128x128xf32, #tpu.memory_space<vmem>>[vector<16xi32>, vector<16xi32>], vector<16xf32>,
        %gather3A_170 = tpu.vector_load_idx %arg13[%add3A_12, %add3A_157] : memref<128x128xf32, #tpu.memory_space<vmem>>[vector<16xi32>, vector<16xi32>], vector<16xf32>,
        %mul3A_171 = arith.mulf %gather3A_169, %gather3A_170 : vector<16xf32>
        %add3A_172 = arith.addf %scan3A_149, %mul3A_171 : vector<16xf32>
        %gather3A_173 = tpu.vector_load_idx %arg12[%add3A_15, %add3A_157] : memref<128x128xf32, #tpu.memory_space<vmem>>[vector<16xi32>, vector<16xi32>], vector<16xf32>,
        %gather3A_174 = tpu.vector_load_idx %arg13[%add3A_15, %add3A_157] : memref<128x128xf32, #tpu.memory_space<vmem>>[vector<16xi32>, vector<16xi32>], vector<16xf32>,
        %mul3A_175 = arith.mulf %gather3A_173, %gather3A_174 : vector<16xf32>
        %add3A_176 = arith.addf %scan3A_150, %mul3A_175 : vector<16xf32>
        %gather3A_177 = tpu.vector_load_idx %arg12[%add3A_18, %add3A_157] : memref<128x128xf32, #tpu.memory_space<vmem>>[vector<16xi32>, vector<16xi32>], vector<16xf32>,
        %gather3A_178 = tpu.vector_load_idx %arg13[%add3A_18, %add3A_157] : memref<128x128xf32, #tpu.memory_space<vmem>>[vector<16xi32>, vector<16xi32>], vector<16xf32>,
        %mul3A_179 = arith.mulf %gather3A_177, %gather3A_178 : vector<16xf32>
        %add3A_180 = arith.addf %scan3A_151, %mul3A_179 : vector<16xf32>
        %gather3A_181 = tpu.vector_load_idx %arg12[%add3A_21, %add3A_157] : memref<128x128xf32, #tpu.memory_space<vmem>>[vector<16xi32>, vector<16xi32>], vector<16xf32>,
        %gather3A_182 = tpu.vector_load_idx %arg13[%add3A_21, %add3A_157] : memref<128x128xf32, #tpu.memory_space<vmem>>[vector<16xi32>, vector<16xi32>], vector<16xf32>,
        %mul3A_183 = arith.mulf %gather3A_181, %gather3A_182 : vector<16xf32>
        %add3A_184 = arith.addf %scan3A_152, %mul3A_183 : vector<16xf32>
        %gather3A_185 = tpu.vector_load_idx %arg12[%add3A_24, %add3A_157] : memref<128x128xf32, #tpu.memory_space<vmem>>[vector<16xi32>, vector<16xi32>], vector<16xf32>,
        %gather3A_186 = tpu.vector_load_idx %arg13[%add3A_24, %add3A_157] : memref<128x128xf32, #tpu.memory_space<vmem>>[vector<16xi32>, vector<16xi32>], vector<16xf32>,
        %mul3A_187 = arith.mulf %gather3A_185, %gather3A_186 : vector<16xf32>
        %add3A_188 = arith.addf %scan3A_153, %mul3A_187 : vector<16xf32>
        %add3A_189 = arith.constant 1 : i32
        %add3A_190 = vector.broadcast %add3A_189 : i32 to vector<16xi32>
        %add3A_191 = arith.addi %scan3A_154, %add3A_190 : vector<16xi32>
        %gather3A_192 = tpu.vector_load_idx %arg12[%add3A_3, %add3A_191] : memref<128x128xf32, #tpu.memory_space<vmem>>[vector<16xi32>, vector<16xi32>], vector<16xf32>,
        %gather3A_193 = tpu.vector_load_idx %arg13[%add3A_3, %add3A_191] : memref<128x128xf32, #tpu.memory_space<vmem>>[vector<16xi32>, vector<16xi32>], vector<16xf32>,
        %mul3A_194 = arith.mulf %gather3A_192, %gather3A_193 : vector<16xf32>
        %add3A_195 = arith.addf %add3A_160, %mul3A_194 : vector<16xf32>
        %gather3A_196 = tpu.vector_load_idx %arg12[%add3A_6, %add3A_191] : memref<128x128xf32, #tpu.memory_space<vmem>>[vector<16xi32>, vector<16xi32>], vector<16xf32>,
        %gather3A_197 = tpu.vector_load_idx %arg13[%add3A_6, %add3A_191] : memref<128x128xf32, #tpu.memory_space<vmem>>[vector<16xi32>, vector<16xi32>], vector<16xf32>,
        %mul3A_198 = arith.mulf %gather3A_196, %gather3A_197 : vector<16xf32>
        %add3A_199 = arith.addf %add3A_164, %mul3A_198 : vector<16xf32>
        %gather3A_200 = tpu.vector_load_idx %arg12[%add3A_9, %add3A_191] : memref<128x128xf32, #tpu.memory_space<vmem>>[vector<16xi32>, vector<16xi32>], vector<16xf32>,
        %gather3A_201 = tpu.vector_load_idx %arg13[%add3A_9, %add3A_191] : memref<128x128xf32, #tpu.memory_space<vmem>>[vector<16xi32>, vector<16xi32>], vector<16xf32>,
        %mul3A_202 = arith.mulf %gather3A_200, %gather3A_201 : vector<16xf32>
        %add3A_203 = arith.addf %add3A_168, %mul3A_202 : vector<16xf32>
        %gather3A_204 = tpu.vector_load_idx %arg12[%add3A_12, %add3A_191] : memref<128x128xf32, #tpu.memory_space<vmem>>[vector<16xi32>, vector<16xi32>], vector<16xf32>,
        %gather3A_205 = tpu.vector_load_idx %arg13[%add3A_12, %add3A_191] : memref<128x128xf32, #tpu.memory_space<vmem>>[vector<16xi32>, vector<16xi32>], vector<16xf32>,
        %mul3A_206 = arith.mulf %gather3A_204, %gather3A_205 : vector<16xf32>
        %add3A_207 = arith.addf %add3A_172, %mul3A_206 : vector<16xf32>
        %gather3A_208 = tpu.vector_load_idx %arg12[%add3A_15, %add3A_191] : memref<128x128xf32, #tpu.memory_space<vmem>>[vector<16xi32>, vector<16xi32>], vector<16xf32>,
        %gather3A_209 = tpu.vector_load_idx %arg13[%add3A_15, %add3A_191] : memref<128x128xf32, #tpu.memory_space<vmem>>[vector<16xi32>, vector<16xi32>], vector<16xf32>,
        %mul3A_210 = arith.mulf %gather3A_208, %gather3A_209 : vector<16xf32>
        %add3A_211 = arith.addf %add3A_176, %mul3A_210 : vector<16xf32>
        %gather3A_212 = tpu.vector_load_idx %arg12[%add3A_18, %add3A_191] : memref<128x128xf32, #tpu.memory_space<vmem>>[vector<16xi32>, vector<16xi32>], vector<16xf32>,
        %gather3A_213 = tpu.vector_load_idx %arg13[%add3A_18, %add3A_191] : memref<128x128xf32, #tpu.memory_space<vmem>>[vector<16xi32>, vector<16xi32>], vector<16xf32>,
        %mul3A_214 = arith.mulf %gather3A_212, %gather3A_213 : vector<16xf32>
        %add3A_215 = arith.addf %add3A_180, %mul3A_214 : vector<16xf32>
        %gather3A_216 = tpu.vector_load_idx %arg12[%add3A_21, %add3A_191] : memref<128x128xf32, #tpu.memory_space<vmem>>[vector<16xi32>, vector<16xi32>], vector<16xf32>,
        %gather3A_217 = tpu.vector_load_idx %arg13[%add3A_21, %add3A_191] : memref<128x128xf32, #tpu.memory_space<vmem>>[vector<16xi32>, vector<16xi32>], vector<16xf32>,
        %mul3A_218 = arith.mulf %gather3A_216, %gather3A_217 : vector<16xf32>
        %add3A_219 = arith.addf %add3A_184, %mul3A_218 : vector<16xf32>
        %gather3A_220 = tpu.vector_load_idx %arg12[%add3A_24, %add3A_191] : memref<128x128xf32, #tpu.memory_space<vmem>>[vector<16xi32>, vector<16xi32>], vector<16xf32>,
        %gather3A_221 = tpu.vector_load_idx %arg13[%add3A_24, %add3A_191] : memref<128x128xf32, #tpu.memory_space<vmem>>[vector<16xi32>, vector<16xi32>], vector<16xf32>,
        %mul3A_222 = arith.mulf %gather3A_220, %gather3A_221 : vector<16xf32>
        %add3A_223 = arith.addf %add3A_188, %mul3A_222 : vector<16xf32>
        %add3A_224 = arith.constant 2 : i32
        %add3A_225 = vector.broadcast %add3A_224 : i32 to vector<16xi32>
        %add3A_226 = arith.addi %scan3A_154, %add3A_225 : vector<16xi32>
        %gather3A_227 = tpu.vector_load_idx %arg12[%add3A_3, %add3A_226] : memref<128x128xf32, #tpu.memory_space<vmem>>[vector<16xi32>, vector<16xi32>], vector<16xf32>,
        %gather3A_228 = tpu.vector_load_idx %arg13[%add3A_3, %add3A_226] : memref<128x128xf32, #tpu.memory_space<vmem>>[vector<16xi32>, vector<16xi32>], vector<16xf32>,
        %mul3A_229 = arith.mulf %gather3A_227, %gather3A_228 : vector<16xf32>
        %add3A_230 = arith.addf %add3A_195, %mul3A_229 : vector<16xf32>
        %gather3A_231 = tpu.vector_load_idx %arg12[%add3A_6, %add3A_226] : memref<128x128xf32, #tpu.memory_space<vmem>>[vector<16xi32>, vector<16xi32>], vector<16xf32>,
        %gather3A_232 = tpu.vector_load_idx %arg13[%add3A_6, %add3A_226] : memref<128x128xf32, #tpu.memory_space<vmem>>[vector<16xi32>, vector<16xi32>], vector<16xf32>,
        %mul3A_233 = arith.mulf %gather3A_231, %gather3A_232 : vector<16xf32>
        %add3A_234 = arith.addf %add3A_199, %mul3A_233 : vector<16xf32>
        %gather3A_235 = tpu.vector_load_idx %arg12[%add3A_9, %add3A_226] : memref<128x128xf32, #tpu.memory_space<vmem>>[vector<16xi32>, vector<16xi32>], vector<16xf32>,
        %gather3A_236 = tpu.vector_load_idx %arg13[%add3A_9, %add3A_226] : memref<128x128xf32, #tpu.memory_space<vmem>>[vector<16xi32>, vector<16xi32>], vector<16xf32>,
        %mul3A_237 = arith.mulf %gather3A_235, %gather3A_236 : vector<16xf32>
        %add3A_238 = arith.addf %add3A_203, %mul3A_237 : vector<16xf32>
        %gather3A_239 = tpu.vector_load_idx %arg12[%add3A_12, %add3A_226] : memref<128x128xf32, #tpu.memory_space<vmem>>[vector<16xi32>, vector<16xi32>], vector<16xf32>,
        %gather3A_240 = tpu.vector_load_idx %arg13[%add3A_12, %add3A_226] : memref<128x128xf32, #tpu.memory_space<vmem>>[vector<16xi32>, vector<16xi32>], vector<16xf32>,
        %mul3A_241 = arith.mulf %gather3A_239, %gather3A_240 : vector<16xf32>
        %add3A_242 = arith.addf %add3A_207, %mul3A_241 : vector<16xf32>
        %gather3A_243 = tpu.vector_load_idx %arg12[%add3A_15, %add3A_226] : memref<128x128xf32, #tpu.memory_space<vmem>>[vector<16xi32>, vector<16xi32>], vector<16xf32>,
        %gather3A_244 = tpu.vector_load_idx %arg13[%add3A_15, %add3A_226] : memref<128x128xf32, #tpu.memory_space<vmem>>[vector<16xi32>, vector<16xi32>], vector<16xf32>,
        %mul3A_245 = arith.mulf %gather3A_243, %gather3A_244 : vector<16xf32>
        %add3A_246 = arith.addf %add3A_211, %mul3A_245 : vector<16xf32>
        %gather3A_247 = tpu.vector_load_idx %arg12[%add3A_18, %add3A_226] : memref<128x128xf32, #tpu.memory_space<vmem>>[vector<16xi32>, vector<16xi32>], vector<16xf32>,
        %gather3A_248 = tpu.vector_load_idx %arg13[%add3A_18, %add3A_226] : memref<128x128xf32, #tpu.memory_space<vmem>>[vector<16xi32>, vector<16xi32>], vector<16xf32>,
        %mul3A_249 = arith.mulf %gather3A_247, %gather3A_248 : vector<16xf32>
        %add3A_250 = arith.addf %add3A_215, %mul3A_249 : vector<16xf32>
        %gather3A_251 = tpu.vector_load_idx %arg12[%add3A_21, %add3A_226] : memref<128x128xf32, #tpu.memory_space<vmem>>[vector<16xi32>, vector<16xi32>], vector<16xf32>,
        %gather3A_252 = tpu.vector_load_idx %arg13[%add3A_21, %add3A_226] : memref<128x128xf32, #tpu.memory_space<vmem>>[vector<16xi32>, vector<16xi32>], vector<16xf32>,
        %mul3A_253 = arith.mulf %gather3A_251, %gather3A_252 : vector<16xf32>
        %add3A_254 = arith.addf %add3A_219, %mul3A_253 : vector<16xf32>
        %gather3A_255 = tpu.vector_load_idx %arg12[%add3A_24, %add3A_226] : memref<128x128xf32, #tpu.memory_space<vmem>>[vector<16xi32>, vector<16xi32>], vector<16xf32>,
        %gather3A_256 = tpu.vector_load_idx %arg13[%add3A_24, %add3A_226] : memref<128x128xf32, #tpu.memory_space<vmem>>[vector<16xi32>, vector<16xi32>], vector<16xf32>,
        %mul3A_257 = arith.mulf %gather3A_255, %gather3A_256 : vector<16xf32>
        %add3A_258 = arith.addf %add3A_223, %mul3A_257 : vector<16xf32>
        %add3A_259 = arith.constant 3 : i32
        %add3A_260 = vector.broadcast %add3A_259 : i32 to vector<16xi32>
        %add3A_261 = arith.addi %scan3A_154, %add3A_260 : vector<16xi32>
        %gather3A_262 = tpu.vector_load_idx %arg12[%add3A_3, %add3A_261] : memref<128x128xf32, #tpu.memory_space<vmem>>[vector<16xi32>, vector<16xi32>], vector<16xf32>,
        %gather3A_263 = tpu.vector_load_idx %arg13[%add3A_3, %add3A_261] : memref<128x128xf32, #tpu.memory_space<vmem>>[vector<16xi32>, vector<16xi32>], vector<16xf32>,
        %mul3A_264 = arith.mulf %gather3A_262, %gather3A_263 : vector<16xf32>
        %add3A_265 = arith.addf %add3A_230, %mul3A_264 : vector<16xf32>
        %gather3A_266 = tpu.vector_load_idx %arg12[%add3A_6, %add3A_261] : memref<128x128xf32, #tpu.memory_space<vmem>>[vector<16xi32>, vector<16xi32>], vector<16xf32>,
        %gather3A_267 = tpu.vector_load_idx %arg13[%add3A_6, %add3A_261] : memref<128x128xf32, #tpu.memory_space<vmem>>[vector<16xi32>, vector<16xi32>], vector<16xf32>,
        %mul3A_268 = arith.mulf %gather3A_266, %gather3A_267 : vector<16xf32>
        %add3A_269 = arith.addf %add3A_234, %mul3A_268 : vector<16xf32>
        %gather3A_270 = tpu.vector_load_idx %arg12[%add3A_9, %add3A_261] : memref<128x128xf32, #tpu.memory_space<vmem>>[vector<16xi32>, vector<16xi32>], vector<16xf32>,
        %gather3A_271 = tpu.vector_load_idx %arg13[%add3A_9, %add3A_261] : memref<128x128xf32, #tpu.memory_space<vmem>>[vector<16xi32>, vector<16xi32>], vector<16xf32>,
        %mul3A_272 = arith.mulf %gather3A_270, %gather3A_271 : vector<16xf32>
        %add3A_273 = arith.addf %add3A_238, %mul3A_272 : vector<16xf32>
        %gather3A_274 = tpu.vector_load_idx %arg12[%add3A_12, %add3A_261] : memref<128x128xf32, #tpu.memory_space<vmem>>[vector<16xi32>, vector<16xi32>], vector<16xf32>,
        %gather3A_275 = tpu.vector_load_idx %arg13[%add3A_12, %add3A_261] : memref<128x128xf32, #tpu.memory_space<vmem>>[vector<16xi32>, vector<16xi32>], vector<16xf32>,
        %mul3A_276 = arith.mulf %gather3A_274, %gather3A_275 : vector<16xf32>
        %add3A_277 = arith.addf %add3A_242, %mul3A_276 : vector<16xf32>
        %gather3A_278 = tpu.vector_load_idx %arg12[%add3A_15, %add3A_261] : memref<128x128xf32, #tpu.memory_space<vmem>>[vector<16xi32>, vector<16xi32>], vector<16xf32>,
        %gather3A_279 = tpu.vector_load_idx %arg13[%add3A_15, %add3A_261] : memref<128x128xf32, #tpu.memory_space<vmem>>[vector<16xi32>, vector<16xi32>], vector<16xf32>,
        %mul3A_280 = arith.mulf %gather3A_278, %gather3A_279 : vector<16xf32>
        %add3A_281 = arith.addf %add3A_246, %mul3A_280 : vector<16xf32>
        %gather3A_282 = tpu.vector_load_idx %arg12[%add3A_18, %add3A_261] : memref<128x128xf32, #tpu.memory_space<vmem>>[vector<16xi32>, vector<16xi32>], vector<16xf32>,
        %gather3A_283 = tpu.vector_load_idx %arg13[%add3A_18, %add3A_261] : memref<128x128xf32, #tpu.memory_space<vmem>>[vector<16xi32>, vector<16xi32>], vector<16xf32>,
        %mul3A_284 = arith.mulf %gather3A_282, %gather3A_283 : vector<16xf32>
        %add3A_285 = arith.addf %add3A_250, %mul3A_284 : vector<16xf32>
        %gather3A_286 = tpu.vector_load_idx %arg12[%add3A_21, %add3A_261] : memref<128x128xf32, #tpu.memory_space<vmem>>[vector<16xi32>, vector<16xi32>], vector<16xf32>,
        %gather3A_287 = tpu.vector_load_idx %arg13[%add3A_21, %add3A_261] : memref<128x128xf32, #tpu.memory_space<vmem>>[vector<16xi32>, vector<16xi32>], vector<16xf32>,
        %mul3A_288 = arith.mulf %gather3A_286, %gather3A_287 : vector<16xf32>
        %add3A_289 = arith.addf %add3A_254, %mul3A_288 : vector<16xf32>
        %gather3A_290 = tpu.vector_load_idx %arg12[%add3A_24, %add3A_261] : memref<128x128xf32, #tpu.memory_space<vmem>>[vector<16xi32>, vector<16xi32>], vector<16xf32>,
        %gather3A_291 = tpu.vector_load_idx %arg13[%add3A_24, %add3A_261] : memref<128x128xf32, #tpu.memory_space<vmem>>[vector<16xi32>, vector<16xi32>], vector<16xf32>,
        %mul3A_292 = arith.mulf %gather3A_290, %gather3A_291 : vector<16xf32>
        %add3A_293 = arith.addf %add3A_258, %mul3A_292 : vector<16xf32>
        %add3A_294 = arith.constant 4 : i32
        %add3A_295 = vector.broadcast %add3A_294 : i32 to vector<16xi32>
        %add3A_296 = arith.addi %scan3A_154, %add3A_295 : vector<16xi32>
        scf.yield %add3A_265, %add3A_269, %add3A_273, %add3A_277, %add3A_281, %add3A_285, %add3A_289, %add3A_293, %add3A_296 : vector<16xf32>, vector<16xf32>, vector<16xf32>, vector<16xf32>, vector<16xf32>, vector<16xf32>, vector<16xf32>, vector<16xf32>, vector<16xi32>
      }
      %scan3A_128 = arith.constant 32 : i32
      %swap3A_129 = arith.constant 0 : index
      %swap3A_130 = tpu.vector_load %arg14[%swap3A_129] {strides = array<i32>} : memref<128xf32, #tpu.memory_space<vmem>>, vector<16xf32>,
      tpu.vector_store %arg14[%swap3A_129], %scan3A_127#0 {strides = array<i32>} : memref<128xf32, #tpu.memory_space<vmem>>, vector<16xf32>,
      %swap3A_131 = arith.constant 16 : index
      %swap3A_132 = tpu.vector_load %arg14[%swap3A_131] {strides = array<i32>} : memref<128xf32, #tpu.memory_space<vmem>>, vector<16xf32>,
      tpu.vector_store %arg14[%swap3A_131], %scan3A_127#1 {strides = array<i32>} : memref<128xf32, #tpu.memory_space<vmem>>, vector<16xf32>,
      %swap3A_133 = arith.constant 32 : index
      %swap3A_134 = tpu.vector_load %arg14[%swap3A_133] {strides = array<i32>} : memref<128xf32, #tpu.memory_space<vmem>>, vector<16xf32>,
      tpu.vector_store %arg14[%swap3A_133], %scan3A_127#2 {strides = array<i32>} : memref<128xf32, #tpu.memory_space<vmem>>, vector<16xf32>,
      %swap3A_135 = arith.constant 48 : index
      %swap3A_136 = tpu.vector_load %arg14[%swap3A_135] {strides = array<i32>} : memref<128xf32, #tpu.memory_space<vmem>>, vector<16xf32>,
      tpu.vector_store %arg14[%swap3A_135], %scan3A_127#3 {strides = array<i32>} : memref<128xf32, #tpu.memory_space<vmem>>, vector<16xf32>,
      %swap3A_137 = arith.constant 64 : index
      %swap3A_138 = tpu.vector_load %arg14[%swap3A_137] {strides = array<i32>} : memref<128xf32, #tpu.memory_space<vmem>>, vector<16xf32>,
      tpu.vector_store %arg14[%swap3A_137], %scan3A_127#4 {strides = array<i32>} : memref<128xf32, #tpu.memory_space<vmem>>, vector<16xf32>,
      %swap3A_139 = arith.constant 80 : index
      %swap3A_140 = tpu.vector_load %arg14[%swap3A_139] {strides = array<i32>} : memref<128xf32, #tpu.memory_space<vmem>>, vector<16xf32>,
      tpu.vector_store %arg14[%swap3A_139], %scan3A_127#5 {strides = array<i32>} : memref<128xf32, #tpu.memory_space<vmem>>, vector<16xf32>,
      %swap3A_141 = arith.constant 96 : index
      %swap3A_142 = tpu.vector_load %arg14[%swap3A_141] {strides = array<i32>} : memref<128xf32, #tpu.memory_space<vmem>>, vector<16xf32>,
      tpu.vector_store %arg14[%swap3A_141], %scan3A_127#6 {strides = array<i32>} : memref<128xf32, #tpu.memory_space<vmem>>, vector<16xf32>,
      %swap3A_143 = arith.constant 112 : index
      %swap3A_144 = tpu.vector_load %arg14[%swap3A_143] {strides = array<i32>} : memref<128xf32, #tpu.memory_space<vmem>>, vector<16xf32>,
      tpu.vector_store %arg14[%swap3A_143], %scan3A_127#7 {strides = array<i32>} : memref<128xf32, #tpu.memory_space<vmem>>, vector<16xf32>,
      "tpu.region"() ({
        %run_scoped3A_145 = tpu.sem_alloc : memref<!tpu.dma_semaphore, #tpu.memory_space<semaphore_mem>>
        %dma_start3A_146 = arith.constant 0 : i32
        %dma_start3A_147 = tpu.memref_slice %arg5[%add3A, %add3A_104, %dma_start3A_146] : memref<32x26x128xf32, #tpu.memory_space<hbm>> -> memref<1x1x128xf32, #tpu.memory_space<hbm>>
        %dma_start3A_148 = tpu.memref_squeeze %dma_start3A_147 : memref<1x1x128xf32, #tpu.memory_space<hbm>> -> memref<128xf32, #tpu.memory_space<hbm>>
        %dma_start3A_149 = arith.constant 0 : i32
        %dma_start3A_150 = tpu.memref_slice %arg5[%add3A, %add3A_104, %dma_start3A_149] : memref<32x26x128xf32, #tpu.memory_space<hbm>> -> memref<1x1x128xf32, #tpu.memory_space<hbm>>
        %dma_start3A_151 = tpu.memref_squeeze %dma_start3A_150 : memref<1x1x128xf32, #tpu.memory_space<hbm>> -> memref<128xf32, #tpu.memory_space<hbm>>
        tpu.enqueue_dma source(%arg14 : memref<128xf32, #tpu.memory_space<vmem>>) target(%dma_start3A_151 : memref<128xf32, #tpu.memory_space<hbm>>) target_semaphore(%run_scoped3A_145 : memref<!tpu.dma_semaphore, #tpu.memory_space<semaphore_mem>>)
        %dma_wait3A_152 = arith.constant 0 : i32
        %dma_wait3A_153 = tpu.memref_slice %arg5[%add3A, %add3A_104, %dma_wait3A_152] : memref<32x26x128xf32, #tpu.memory_space<hbm>> -> memref<1x1x128xf32, #tpu.memory_space<hbm>>
        %dma_wait3A_154 = tpu.memref_squeeze %dma_wait3A_153 : memref<1x1x128xf32, #tpu.memory_space<hbm>> -> memref<128xf32, #tpu.memory_space<hbm>>
        %dma_wait3A_155 = arith.constant 0 : i32
        %dma_wait3A_156 = tpu.memref_slice %arg5[%add3A, %add3A_104, %dma_wait3A_155] : memref<32x26x128xf32, #tpu.memory_space<hbm>> -> memref<1x1x128xf32, #tpu.memory_space<hbm>>
        %dma_wait3A_157 = tpu.memref_squeeze %dma_wait3A_156 : memref<1x1x128xf32, #tpu.memory_space<hbm>> -> memref<128xf32, #tpu.memory_space<hbm>>
        tpu.wait_dma2 semaphore(%run_scoped3A_145 : memref<!tpu.dma_semaphore, #tpu.memory_space<semaphore_mem>>) src(%arg14 : memref<128xf32, #tpu.memory_space<vmem>>) dst(%dma_wait3A_157 : memref<128xf32, #tpu.memory_space<hbm>>)
        tpu.yield
      }) : () -> ()
    }
    %scan3A_34 = arith.constant 13 : i32
    return
  }
}

#map = affine_map<(d0, d1) -> (0, 0, 0)>
#map1 = affine_map<(d0, d1) -> (0, 0)>
module attributes {stable_mosaic.version = 14 : i64} {
  func.func @sc_deg(%arg0: i32, %arg1: i32, %arg2: memref<32x80x128xi32, #tpu.memory_space<hbm>>, %arg3: memref<128x128xf32, #tpu.memory_space<hbm>>, %arg4: memref<640x128xf32, #tpu.memory_space<hbm>>, %arg5: memref<2x10240x128xf32, #tpu.memory_space<hbm>>, %arg6: memref<128xi32, #tpu.memory_space<vmem>>, %arg7: memref<128x128xf32, #tpu.memory_space<vmem>>, %arg8: memref<10240x128xf32, #tpu.memory_space<vmem_shared>>) attributes {dimension_semantics = [#tpu.dimension_semantics<core_parallel>, #tpu.dimension_semantics<subcore_parallel>], iteration_bounds = array<i64: 2, 16>, scalar_prefetch = 0 : i64, scratch_operands = 3 : i64, tpu.core_type = #tpu.core_type<sc_vector_subcore>, window_params = [{transform_indices = #map}, {transform_indices = #map1}, {transform_indices = #map1}, {transform_indices = #map}]} {
    %mul3A = arith.constant 16 : i32
    %mul3A_0 = arith.muli %arg0, %mul3A : i32
    %add3A = arith.addi %mul3A_0, %arg1 : i32
    %mul3A_1 = arith.constant 640 : i32
    %mul3A_2 = arith.muli %arg1, %mul3A_1 : i32
    "tpu.region"() ({
      %run_scoped3A = tpu.sem_alloc : memref<!tpu.dma_semaphore, #tpu.memory_space<semaphore_mem>>
      %dma_start3A = arith.constant 0 : i32
      %dma_start3A_12 = tpu.memref_slice %arg8[%mul3A_2, %dma_start3A] : memref<10240x128xf32, #tpu.memory_space<vmem_shared>> -> memref<640x128xf32, #tpu.memory_space<vmem_shared>>
      tpu.enqueue_dma source(%arg4 : memref<640x128xf32, #tpu.memory_space<hbm>>) target(%dma_start3A_12 : memref<640x128xf32, #tpu.memory_space<vmem_shared>>) target_semaphore(%run_scoped3A : memref<!tpu.dma_semaphore, #tpu.memory_space<semaphore_mem>>)
      %dma_wait3A = arith.constant 0 : i32
      %dma_wait3A_13 = tpu.memref_slice %arg8[%mul3A_2, %dma_wait3A] : memref<10240x128xf32, #tpu.memory_space<vmem_shared>> -> memref<640x128xf32, #tpu.memory_space<vmem_shared>>
      tpu.wait_dma2 semaphore(%run_scoped3A : memref<!tpu.dma_semaphore, #tpu.memory_space<semaphore_mem>>) src(%arg4 : memref<640x128xf32, #tpu.memory_space<hbm>>) dst(%dma_wait3A_13 : memref<640x128xf32, #tpu.memory_space<vmem_shared>>)
      tpu.yield
    }) : () -> ()
    "tpu.region"() ({
      %run_scoped3A = tpu.sem_alloc : memref<!tpu.dma_semaphore, #tpu.memory_space<semaphore_mem>>
      tpu.enqueue_dma source(%arg3 : memref<128x128xf32, #tpu.memory_space<hbm>>) target(%arg7 : memref<128x128xf32, #tpu.memory_space<vmem>>) target_semaphore(%run_scoped3A : memref<!tpu.dma_semaphore, #tpu.memory_space<semaphore_mem>>)
      tpu.wait_dma2 semaphore(%run_scoped3A : memref<!tpu.dma_semaphore, #tpu.memory_space<semaphore_mem>>) src(%arg3 : memref<128x128xf32, #tpu.memory_space<hbm>>) dst(%arg7 : memref<128x128xf32, #tpu.memory_space<vmem>>)
      tpu.yield
    }) : () -> ()
    %barrier3A = arith.constant 0 : index
    tpu.barrier barrier_id(%barrier3A)
    %scan3A = arith.constant 0 : i32
    %scan3A_3 = arith.constant 80 : i32
    %scan3A_4 = arith.addi %scan3A, %scan3A_3 : i32
    %scan3A_5 = arith.constant 1 : i32
    scf.for %scan3A_12 = %scan3A to %scan3A_4 step %scan3A_5  : i32 {
      %mul3A_13 = arith.constant 1 : i32
      %mul3A_14 = arith.muli %scan3A_12, %mul3A_13 : i32
      %add3A_15 = arith.constant 0 : i32
      %add3A_16 = arith.addi %add3A_15, %mul3A_14 : i32
      "tpu.region"() ({
        %run_scoped3A = tpu.sem_alloc : memref<!tpu.dma_semaphore, #tpu.memory_space<semaphore_mem>>
        %dma_start3A = arith.constant 0 : i32
        %dma_start3A_17 = tpu.memref_slice %arg2[%add3A, %add3A_16, %dma_start3A] : memref<32x80x128xi32, #tpu.memory_space<hbm>> -> memref<1x1x128xi32, #tpu.memory_space<hbm>>
        %dma_start3A_18 = tpu.memref_squeeze %dma_start3A_17 : memref<1x1x128xi32, #tpu.memory_space<hbm>> -> memref<128xi32, #tpu.memory_space<hbm>>
        %dma_start3A_19 = arith.constant 0 : i32
        %dma_start3A_20 = tpu.memref_slice %arg2[%add3A, %add3A_16, %dma_start3A_19] : memref<32x80x128xi32, #tpu.memory_space<hbm>> -> memref<1x1x128xi32, #tpu.memory_space<hbm>>
        %dma_start3A_21 = tpu.memref_squeeze %dma_start3A_20 : memref<1x1x128xi32, #tpu.memory_space<hbm>> -> memref<128xi32, #tpu.memory_space<hbm>>
        tpu.enqueue_dma source(%dma_start3A_21 : memref<128xi32, #tpu.memory_space<hbm>>) target(%arg6 : memref<128xi32, #tpu.memory_space<vmem>>) target_semaphore(%run_scoped3A : memref<!tpu.dma_semaphore, #tpu.memory_space<semaphore_mem>>)
        %dma_wait3A = arith.constant 0 : i32
        %dma_wait3A_22 = tpu.memref_slice %arg2[%add3A, %add3A_16, %dma_wait3A] : memref<32x80x128xi32, #tpu.memory_space<hbm>> -> memref<1x1x128xi32, #tpu.memory_space<hbm>>
        %dma_wait3A_23 = tpu.memref_squeeze %dma_wait3A_22 : memref<1x1x128xi32, #tpu.memory_space<hbm>> -> memref<128xi32, #tpu.memory_space<hbm>>
        %dma_wait3A_24 = arith.constant 0 : i32
        %dma_wait3A_25 = tpu.memref_slice %arg2[%add3A, %add3A_16, %dma_wait3A_24] : memref<32x80x128xi32, #tpu.memory_space<hbm>> -> memref<1x1x128xi32, #tpu.memory_space<hbm>>
        %dma_wait3A_26 = tpu.memref_squeeze %dma_wait3A_25 : memref<1x1x128xi32, #tpu.memory_space<hbm>> -> memref<128xi32, #tpu.memory_space<hbm>>
        tpu.wait_dma2 semaphore(%run_scoped3A : memref<!tpu.dma_semaphore, #tpu.memory_space<semaphore_mem>>) src(%dma_wait3A_26 : memref<128xi32, #tpu.memory_space<hbm>>) dst(%arg6 : memref<128xi32, #tpu.memory_space<vmem>>)
        tpu.yield
      }) : () -> ()
      "tpu.region"() ({
        %run_scoped3A = tpu.sem_alloc : memref<!tpu.dma_semaphore, #tpu.memory_space<semaphore_mem>>
        %dma_start3A = arith.constant 0 : i32
        %dma_start3A_17 = arith.constant 0 : i32
        %dma_start3A_18 = tpu.memref_slice %arg8[%dma_start3A, %dma_start3A_17] : memref<10240x128xf32, #tpu.memory_space<vmem_shared>> -> memref<10240x128xf32, #tpu.memory_space<vmem_shared>>
        tpu.enqueue_indirect_dma source(%arg7 : memref<128x128xf32, #tpu.memory_space<vmem>>) target(%dma_start3A_18 : memref<10240x128xf32, #tpu.memory_space<vmem_shared>>) offsets(%arg6 : memref<128xi32, #tpu.memory_space<vmem>>) semaphore(%run_scoped3A : memref<!tpu.dma_semaphore, #tpu.memory_space<semaphore_mem>>) {add = true}
        %dma_wait3A = arith.constant 0 : i32
        %dma_wait3A_19 = arith.constant 0 : i32
        %dma_wait3A_20 = tpu.memref_slice %arg8[%dma_wait3A, %dma_wait3A_19] : memref<10240x128xf32, #tpu.memory_space<vmem_shared>> -> memref<10240x128xf32, #tpu.memory_space<vmem_shared>>
        tpu.wait_indirect_dma semaphore(%run_scoped3A : memref<!tpu.dma_semaphore, #tpu.memory_space<semaphore_mem>>) src(%arg7 : memref<128x128xf32, #tpu.memory_space<vmem>>) dst(%dma_wait3A_20 : memref<10240x128xf32, #tpu.memory_space<vmem_shared>>)
        tpu.yield
      }) : () -> ()
    }
    %scan3A_6 = arith.constant 80 : i32
    %barrier3A_7 = arith.constant 0 : index
    tpu.barrier barrier_id(%barrier3A_7)
    %mul3A_8 = arith.constant 640 : i32
    %mul3A_9 = arith.muli %arg1, %mul3A_8 : i32
    %mul3A_10 = arith.constant 640 : i32
    %mul3A_11 = arith.muli %arg1, %mul3A_10 : i32
    "tpu.region"() ({
      %run_scoped3A = tpu.sem_alloc : memref<!tpu.dma_semaphore, #tpu.memory_space<semaphore_mem>>
      %dma_start3A = arith.constant 0 : i32
      %dma_start3A_12 = tpu.memref_slice %arg5[%arg0, %mul3A_11, %dma_start3A] : memref<2x10240x128xf32, #tpu.memory_space<hbm>> -> memref<1x640x128xf32, #tpu.memory_space<hbm>>
      %dma_start3A_13 = tpu.memref_squeeze %dma_start3A_12 : memref<1x640x128xf32, #tpu.memory_space<hbm>> -> memref<640x128xf32, #tpu.memory_space<hbm>>
      %dma_start3A_14 = arith.constant 0 : i32
      %dma_start3A_15 = tpu.memref_slice %arg8[%mul3A_9, %dma_start3A_14] : memref<10240x128xf32, #tpu.memory_space<vmem_shared>> -> memref<640x128xf32, #tpu.memory_space<vmem_shared>>
      tpu.enqueue_dma source(%dma_start3A_15 : memref<640x128xf32, #tpu.memory_space<vmem_shared>>) target(%dma_start3A_13 : memref<640x128xf32, #tpu.memory_space<hbm>>) target_semaphore(%run_scoped3A : memref<!tpu.dma_semaphore, #tpu.memory_space<semaphore_mem>>)
      %dma_wait3A = arith.constant 0 : i32
      %dma_wait3A_16 = tpu.memref_slice %arg5[%arg0, %mul3A_11, %dma_wait3A] : memref<2x10240x128xf32, #tpu.memory_space<hbm>> -> memref<1x640x128xf32, #tpu.memory_space<hbm>>
      %dma_wait3A_17 = tpu.memref_squeeze %dma_wait3A_16 : memref<1x640x128xf32, #tpu.memory_space<hbm>> -> memref<640x128xf32, #tpu.memory_space<hbm>>
      %dma_wait3A_18 = arith.constant 0 : i32
      %dma_wait3A_19 = tpu.memref_slice %arg8[%mul3A_9, %dma_wait3A_18] : memref<10240x128xf32, #tpu.memory_space<vmem_shared>> -> memref<640x128xf32, #tpu.memory_space<vmem_shared>>
      tpu.wait_dma2 semaphore(%run_scoped3A : memref<!tpu.dma_semaphore, #tpu.memory_space<semaphore_mem>>) src(%dma_wait3A_19 : memref<640x128xf32, #tpu.memory_space<vmem_shared>>) dst(%dma_wait3A_17 : memref<640x128xf32, #tpu.memory_space<hbm>>)
      tpu.yield
    }) : () -> ()
    return
  }
}

#map = affine_map<(d0, d1) -> (0, 0, 0)>
#map1 = affine_map<(d0, d1) -> (0, 0)>
module attributes {stable_mosaic.version = 14 : i64} {
  func.func @sc_msg(%arg0: i32, %arg1: i32, %arg2: memref<32x80x128xi32, #tpu.memory_space<hbm>>, %arg3: memref<32x80x128xi32, #tpu.memory_space<hbm>>, %arg4: memref<10000x128xf32, #tpu.memory_space<hbm>>, %arg5: memref<640x128xf32, #tpu.memory_space<hbm>>, %arg6: memref<2x10240x128xf32, #tpu.memory_space<hbm>>, %arg7: memref<128xi32, #tpu.memory_space<vmem>>, %arg8: memref<128xi32, #tpu.memory_space<vmem>>, %arg9: memref<128xi32, #tpu.memory_space<vmem>>, %arg10: memref<128xi32, #tpu.memory_space<vmem>>, %arg11: memref<128x128xf32, #tpu.memory_space<vmem>>, %arg12: memref<128x128xf32, #tpu.memory_space<vmem>>, %arg13: memref<10240x128xf32, #tpu.memory_space<vmem_shared>>, %arg14: memref<!tpu.dma_semaphore, #tpu.memory_space<semaphore_mem>>, %arg15: memref<!tpu.dma_semaphore, #tpu.memory_space<semaphore_mem>>) attributes {dimension_semantics = [#tpu.dimension_semantics<core_parallel>, #tpu.dimension_semantics<subcore_parallel>], iteration_bounds = array<i64: 2, 16>, scalar_prefetch = 0 : i64, scratch_operands = 9 : i64, tpu.core_type = #tpu.core_type<sc_vector_subcore>, window_params = [{transform_indices = #map}, {transform_indices = #map}, {transform_indices = #map1}, {transform_indices = #map1}, {transform_indices = #map}]} {
    %mul3A = arith.constant 16 : i32
    %mul3A_0 = arith.muli %arg0, %mul3A : i32
    %add3A = arith.addi %mul3A_0, %arg1 : i32
    %eq3A = arith.constant 0 : i32
    %eq3A_1 = arith.cmpi eq, %arg0, %eq3A : i32
    %jit3A = arith.constant 80 : i32
    %jit3A_2 = arith.constant 80 : i32
    %select_n3A = arith.select %eq3A_1, %jit3A, %jit3A_2 : i32
    %mul3A_3 = arith.constant 640 : i32
    %mul3A_4 = arith.muli %arg1, %mul3A_3 : i32
    "tpu.region"() ({
      %run_scoped3A_49 = tpu.sem_alloc : memref<!tpu.dma_semaphore, #tpu.memory_space<semaphore_mem>>
      %dma_start3A_50 = arith.constant 0 : i32
      %dma_start3A_51 = tpu.memref_slice %arg13[%mul3A_4, %dma_start3A_50] : memref<10240x128xf32, #tpu.memory_space<vmem_shared>> -> memref<640x128xf32, #tpu.memory_space<vmem_shared>>
      tpu.enqueue_dma source(%arg5 : memref<640x128xf32, #tpu.memory_space<hbm>>) target(%dma_start3A_51 : memref<640x128xf32, #tpu.memory_space<vmem_shared>>) target_semaphore(%run_scoped3A_49 : memref<!tpu.dma_semaphore, #tpu.memory_space<semaphore_mem>>)
      %dma_wait3A = arith.constant 0 : i32
      %dma_wait3A_52 = tpu.memref_slice %arg13[%mul3A_4, %dma_wait3A] : memref<10240x128xf32, #tpu.memory_space<vmem_shared>> -> memref<640x128xf32, #tpu.memory_space<vmem_shared>>
      tpu.wait_dma2 semaphore(%run_scoped3A_49 : memref<!tpu.dma_semaphore, #tpu.memory_space<semaphore_mem>>) src(%arg5 : memref<640x128xf32, #tpu.memory_space<hbm>>) dst(%dma_wait3A_52 : memref<640x128xf32, #tpu.memory_space<vmem_shared>>)
      tpu.yield
    }) : () -> ()
    %barrier3A = arith.constant 0 : index
    tpu.barrier barrier_id(%barrier3A)
    %run_scoped3A = arith.constant 0 : i32
    "tpu.region"() ({
      %run_scoped3A_49 = tpu.sem_alloc : memref<!tpu.dma_semaphore, #tpu.memory_space<semaphore_mem>>
      %dma_start3A_50 = arith.constant 0 : i32
      %dma_start3A_51 = tpu.memref_slice %arg2[%add3A, %run_scoped3A, %dma_start3A_50] : memref<32x80x128xi32, #tpu.memory_space<hbm>> -> memref<1x1x128xi32, #tpu.memory_space<hbm>>
      %dma_start3A_52 = tpu.memref_squeeze %dma_start3A_51 : memref<1x1x128xi32, #tpu.memory_space<hbm>> -> memref<128xi32, #tpu.memory_space<hbm>>
      %dma_start3A_53 = arith.constant 0 : i32
      %dma_start3A_54 = tpu.memref_slice %arg2[%add3A, %run_scoped3A, %dma_start3A_53] : memref<32x80x128xi32, #tpu.memory_space<hbm>> -> memref<1x1x128xi32, #tpu.memory_space<hbm>>
      %dma_start3A_55 = tpu.memref_squeeze %dma_start3A_54 : memref<1x1x128xi32, #tpu.memory_space<hbm>> -> memref<128xi32, #tpu.memory_space<hbm>>
      tpu.enqueue_dma source(%dma_start3A_55 : memref<128xi32, #tpu.memory_space<hbm>>) target(%arg7 : memref<128xi32, #tpu.memory_space<vmem>>) target_semaphore(%run_scoped3A_49 : memref<!tpu.dma_semaphore, #tpu.memory_space<semaphore_mem>>)
      %dma_wait3A = arith.constant 0 : i32
      %dma_wait3A_56 = tpu.memref_slice %arg2[%add3A, %run_scoped3A, %dma_wait3A] : memref<32x80x128xi32, #tpu.memory_space<hbm>> -> memref<1x1x128xi32, #tpu.memory_space<hbm>>
      %dma_wait3A_57 = tpu.memref_squeeze %dma_wait3A_56 : memref<1x1x128xi32, #tpu.memory_space<hbm>> -> memref<128xi32, #tpu.memory_space<hbm>>
      %dma_wait3A_58 = arith.constant 0 : i32
      %dma_wait3A_59 = tpu.memref_slice %arg2[%add3A, %run_scoped3A, %dma_wait3A_58] : memref<32x80x128xi32, #tpu.memory_space<hbm>> -> memref<1x1x128xi32, #tpu.memory_space<hbm>>
      %dma_wait3A_60 = tpu.memref_squeeze %dma_wait3A_59 : memref<1x1x128xi32, #tpu.memory_space<hbm>> -> memref<128xi32, #tpu.memory_space<hbm>>
      tpu.wait_dma2 semaphore(%run_scoped3A_49 : memref<!tpu.dma_semaphore, #tpu.memory_space<semaphore_mem>>) src(%dma_wait3A_60 : memref<128xi32, #tpu.memory_space<hbm>>) dst(%arg7 : memref<128xi32, #tpu.memory_space<vmem>>)
      tpu.yield
    }) : () -> ()
    %run_scoped3A_5 = arith.constant 0 : i32
    "tpu.region"() ({
      %run_scoped3A_49 = tpu.sem_alloc : memref<!tpu.dma_semaphore, #tpu.memory_space<semaphore_mem>>
      %dma_start3A_50 = arith.constant 0 : i32
      %dma_start3A_51 = tpu.memref_slice %arg3[%add3A, %run_scoped3A_5, %dma_start3A_50] : memref<32x80x128xi32, #tpu.memory_space<hbm>> -> memref<1x1x128xi32, #tpu.memory_space<hbm>>
      %dma_start3A_52 = tpu.memref_squeeze %dma_start3A_51 : memref<1x1x128xi32, #tpu.memory_space<hbm>> -> memref<128xi32, #tpu.memory_space<hbm>>
      %dma_start3A_53 = arith.constant 0 : i32
      %dma_start3A_54 = tpu.memref_slice %arg3[%add3A, %run_scoped3A_5, %dma_start3A_53] : memref<32x80x128xi32, #tpu.memory_space<hbm>> -> memref<1x1x128xi32, #tpu.memory_space<hbm>>
      %dma_start3A_55 = tpu.memref_squeeze %dma_start3A_54 : memref<1x1x128xi32, #tpu.memory_space<hbm>> -> memref<128xi32, #tpu.memory_space<hbm>>
      tpu.enqueue_dma source(%dma_start3A_55 : memref<128xi32, #tpu.memory_space<hbm>>) target(%arg8 : memref<128xi32, #tpu.memory_space<vmem>>) target_semaphore(%run_scoped3A_49 : memref<!tpu.dma_semaphore, #tpu.memory_space<semaphore_mem>>)
      %dma_wait3A = arith.constant 0 : i32
      %dma_wait3A_56 = tpu.memref_slice %arg3[%add3A, %run_scoped3A_5, %dma_wait3A] : memref<32x80x128xi32, #tpu.memory_space<hbm>> -> memref<1x1x128xi32, #tpu.memory_space<hbm>>
      %dma_wait3A_57 = tpu.memref_squeeze %dma_wait3A_56 : memref<1x1x128xi32, #tpu.memory_space<hbm>> -> memref<128xi32, #tpu.memory_space<hbm>>
      %dma_wait3A_58 = arith.constant 0 : i32
      %dma_wait3A_59 = tpu.memref_slice %arg3[%add3A, %run_scoped3A_5, %dma_wait3A_58] : memref<32x80x128xi32, #tpu.memory_space<hbm>> -> memref<1x1x128xi32, #tpu.memory_space<hbm>>
      %dma_wait3A_60 = tpu.memref_squeeze %dma_wait3A_59 : memref<1x1x128xi32, #tpu.memory_space<hbm>> -> memref<128xi32, #tpu.memory_space<hbm>>
      tpu.wait_dma2 semaphore(%run_scoped3A_49 : memref<!tpu.dma_semaphore, #tpu.memory_space<semaphore_mem>>) src(%dma_wait3A_60 : memref<128xi32, #tpu.memory_space<hbm>>) dst(%arg8 : memref<128xi32, #tpu.memory_space<vmem>>)
      tpu.yield
    }) : () -> ()
    %dma_start3A = arith.constant 0 : i32
    %dma_start3A_6 = arith.constant 0 : i32
    %dma_start3A_7 = tpu.memref_slice %arg4[%dma_start3A, %dma_start3A_6] : memref<10000x128xf32, #tpu.memory_space<hbm>> -> memref<10000x128xf32, #tpu.memory_space<hbm>>
    tpu.enqueue_indirect_dma source(%dma_start3A_7 : memref<10000x128xf32, #tpu.memory_space<hbm>>) target(%arg11 : memref<128x128xf32, #tpu.memory_space<vmem>>) offsets(%arg7 : memref<128xi32, #tpu.memory_space<vmem>>) semaphore(%arg14 : memref<!tpu.dma_semaphore, #tpu.memory_space<semaphore_mem>>)
    %jit3A_8 = arith.constant 2 : i32
    %div3A = arith.divsi %select_n3A, %jit3A_8 : i32
    %sign3A = arith.constant 0 : i32
    %sign3A_9 = arith.cmpi sgt, %select_n3A, %sign3A : i32
    %sign3A_10 = arith.extui %sign3A_9 : i1 to i32
    %sign3A_11 = arith.constant 0 : i32
    %sign3A_12 = arith.cmpi slt, %select_n3A, %sign3A_11 : i32
    %sign3A_13 = arith.extui %sign3A_12 : i1 to i32
    %sign3A_14 = arith.subi %sign3A_10, %sign3A_13 : i32
    %sign3A_15 = arith.constant 0 : i32
    %sign3A_16 = arith.cmpi sgt, %jit3A_8, %sign3A_15 : i32
    %sign3A_17 = arith.extui %sign3A_16 : i1 to i32
    %sign3A_18 = arith.constant 0 : i32
    %sign3A_19 = arith.cmpi slt, %jit3A_8, %sign3A_18 : i32
    %sign3A_20 = arith.extui %sign3A_19 : i1 to i32
    %sign3A_21 = arith.subi %sign3A_17, %sign3A_20 : i32
    %ne3A = arith.cmpi ne, %sign3A_14, %sign3A_21 : i32
    %rem3A = arith.remsi %select_n3A, %jit3A_8 : i32
    %ne3A_22 = arith.constant 0 : i32
    %ne3A_23 = arith.cmpi ne, %rem3A, %ne3A_22 : i32
    %and3A = arith.andi %ne3A, %ne3A_23 : i1
    %sub3A = arith.constant 1 : i32
    %sub3A_24 = arith.subi %div3A, %sub3A : i32
    %select_n3A_25 = arith.select %and3A, %sub3A_24, %div3A : i32
    %sub3A_26 = arith.constant 0 : i32
    %sub3A_27 = arith.subi %select_n3A_25, %sub3A_26 : i32
    %sub3A_28 = arith.constant 1 : i32
    %sub3A_29 = arith.constant 1 : i32
    %sub3A_30 = arith.subi %sub3A_28, %sub3A_29 : i32
    %add3A_31 = arith.addi %sub3A_27, %sub3A_30 : i32
    %div3A_32 = arith.constant 1 : i32
    %div3A_33 = arith.divsi %add3A_31, %div3A_32 : i32
    %while3A = arith.constant 1 : i32
    %while3A_34 = arith.constant 0 : i32
    %while3A_35 = arith.constant 0 : i32
    %while3A_36 = arith.subi %div3A_33, %while3A_35 : i32
    %while3A_37 = arith.addi %while3A_35, %while3A_36 : i32
    %while3A_38 = arith.constant 1 : i32
    %while3A_39 = arith.divsi %while3A_36, %while3A_38 : i32
    %while3A_40 = arith.muli %while3A_39, %while3A_38 : i32
    %while3A_41 = arith.addi %while3A_35, %while3A_40 : i32
    %while3A_42 = arith.constant 1 : i32
    scf.for %while3A_49 = %while3A_35 to %while3A_41 step %while3A_42  : i32 {
      %mul3A_50 = arith.muli %while3A_49, %while3A : i32
      %add3A_51 = arith.addi %while3A_34, %mul3A_50 : i32
      %mul3A_52 = arith.constant 2 : i32
      %mul3A_53 = arith.muli %add3A_51, %mul3A_52 : i32
      %add3A_54 = arith.constant 1 : i32
      %add3A_55 = arith.addi %mul3A_53, %add3A_54 : i32
      "tpu.region"() ({
        %run_scoped3A_67 = tpu.sem_alloc : memref<!tpu.dma_semaphore, #tpu.memory_space<semaphore_mem>>
        %dma_start3A_68 = arith.constant 0 : i32
        %dma_start3A_69 = tpu.memref_slice %arg2[%add3A, %add3A_55, %dma_start3A_68] : memref<32x80x128xi32, #tpu.memory_space<hbm>> -> memref<1x1x128xi32, #tpu.memory_space<hbm>>
        %dma_start3A_70 = tpu.memref_squeeze %dma_start3A_69 : memref<1x1x128xi32, #tpu.memory_space<hbm>> -> memref<128xi32, #tpu.memory_space<hbm>>
        %dma_start3A_71 = arith.constant 0 : i32
        %dma_start3A_72 = tpu.memref_slice %arg2[%add3A, %add3A_55, %dma_start3A_71] : memref<32x80x128xi32, #tpu.memory_space<hbm>> -> memref<1x1x128xi32, #tpu.memory_space<hbm>>
        %dma_start3A_73 = tpu.memref_squeeze %dma_start3A_72 : memref<1x1x128xi32, #tpu.memory_space<hbm>> -> memref<128xi32, #tpu.memory_space<hbm>>
        tpu.enqueue_dma source(%dma_start3A_73 : memref<128xi32, #tpu.memory_space<hbm>>) target(%arg9 : memref<128xi32, #tpu.memory_space<vmem>>) target_semaphore(%run_scoped3A_67 : memref<!tpu.dma_semaphore, #tpu.memory_space<semaphore_mem>>)
        %dma_wait3A_74 = arith.constant 0 : i32
        %dma_wait3A_75 = tpu.memref_slice %arg2[%add3A, %add3A_55, %dma_wait3A_74] : memref<32x80x128xi32, #tpu.memory_space<hbm>> -> memref<1x1x128xi32, #tpu.memory_space<hbm>>
        %dma_wait3A_76 = tpu.memref_squeeze %dma_wait3A_75 : memref<1x1x128xi32, #tpu.memory_space<hbm>> -> memref<128xi32, #tpu.memory_space<hbm>>
        %dma_wait3A_77 = arith.constant 0 : i32
        %dma_wait3A_78 = tpu.memref_slice %arg2[%add3A, %add3A_55, %dma_wait3A_77] : memref<32x80x128xi32, #tpu.memory_space<hbm>> -> memref<1x1x128xi32, #tpu.memory_space<hbm>>
        %dma_wait3A_79 = tpu.memref_squeeze %dma_wait3A_78 : memref<1x1x128xi32, #tpu.memory_space<hbm>> -> memref<128xi32, #tpu.memory_space<hbm>>
        tpu.wait_dma2 semaphore(%run_scoped3A_67 : memref<!tpu.dma_semaphore, #tpu.memory_space<semaphore_mem>>) src(%dma_wait3A_79 : memref<128xi32, #tpu.memory_space<hbm>>) dst(%arg9 : memref<128xi32, #tpu.memory_space<vmem>>)
        tpu.yield
      }) : () -> ()
      "tpu.region"() ({
        %run_scoped3A_67 = tpu.sem_alloc : memref<!tpu.dma_semaphore, #tpu.memory_space<semaphore_mem>>
        %dma_start3A_68 = arith.constant 0 : i32
        %dma_start3A_69 = tpu.memref_slice %arg3[%add3A, %add3A_55, %dma_start3A_68] : memref<32x80x128xi32, #tpu.memory_space<hbm>> -> memref<1x1x128xi32, #tpu.memory_space<hbm>>
        %dma_start3A_70 = tpu.memref_squeeze %dma_start3A_69 : memref<1x1x128xi32, #tpu.memory_space<hbm>> -> memref<128xi32, #tpu.memory_space<hbm>>
        %dma_start3A_71 = arith.constant 0 : i32
        %dma_start3A_72 = tpu.memref_slice %arg3[%add3A, %add3A_55, %dma_start3A_71] : memref<32x80x128xi32, #tpu.memory_space<hbm>> -> memref<1x1x128xi32, #tpu.memory_space<hbm>>
        %dma_start3A_73 = tpu.memref_squeeze %dma_start3A_72 : memref<1x1x128xi32, #tpu.memory_space<hbm>> -> memref<128xi32, #tpu.memory_space<hbm>>
        tpu.enqueue_dma source(%dma_start3A_73 : memref<128xi32, #tpu.memory_space<hbm>>) target(%arg10 : memref<128xi32, #tpu.memory_space<vmem>>) target_semaphore(%run_scoped3A_67 : memref<!tpu.dma_semaphore, #tpu.memory_space<semaphore_mem>>)
        %dma_wait3A_74 = arith.constant 0 : i32
        %dma_wait3A_75 = tpu.memref_slice %arg3[%add3A, %add3A_55, %dma_wait3A_74] : memref<32x80x128xi32, #tpu.memory_space<hbm>> -> memref<1x1x128xi32, #tpu.memory_space<hbm>>
        %dma_wait3A_76 = tpu.memref_squeeze %dma_wait3A_75 : memref<1x1x128xi32, #tpu.memory_space<hbm>> -> memref<128xi32, #tpu.memory_space<hbm>>
        %dma_wait3A_77 = arith.constant 0 : i32
        %dma_wait3A_78 = tpu.memref_slice %arg3[%add3A, %add3A_55, %dma_wait3A_77] : memref<32x80x128xi32, #tpu.memory_space<hbm>> -> memref<1x1x128xi32, #tpu.memory_space<hbm>>
        %dma_wait3A_79 = tpu.memref_squeeze %dma_wait3A_78 : memref<1x1x128xi32, #tpu.memory_space<hbm>> -> memref<128xi32, #tpu.memory_space<hbm>>
        tpu.wait_dma2 semaphore(%run_scoped3A_67 : memref<!tpu.dma_semaphore, #tpu.memory_space<semaphore_mem>>) src(%dma_wait3A_79 : memref<128xi32, #tpu.memory_space<hbm>>) dst(%arg10 : memref<128xi32, #tpu.memory_space<vmem>>)
        tpu.yield
      }) : () -> ()
      %dma_start3A_56 = arith.constant 0 : i32
      %dma_start3A_57 = arith.constant 0 : i32
      %dma_start3A_58 = tpu.memref_slice %arg4[%dma_start3A_56, %dma_start3A_57] : memref<10000x128xf32, #tpu.memory_space<hbm>> -> memref<10000x128xf32, #tpu.memory_space<hbm>>
      tpu.enqueue_indirect_dma source(%dma_start3A_58 : memref<10000x128xf32, #tpu.memory_space<hbm>>) target(%arg12 : memref<128x128xf32, #tpu.memory_space<vmem>>) offsets(%arg9 : memref<128xi32, #tpu.memory_space<vmem>>) semaphore(%arg15 : memref<!tpu.dma_semaphore, #tpu.memory_space<semaphore_mem>>)
      %dma_wait3A = arith.constant 0 : i32
      %dma_wait3A_59 = arith.constant 0 : i32
      %dma_wait3A_60 = tpu.memref_slice %arg4[%dma_wait3A, %dma_wait3A_59] : memref<10000x128xf32, #tpu.memory_space<hbm>> -> memref<10000x128xf32, #tpu.memory_space<hbm>>
      tpu.wait_indirect_dma semaphore(%arg14 : memref<!tpu.dma_semaphore, #tpu.memory_space<semaphore_mem>>) src(%dma_wait3A_60 : memref<10000x128xf32, #tpu.memory_space<hbm>>) dst(%arg11 : memref<128x128xf32, #tpu.memory_space<vmem>>)
      "tpu.region"() ({
        %run_scoped3A_67 = tpu.sem_alloc : memref<!tpu.dma_semaphore, #tpu.memory_space<semaphore_mem>>
        %dma_start3A_68 = arith.constant 0 : i32
        %dma_start3A_69 = arith.constant 0 : i32
        %dma_start3A_70 = tpu.memref_slice %arg13[%dma_start3A_68, %dma_start3A_69] : memref<10240x128xf32, #tpu.memory_space<vmem_shared>> -> memref<10240x128xf32, #tpu.memory_space<vmem_shared>>
        tpu.enqueue_indirect_dma source(%arg11 : memref<128x128xf32, #tpu.memory_space<vmem>>) target(%dma_start3A_70 : memref<10240x128xf32, #tpu.memory_space<vmem_shared>>) offsets(%arg8 : memref<128xi32, #tpu.memory_space<vmem>>) semaphore(%run_scoped3A_67 : memref<!tpu.dma_semaphore, #tpu.memory_space<semaphore_mem>>) {add = true}
        %dma_wait3A_71 = arith.constant 0 : i32
        %dma_wait3A_72 = arith.constant 0 : i32
        %dma_wait3A_73 = tpu.memref_slice %arg13[%dma_wait3A_71, %dma_wait3A_72] : memref<10240x128xf32, #tpu.memory_space<vmem_shared>> -> memref<10240x128xf32, #tpu.memory_space<vmem_shared>>
        tpu.wait_indirect_dma semaphore(%run_scoped3A_67 : memref<!tpu.dma_semaphore, #tpu.memory_space<semaphore_mem>>) src(%arg11 : memref<128x128xf32, #tpu.memory_space<vmem>>) dst(%dma_wait3A_73 : memref<10240x128xf32, #tpu.memory_space<vmem_shared>>)
        tpu.yield
      }) : () -> ()
      %add3A_61 = arith.constant 2 : i32
      %add3A_62 = arith.addi %mul3A_53, %add3A_61 : i32
      %lt3A = arith.cmpi slt, %add3A_62, %select_n3A : i32
      %convert_element_type3A = arith.extui %lt3A : i1 to i32
      %cond3A = arith.constant 0 : i32
      %cond3A_63 = arith.cmpi ne, %convert_element_type3A, %cond3A : i32
      scf.if %cond3A_63 {
        %add3A_67 = arith.constant 2 : i32
        %add3A_68 = arith.addi %mul3A_53, %add3A_67 : i32
        "tpu.region"() ({
          %run_scoped3A_72 = tpu.sem_alloc : memref<!tpu.dma_semaphore, #tpu.memory_space<semaphore_mem>>
          %dma_start3A_73 = arith.constant 0 : i32
          %dma_start3A_74 = tpu.memref_slice %arg2[%add3A, %add3A_68, %dma_start3A_73] : memref<32x80x128xi32, #tpu.memory_space<hbm>> -> memref<1x1x128xi32, #tpu.memory_space<hbm>>
          %dma_start3A_75 = tpu.memref_squeeze %dma_start3A_74 : memref<1x1x128xi32, #tpu.memory_space<hbm>> -> memref<128xi32, #tpu.memory_space<hbm>>
          %dma_start3A_76 = arith.constant 0 : i32
          %dma_start3A_77 = tpu.memref_slice %arg2[%add3A, %add3A_68, %dma_start3A_76] : memref<32x80x128xi32, #tpu.memory_space<hbm>> -> memref<1x1x128xi32, #tpu.memory_space<hbm>>
          %dma_start3A_78 = tpu.memref_squeeze %dma_start3A_77 : memref<1x1x128xi32, #tpu.memory_space<hbm>> -> memref<128xi32, #tpu.memory_space<hbm>>
          tpu.enqueue_dma source(%dma_start3A_78 : memref<128xi32, #tpu.memory_space<hbm>>) target(%arg7 : memref<128xi32, #tpu.memory_space<vmem>>) target_semaphore(%run_scoped3A_72 : memref<!tpu.dma_semaphore, #tpu.memory_space<semaphore_mem>>)
          %dma_wait3A_79 = arith.constant 0 : i32
          %dma_wait3A_80 = tpu.memref_slice %arg2[%add3A, %add3A_68, %dma_wait3A_79] : memref<32x80x128xi32, #tpu.memory_space<hbm>> -> memref<1x1x128xi32, #tpu.memory_space<hbm>>
          %dma_wait3A_81 = tpu.memref_squeeze %dma_wait3A_80 : memref<1x1x128xi32, #tpu.memory_space<hbm>> -> memref<128xi32, #tpu.memory_space<hbm>>
          %dma_wait3A_82 = arith.constant 0 : i32
          %dma_wait3A_83 = tpu.memref_slice %arg2[%add3A, %add3A_68, %dma_wait3A_82] : memref<32x80x128xi32, #tpu.memory_space<hbm>> -> memref<1x1x128xi32, #tpu.memory_space<hbm>>
          %dma_wait3A_84 = tpu.memref_squeeze %dma_wait3A_83 : memref<1x1x128xi32, #tpu.memory_space<hbm>> -> memref<128xi32, #tpu.memory_space<hbm>>
          tpu.wait_dma2 semaphore(%run_scoped3A_72 : memref<!tpu.dma_semaphore, #tpu.memory_space<semaphore_mem>>) src(%dma_wait3A_84 : memref<128xi32, #tpu.memory_space<hbm>>) dst(%arg7 : memref<128xi32, #tpu.memory_space<vmem>>)
          tpu.yield
        }) : () -> ()
        "tpu.region"() ({
          %run_scoped3A_72 = tpu.sem_alloc : memref<!tpu.dma_semaphore, #tpu.memory_space<semaphore_mem>>
          %dma_start3A_73 = arith.constant 0 : i32
          %dma_start3A_74 = tpu.memref_slice %arg3[%add3A, %add3A_68, %dma_start3A_73] : memref<32x80x128xi32, #tpu.memory_space<hbm>> -> memref<1x1x128xi32, #tpu.memory_space<hbm>>
          %dma_start3A_75 = tpu.memref_squeeze %dma_start3A_74 : memref<1x1x128xi32, #tpu.memory_space<hbm>> -> memref<128xi32, #tpu.memory_space<hbm>>
          %dma_start3A_76 = arith.constant 0 : i32
          %dma_start3A_77 = tpu.memref_slice %arg3[%add3A, %add3A_68, %dma_start3A_76] : memref<32x80x128xi32, #tpu.memory_space<hbm>> -> memref<1x1x128xi32, #tpu.memory_space<hbm>>
          %dma_start3A_78 = tpu.memref_squeeze %dma_start3A_77 : memref<1x1x128xi32, #tpu.memory_space<hbm>> -> memref<128xi32, #tpu.memory_space<hbm>>
          tpu.enqueue_dma source(%dma_start3A_78 : memref<128xi32, #tpu.memory_space<hbm>>) target(%arg8 : memref<128xi32, #tpu.memory_space<vmem>>) target_semaphore(%run_scoped3A_72 : memref<!tpu.dma_semaphore, #tpu.memory_space<semaphore_mem>>)
          %dma_wait3A_79 = arith.constant 0 : i32
          %dma_wait3A_80 = tpu.memref_slice %arg3[%add3A, %add3A_68, %dma_wait3A_79] : memref<32x80x128xi32, #tpu.memory_space<hbm>> -> memref<1x1x128xi32, #tpu.memory_space<hbm>>
          %dma_wait3A_81 = tpu.memref_squeeze %dma_wait3A_80 : memref<1x1x128xi32, #tpu.memory_space<hbm>> -> memref<128xi32, #tpu.memory_space<hbm>>
          %dma_wait3A_82 = arith.constant 0 : i32
          %dma_wait3A_83 = tpu.memref_slice %arg3[%add3A, %add3A_68, %dma_wait3A_82] : memref<32x80x128xi32, #tpu.memory_space<hbm>> -> memref<1x1x128xi32, #tpu.memory_space<hbm>>
          %dma_wait3A_84 = tpu.memref_squeeze %dma_wait3A_83 : memref<1x1x128xi32, #tpu.memory_space<hbm>> -> memref<128xi32, #tpu.memory_space<hbm>>
          tpu.wait_dma2 semaphore(%run_scoped3A_72 : memref<!tpu.dma_semaphore, #tpu.memory_space<semaphore_mem>>) src(%dma_wait3A_84 : memref<128xi32, #tpu.memory_space<hbm>>) dst(%arg8 : memref<128xi32, #tpu.memory_space<vmem>>)
          tpu.yield
        }) : () -> ()
        %dma_start3A_69 = arith.constant 0 : i32
        %dma_start3A_70 = arith.constant 0 : i32
        %dma_start3A_71 = tpu.memref_slice %arg4[%dma_start3A_69, %dma_start3A_70] : memref<10000x128xf32, #tpu.memory_space<hbm>> -> memref<10000x128xf32, #tpu.memory_space<hbm>>
        tpu.enqueue_indirect_dma source(%dma_start3A_71 : memref<10000x128xf32, #tpu.memory_space<hbm>>) target(%arg11 : memref<128x128xf32, #tpu.memory_space<vmem>>) offsets(%arg7 : memref<128xi32, #tpu.memory_space<vmem>>) semaphore(%arg14 : memref<!tpu.dma_semaphore, #tpu.memory_space<semaphore_mem>>)
      } else {
      }
      %dma_wait3A_64 = arith.constant 0 : i32
      %dma_wait3A_65 = arith.constant 0 : i32
      %dma_wait3A_66 = tpu.memref_slice %arg4[%dma_wait3A_64, %dma_wait3A_65] : memref<10000x128xf32, #tpu.memory_space<hbm>> -> memref<10000x128xf32, #tpu.memory_space<hbm>>
      tpu.wait_indirect_dma semaphore(%arg15 : memref<!tpu.dma_semaphore, #tpu.memory_space<semaphore_mem>>) src(%dma_wait3A_66 : memref<10000x128xf32, #tpu.memory_space<hbm>>) dst(%arg12 : memref<128x128xf32, #tpu.memory_space<vmem>>)
      "tpu.region"() ({
        %run_scoped3A_67 = tpu.sem_alloc : memref<!tpu.dma_semaphore, #tpu.memory_space<semaphore_mem>>
        %dma_start3A_68 = arith.constant 0 : i32
        %dma_start3A_69 = arith.constant 0 : i32
        %dma_start3A_70 = tpu.memref_slice %arg13[%dma_start3A_68, %dma_start3A_69] : memref<10240x128xf32, #tpu.memory_space<vmem_shared>> -> memref<10240x128xf32, #tpu.memory_space<vmem_shared>>
        tpu.enqueue_indirect_dma source(%arg12 : memref<128x128xf32, #tpu.memory_space<vmem>>) target(%dma_start3A_70 : memref<10240x128xf32, #tpu.memory_space<vmem_shared>>) offsets(%arg10 : memref<128xi32, #tpu.memory_space<vmem>>) semaphore(%run_scoped3A_67 : memref<!tpu.dma_semaphore, #tpu.memory_space<semaphore_mem>>) {add = true}
        %dma_wait3A_71 = arith.constant 0 : i32
        %dma_wait3A_72 = arith.constant 0 : i32
        %dma_wait3A_73 = tpu.memref_slice %arg13[%dma_wait3A_71, %dma_wait3A_72] : memref<10240x128xf32, #tpu.memory_space<vmem_shared>> -> memref<10240x128xf32, #tpu.memory_space<vmem_shared>>
        tpu.wait_indirect_dma semaphore(%run_scoped3A_67 : memref<!tpu.dma_semaphore, #tpu.memory_space<semaphore_mem>>) src(%arg12 : memref<128x128xf32, #tpu.memory_space<vmem>>) dst(%dma_wait3A_73 : memref<10240x128xf32, #tpu.memory_space<vmem_shared>>)
        tpu.yield
      }) : () -> ()
    }
    %while3A_43 = arith.constant 1 : i32
    scf.for %while3A_49 = %while3A_41 to %while3A_37 step %while3A_43  : i32 {
      %mul3A_50 = arith.muli %while3A_49, %while3A : i32
      %add3A_51 = arith.addi %while3A_34, %mul3A_50 : i32
      %mul3A_52 = arith.constant 2 : i32
      %mul3A_53 = arith.muli %add3A_51, %mul3A_52 : i32
      %add3A_54 = arith.constant 1 : i32
      %add3A_55 = arith.addi %mul3A_53, %add3A_54 : i32
      "tpu.region"() ({
        %run_scoped3A_67 = tpu.sem_alloc : memref<!tpu.dma_semaphore, #tpu.memory_space<semaphore_mem>>
        %dma_start3A_68 = arith.constant 0 : i32
        %dma_start3A_69 = tpu.memref_slice %arg2[%add3A, %add3A_55, %dma_start3A_68] : memref<32x80x128xi32, #tpu.memory_space<hbm>> -> memref<1x1x128xi32, #tpu.memory_space<hbm>>
        %dma_start3A_70 = tpu.memref_squeeze %dma_start3A_69 : memref<1x1x128xi32, #tpu.memory_space<hbm>> -> memref<128xi32, #tpu.memory_space<hbm>>
        %dma_start3A_71 = arith.constant 0 : i32
        %dma_start3A_72 = tpu.memref_slice %arg2[%add3A, %add3A_55, %dma_start3A_71] : memref<32x80x128xi32, #tpu.memory_space<hbm>> -> memref<1x1x128xi32, #tpu.memory_space<hbm>>
        %dma_start3A_73 = tpu.memref_squeeze %dma_start3A_72 : memref<1x1x128xi32, #tpu.memory_space<hbm>> -> memref<128xi32, #tpu.memory_space<hbm>>
        tpu.enqueue_dma source(%dma_start3A_73 : memref<128xi32, #tpu.memory_space<hbm>>) target(%arg9 : memref<128xi32, #tpu.memory_space<vmem>>) target_semaphore(%run_scoped3A_67 : memref<!tpu.dma_semaphore, #tpu.memory_space<semaphore_mem>>)
        %dma_wait3A_74 = arith.constant 0 : i32
        %dma_wait3A_75 = tpu.memref_slice %arg2[%add3A, %add3A_55, %dma_wait3A_74] : memref<32x80x128xi32, #tpu.memory_space<hbm>> -> memref<1x1x128xi32, #tpu.memory_space<hbm>>
        %dma_wait3A_76 = tpu.memref_squeeze %dma_wait3A_75 : memref<1x1x128xi32, #tpu.memory_space<hbm>> -> memref<128xi32, #tpu.memory_space<hbm>>
        %dma_wait3A_77 = arith.constant 0 : i32
        %dma_wait3A_78 = tpu.memref_slice %arg2[%add3A, %add3A_55, %dma_wait3A_77] : memref<32x80x128xi32, #tpu.memory_space<hbm>> -> memref<1x1x128xi32, #tpu.memory_space<hbm>>
        %dma_wait3A_79 = tpu.memref_squeeze %dma_wait3A_78 : memref<1x1x128xi32, #tpu.memory_space<hbm>> -> memref<128xi32, #tpu.memory_space<hbm>>
        tpu.wait_dma2 semaphore(%run_scoped3A_67 : memref<!tpu.dma_semaphore, #tpu.memory_space<semaphore_mem>>) src(%dma_wait3A_79 : memref<128xi32, #tpu.memory_space<hbm>>) dst(%arg9 : memref<128xi32, #tpu.memory_space<vmem>>)
        tpu.yield
      }) : () -> ()
      "tpu.region"() ({
        %run_scoped3A_67 = tpu.sem_alloc : memref<!tpu.dma_semaphore, #tpu.memory_space<semaphore_mem>>
        %dma_start3A_68 = arith.constant 0 : i32
        %dma_start3A_69 = tpu.memref_slice %arg3[%add3A, %add3A_55, %dma_start3A_68] : memref<32x80x128xi32, #tpu.memory_space<hbm>> -> memref<1x1x128xi32, #tpu.memory_space<hbm>>
        %dma_start3A_70 = tpu.memref_squeeze %dma_start3A_69 : memref<1x1x128xi32, #tpu.memory_space<hbm>> -> memref<128xi32, #tpu.memory_space<hbm>>
        %dma_start3A_71 = arith.constant 0 : i32
        %dma_start3A_72 = tpu.memref_slice %arg3[%add3A, %add3A_55, %dma_start3A_71] : memref<32x80x128xi32, #tpu.memory_space<hbm>> -> memref<1x1x128xi32, #tpu.memory_space<hbm>>
        %dma_start3A_73 = tpu.memref_squeeze %dma_start3A_72 : memref<1x1x128xi32, #tpu.memory_space<hbm>> -> memref<128xi32, #tpu.memory_space<hbm>>
        tpu.enqueue_dma source(%dma_start3A_73 : memref<128xi32, #tpu.memory_space<hbm>>) target(%arg10 : memref<128xi32, #tpu.memory_space<vmem>>) target_semaphore(%run_scoped3A_67 : memref<!tpu.dma_semaphore, #tpu.memory_space<semaphore_mem>>)
        %dma_wait3A_74 = arith.constant 0 : i32
        %dma_wait3A_75 = tpu.memref_slice %arg3[%add3A, %add3A_55, %dma_wait3A_74] : memref<32x80x128xi32, #tpu.memory_space<hbm>> -> memref<1x1x128xi32, #tpu.memory_space<hbm>>
        %dma_wait3A_76 = tpu.memref_squeeze %dma_wait3A_75 : memref<1x1x128xi32, #tpu.memory_space<hbm>> -> memref<128xi32, #tpu.memory_space<hbm>>
        %dma_wait3A_77 = arith.constant 0 : i32
        %dma_wait3A_78 = tpu.memref_slice %arg3[%add3A, %add3A_55, %dma_wait3A_77] : memref<32x80x128xi32, #tpu.memory_space<hbm>> -> memref<1x1x128xi32, #tpu.memory_space<hbm>>
        %dma_wait3A_79 = tpu.memref_squeeze %dma_wait3A_78 : memref<1x1x128xi32, #tpu.memory_space<hbm>> -> memref<128xi32, #tpu.memory_space<hbm>>
        tpu.wait_dma2 semaphore(%run_scoped3A_67 : memref<!tpu.dma_semaphore, #tpu.memory_space<semaphore_mem>>) src(%dma_wait3A_79 : memref<128xi32, #tpu.memory_space<hbm>>) dst(%arg10 : memref<128xi32, #tpu.memory_space<vmem>>)
        tpu.yield
      }) : () -> ()
      %dma_start3A_56 = arith.constant 0 : i32
      %dma_start3A_57 = arith.constant 0 : i32
      %dma_start3A_58 = tpu.memref_slice %arg4[%dma_start3A_56, %dma_start3A_57] : memref<10000x128xf32, #tpu.memory_space<hbm>> -> memref<10000x128xf32, #tpu.memory_space<hbm>>
      tpu.enqueue_indirect_dma source(%dma_start3A_58 : memref<10000x128xf32, #tpu.memory_space<hbm>>) target(%arg12 : memref<128x128xf32, #tpu.memory_space<vmem>>) offsets(%arg9 : memref<128xi32, #tpu.memory_space<vmem>>) semaphore(%arg15 : memref<!tpu.dma_semaphore, #tpu.memory_space<semaphore_mem>>)
      %dma_wait3A = arith.constant 0 : i32
      %dma_wait3A_59 = arith.constant 0 : i32
      %dma_wait3A_60 = tpu.memref_slice %arg4[%dma_wait3A, %dma_wait3A_59] : memref<10000x128xf32, #tpu.memory_space<hbm>> -> memref<10000x128xf32, #tpu.memory_space<hbm>>
      tpu.wait_indirect_dma semaphore(%arg14 : memref<!tpu.dma_semaphore, #tpu.memory_space<semaphore_mem>>) src(%dma_wait3A_60 : memref<10000x128xf32, #tpu.memory_space<hbm>>) dst(%arg11 : memref<128x128xf32, #tpu.memory_space<vmem>>)
      "tpu.region"() ({
        %run_scoped3A_67 = tpu.sem_alloc : memref<!tpu.dma_semaphore, #tpu.memory_space<semaphore_mem>>
        %dma_start3A_68 = arith.constant 0 : i32
        %dma_start3A_69 = arith.constant 0 : i32
        %dma_start3A_70 = tpu.memref_slice %arg13[%dma_start3A_68, %dma_start3A_69] : memref<10240x128xf32, #tpu.memory_space<vmem_shared>> -> memref<10240x128xf32, #tpu.memory_space<vmem_shared>>
        tpu.enqueue_indirect_dma source(%arg11 : memref<128x128xf32, #tpu.memory_space<vmem>>) target(%dma_start3A_70 : memref<10240x128xf32, #tpu.memory_space<vmem_shared>>) offsets(%arg8 : memref<128xi32, #tpu.memory_space<vmem>>) semaphore(%run_scoped3A_67 : memref<!tpu.dma_semaphore, #tpu.memory_space<semaphore_mem>>) {add = true}
        %dma_wait3A_71 = arith.constant 0 : i32
        %dma_wait3A_72 = arith.constant 0 : i32
        %dma_wait3A_73 = tpu.memref_slice %arg13[%dma_wait3A_71, %dma_wait3A_72] : memref<10240x128xf32, #tpu.memory_space<vmem_shared>> -> memref<10240x128xf32, #tpu.memory_space<vmem_shared>>
        tpu.wait_indirect_dma semaphore(%run_scoped3A_67 : memref<!tpu.dma_semaphore, #tpu.memory_space<semaphore_mem>>) src(%arg11 : memref<128x128xf32, #tpu.memory_space<vmem>>) dst(%dma_wait3A_73 : memref<10240x128xf32, #tpu.memory_space<vmem_shared>>)
        tpu.yield
      }) : () -> ()
      %add3A_61 = arith.constant 2 : i32
      %add3A_62 = arith.addi %mul3A_53, %add3A_61 : i32
      %lt3A = arith.cmpi slt, %add3A_62, %select_n3A : i32
      %convert_element_type3A = arith.extui %lt3A : i1 to i32
      %cond3A = arith.constant 0 : i32
      %cond3A_63 = arith.cmpi ne, %convert_element_type3A, %cond3A : i32
      scf.if %cond3A_63 {
        %add3A_67 = arith.constant 2 : i32
        %add3A_68 = arith.addi %mul3A_53, %add3A_67 : i32
        "tpu.region"() ({
          %run_scoped3A_72 = tpu.sem_alloc : memref<!tpu.dma_semaphore, #tpu.memory_space<semaphore_mem>>
          %dma_start3A_73 = arith.constant 0 : i32
          %dma_start3A_74 = tpu.memref_slice %arg2[%add3A, %add3A_68, %dma_start3A_73] : memref<32x80x128xi32, #tpu.memory_space<hbm>> -> memref<1x1x128xi32, #tpu.memory_space<hbm>>
          %dma_start3A_75 = tpu.memref_squeeze %dma_start3A_74 : memref<1x1x128xi32, #tpu.memory_space<hbm>> -> memref<128xi32, #tpu.memory_space<hbm>>
          %dma_start3A_76 = arith.constant 0 : i32
          %dma_start3A_77 = tpu.memref_slice %arg2[%add3A, %add3A_68, %dma_start3A_76] : memref<32x80x128xi32, #tpu.memory_space<hbm>> -> memref<1x1x128xi32, #tpu.memory_space<hbm>>
          %dma_start3A_78 = tpu.memref_squeeze %dma_start3A_77 : memref<1x1x128xi32, #tpu.memory_space<hbm>> -> memref<128xi32, #tpu.memory_space<hbm>>
          tpu.enqueue_dma source(%dma_start3A_78 : memref<128xi32, #tpu.memory_space<hbm>>) target(%arg7 : memref<128xi32, #tpu.memory_space<vmem>>) target_semaphore(%run_scoped3A_72 : memref<!tpu.dma_semaphore, #tpu.memory_space<semaphore_mem>>)
          %dma_wait3A_79 = arith.constant 0 : i32
          %dma_wait3A_80 = tpu.memref_slice %arg2[%add3A, %add3A_68, %dma_wait3A_79] : memref<32x80x128xi32, #tpu.memory_space<hbm>> -> memref<1x1x128xi32, #tpu.memory_space<hbm>>
          %dma_wait3A_81 = tpu.memref_squeeze %dma_wait3A_80 : memref<1x1x128xi32, #tpu.memory_space<hbm>> -> memref<128xi32, #tpu.memory_space<hbm>>
          %dma_wait3A_82 = arith.constant 0 : i32
          %dma_wait3A_83 = tpu.memref_slice %arg2[%add3A, %add3A_68, %dma_wait3A_82] : memref<32x80x128xi32, #tpu.memory_space<hbm>> -> memref<1x1x128xi32, #tpu.memory_space<hbm>>
          %dma_wait3A_84 = tpu.memref_squeeze %dma_wait3A_83 : memref<1x1x128xi32, #tpu.memory_space<hbm>> -> memref<128xi32, #tpu.memory_space<hbm>>
          tpu.wait_dma2 semaphore(%run_scoped3A_72 : memref<!tpu.dma_semaphore, #tpu.memory_space<semaphore_mem>>) src(%dma_wait3A_84 : memref<128xi32, #tpu.memory_space<hbm>>) dst(%arg7 : memref<128xi32, #tpu.memory_space<vmem>>)
          tpu.yield
        }) : () -> ()
        "tpu.region"() ({
          %run_scoped3A_72 = tpu.sem_alloc : memref<!tpu.dma_semaphore, #tpu.memory_space<semaphore_mem>>
          %dma_start3A_73 = arith.constant 0 : i32
          %dma_start3A_74 = tpu.memref_slice %arg3[%add3A, %add3A_68, %dma_start3A_73] : memref<32x80x128xi32, #tpu.memory_space<hbm>> -> memref<1x1x128xi32, #tpu.memory_space<hbm>>
          %dma_start3A_75 = tpu.memref_squeeze %dma_start3A_74 : memref<1x1x128xi32, #tpu.memory_space<hbm>> -> memref<128xi32, #tpu.memory_space<hbm>>
          %dma_start3A_76 = arith.constant 0 : i32
          %dma_start3A_77 = tpu.memref_slice %arg3[%add3A, %add3A_68, %dma_start3A_76] : memref<32x80x128xi32, #tpu.memory_space<hbm>> -> memref<1x1x128xi32, #tpu.memory_space<hbm>>
          %dma_start3A_78 = tpu.memref_squeeze %dma_start3A_77 : memref<1x1x128xi32, #tpu.memory_space<hbm>> -> memref<128xi32, #tpu.memory_space<hbm>>
          tpu.enqueue_dma source(%dma_start3A_78 : memref<128xi32, #tpu.memory_space<hbm>>) target(%arg8 : memref<128xi32, #tpu.memory_space<vmem>>) target_semaphore(%run_scoped3A_72 : memref<!tpu.dma_semaphore, #tpu.memory_space<semaphore_mem>>)
          %dma_wait3A_79 = arith.constant 0 : i32
          %dma_wait3A_80 = tpu.memref_slice %arg3[%add3A, %add3A_68, %dma_wait3A_79] : memref<32x80x128xi32, #tpu.memory_space<hbm>> -> memref<1x1x128xi32, #tpu.memory_space<hbm>>
          %dma_wait3A_81 = tpu.memref_squeeze %dma_wait3A_80 : memref<1x1x128xi32, #tpu.memory_space<hbm>> -> memref<128xi32, #tpu.memory_space<hbm>>
          %dma_wait3A_82 = arith.constant 0 : i32
          %dma_wait3A_83 = tpu.memref_slice %arg3[%add3A, %add3A_68, %dma_wait3A_82] : memref<32x80x128xi32, #tpu.memory_space<hbm>> -> memref<1x1x128xi32, #tpu.memory_space<hbm>>
          %dma_wait3A_84 = tpu.memref_squeeze %dma_wait3A_83 : memref<1x1x128xi32, #tpu.memory_space<hbm>> -> memref<128xi32, #tpu.memory_space<hbm>>
          tpu.wait_dma2 semaphore(%run_scoped3A_72 : memref<!tpu.dma_semaphore, #tpu.memory_space<semaphore_mem>>) src(%dma_wait3A_84 : memref<128xi32, #tpu.memory_space<hbm>>) dst(%arg8 : memref<128xi32, #tpu.memory_space<vmem>>)
          tpu.yield
        }) : () -> ()
        %dma_start3A_69 = arith.constant 0 : i32
        %dma_start3A_70 = arith.constant 0 : i32
        %dma_start3A_71 = tpu.memref_slice %arg4[%dma_start3A_69, %dma_start3A_70] : memref<10000x128xf32, #tpu.memory_space<hbm>> -> memref<10000x128xf32, #tpu.memory_space<hbm>>
        tpu.enqueue_indirect_dma source(%dma_start3A_71 : memref<10000x128xf32, #tpu.memory_space<hbm>>) target(%arg11 : memref<128x128xf32, #tpu.memory_space<vmem>>) offsets(%arg7 : memref<128xi32, #tpu.memory_space<vmem>>) semaphore(%arg14 : memref<!tpu.dma_semaphore, #tpu.memory_space<semaphore_mem>>)
      } else {
      }
      %dma_wait3A_64 = arith.constant 0 : i32
      %dma_wait3A_65 = arith.constant 0 : i32
      %dma_wait3A_66 = tpu.memref_slice %arg4[%dma_wait3A_64, %dma_wait3A_65] : memref<10000x128xf32, #tpu.memory_space<hbm>> -> memref<10000x128xf32, #tpu.memory_space<hbm>>
      tpu.wait_indirect_dma semaphore(%arg15 : memref<!tpu.dma_semaphore, #tpu.memory_space<semaphore_mem>>) src(%dma_wait3A_66 : memref<10000x128xf32, #tpu.memory_space<hbm>>) dst(%arg12 : memref<128x128xf32, #tpu.memory_space<vmem>>)
      "tpu.region"() ({
        %run_scoped3A_67 = tpu.sem_alloc : memref<!tpu.dma_semaphore, #tpu.memory_space<semaphore_mem>>
        %dma_start3A_68 = arith.constant 0 : i32
        %dma_start3A_69 = arith.constant 0 : i32
        %dma_start3A_70 = tpu.memref_slice %arg13[%dma_start3A_68, %dma_start3A_69] : memref<10240x128xf32, #tpu.memory_space<vmem_shared>> -> memref<10240x128xf32, #tpu.memory_space<vmem_shared>>
        tpu.enqueue_indirect_dma source(%arg12 : memref<128x128xf32, #tpu.memory_space<vmem>>) target(%dma_start3A_70 : memref<10240x128xf32, #tpu.memory_space<vmem_shared>>) offsets(%arg10 : memref<128xi32, #tpu.memory_space<vmem>>) semaphore(%run_scoped3A_67 : memref<!tpu.dma_semaphore, #tpu.memory_space<semaphore_mem>>) {add = true}
        %dma_wait3A_71 = arith.constant 0 : i32
        %dma_wait3A_72 = arith.constant 0 : i32
        %dma_wait3A_73 = tpu.memref_slice %arg13[%dma_wait3A_71, %dma_wait3A_72] : memref<10240x128xf32, #tpu.memory_space<vmem_shared>> -> memref<10240x128xf32, #tpu.memory_space<vmem_shared>>
        tpu.wait_indirect_dma semaphore(%run_scoped3A_67 : memref<!tpu.dma_semaphore, #tpu.memory_space<semaphore_mem>>) src(%arg12 : memref<128x128xf32, #tpu.memory_space<vmem>>) dst(%dma_wait3A_73 : memref<10240x128xf32, #tpu.memory_space<vmem_shared>>)
        tpu.yield
      }) : () -> ()
    }
    %barrier3A_44 = arith.constant 0 : index
    tpu.barrier barrier_id(%barrier3A_44)
    %mul3A_45 = arith.constant 640 : i32
    %mul3A_46 = arith.muli %arg1, %mul3A_45 : i32
    %mul3A_47 = arith.constant 640 : i32
    %mul3A_48 = arith.muli %arg1, %mul3A_47 : i32
    "tpu.region"() ({
      %run_scoped3A_49 = tpu.sem_alloc : memref<!tpu.dma_semaphore, #tpu.memory_space<semaphore_mem>>
      %dma_start3A_50 = arith.constant 0 : i32
      %dma_start3A_51 = tpu.memref_slice %arg6[%arg0, %mul3A_48, %dma_start3A_50] : memref<2x10240x128xf32, #tpu.memory_space<hbm>> -> memref<1x640x128xf32, #tpu.memory_space<hbm>>
      %dma_start3A_52 = tpu.memref_squeeze %dma_start3A_51 : memref<1x640x128xf32, #tpu.memory_space<hbm>> -> memref<640x128xf32, #tpu.memory_space<hbm>>
      %dma_start3A_53 = arith.constant 0 : i32
      %dma_start3A_54 = tpu.memref_slice %arg13[%mul3A_46, %dma_start3A_53] : memref<10240x128xf32, #tpu.memory_space<vmem_shared>> -> memref<640x128xf32, #tpu.memory_space<vmem_shared>>
      tpu.enqueue_dma source(%dma_start3A_54 : memref<640x128xf32, #tpu.memory_space<vmem_shared>>) target(%dma_start3A_52 : memref<640x128xf32, #tpu.memory_space<hbm>>) target_semaphore(%run_scoped3A_49 : memref<!tpu.dma_semaphore, #tpu.memory_space<semaphore_mem>>)
      %dma_wait3A = arith.constant 0 : i32
      %dma_wait3A_55 = tpu.memref_slice %arg6[%arg0, %mul3A_48, %dma_wait3A] : memref<2x10240x128xf32, #tpu.memory_space<hbm>> -> memref<1x640x128xf32, #tpu.memory_space<hbm>>
      %dma_wait3A_56 = tpu.memref_squeeze %dma_wait3A_55 : memref<1x640x128xf32, #tpu.memory_space<hbm>> -> memref<640x128xf32, #tpu.memory_space<hbm>>
      %dma_wait3A_57 = arith.constant 0 : i32
      %dma_wait3A_58 = tpu.memref_slice %arg13[%mul3A_46, %dma_wait3A_57] : memref<10240x128xf32, #tpu.memory_space<vmem_shared>> -> memref<640x128xf32, #tpu.memory_space<vmem_shared>>
      tpu.wait_dma2 semaphore(%run_scoped3A_49 : memref<!tpu.dma_semaphore, #tpu.memory_space<semaphore_mem>>) src(%dma_wait3A_58 : memref<640x128xf32, #tpu.memory_space<vmem_shared>>) dst(%dma_wait3A_56 : memref<640x128xf32, #tpu.memory_space<hbm>>)
      tpu.yield
    }) : () -> ()
    return
  }
}

module attributes {stable_mosaic.version = 14 : i64} {
  func.func @_mlp_body(%arg0: i32, %arg1: memref<1000x128xf32, #tpu.memory_space<vmem>>, %arg2: memref<128x128xf32, #tpu.memory_space<vmem>>, %arg3: memref<1x128xf32, #tpu.memory_space<vmem>>, %arg4: memref<128x128xf32, #tpu.memory_space<vmem>>, %arg5: memref<1x128xf32, #tpu.memory_space<vmem>>, %arg6: memref<128x128xf32, #tpu.memory_space<vmem>>, %arg7: memref<1000x128xf32, #tpu.memory_space<vmem>>) attributes {dimension_semantics = [#tpu.dimension_semantics<arbitrary>], iteration_bounds = array<i64: 10>, scalar_prefetch = 0 : i64, scratch_operands = 0 : i64, tpu.core_type = #tpu.core_type<tc>, window_params = [{transform_indices = @transform_0, window_bounds = array<i64: 1000, 128>}, {pipeline_mode = #tpu.pipeline_mode<synchronous>, transform_indices = @transform_1, window_bounds = array<i64: 128, 128>}, {pipeline_mode = #tpu.pipeline_mode<synchronous>, transform_indices = @transform_2, window_bounds = array<i64: 1, 128>}, {pipeline_mode = #tpu.pipeline_mode<synchronous>, transform_indices = @transform_3, window_bounds = array<i64: 128, 128>}, {pipeline_mode = #tpu.pipeline_mode<synchronous>, transform_indices = @transform_4, window_bounds = array<i64: 1, 128>}, {pipeline_mode = #tpu.pipeline_mode<synchronous>, transform_indices = @transform_5, window_bounds = array<i64: 128, 128>}, {transform_indices = @transform_6, window_bounds = array<i64: 1000, 128>}]} {
    %lt3A = arith.constant 5 : i32
    %lt3A_0 = arith.cmpi slt, %arg0, %lt3A : i32
    %get3A = arith.constant 0 : index
    %get3A_1 = arith.constant 0 : index
    %get3A_2 = vector.load %arg2[%get3A, %get3A_1] : memref<128x128xf32, #tpu.memory_space<vmem>>, vector<128x128xf32>
    %get3A_3 = arith.constant 0 : index
    %get3A_4 = arith.constant 0 : index
    %get3A_5 = vector.load %arg4[%get3A_3, %get3A_4] : memref<128x128xf32, #tpu.memory_space<vmem>>, vector<128x128xf32>
    %select_n3A = arith.select %lt3A_0, %get3A_2, %get3A_5 : vector<128x128xf32>
    %get3A_6 = arith.constant 0 : index
    %get3A_7 = arith.constant 0 : index
    %get3A_8 = vector.load %arg3[%get3A_6, %get3A_7] : memref<1x128xf32, #tpu.memory_space<vmem>>, vector<1x128xf32>
    %get3A_9 = arith.constant 0 : index
    %get3A_10 = arith.constant 0 : index
    %get3A_11 = vector.load %arg5[%get3A_9, %get3A_10] : memref<1x128xf32, #tpu.memory_space<vmem>>, vector<1x128xf32>
    %select_n3A_12 = arith.select %lt3A_0, %get3A_8, %get3A_11 : vector<1x128xf32>
    %get3A_13 = arith.constant 0 : index
    %get3A_14 = arith.constant 0 : index
    %get3A_15 = vector.load %arg1[%get3A_13, %get3A_14] : memref<1000x128xf32, #tpu.memory_space<vmem>>, vector<1000x128xf32>
    %dot_general3A = arith.constant dense<0.000000e+00> : vector<1000x128xf32>
    %dot_general3A_16 = tpu.matmul %get3A_15, %select_n3A, %dot_general3A {dimension_numbers = #tpu.dot_dimension_numbers<[1], [0], [0], [1], [0, 0, 1, 1], [], []>, precision = #tpu.contract_precision<fp32>, transpose_lhs_hint = false} : vector<1000x128xf32>, vector<128x128xf32>, vector<1000x128xf32> -> vector<1000x128xf32>
    %add3A = vector.broadcast %select_n3A_12 : vector<1x128xf32> to vector<1000x128xf32>
    %add3A_17 = arith.addf %dot_general3A_16, %add3A : vector<1000x128xf32>
    %max3A = arith.constant 0.000000e+00 : f32
    %max3A_18 = vector.broadcast %max3A : f32 to vector<1000x128xf32>
    %max3A_19 = arith.maximumf %add3A_17, %max3A_18 : vector<1000x128xf32>
    %get3A_20 = arith.constant 0 : index
    %get3A_21 = arith.constant 0 : index
    %get3A_22 = vector.load %arg6[%get3A_20, %get3A_21] : memref<128x128xf32, #tpu.memory_space<vmem>>, vector<128x128xf32>
    %dot_general3A_23 = arith.constant dense<0.000000e+00> : vector<1000x128xf32>
    %dot_general3A_24 = tpu.matmul %max3A_19, %get3A_22, %dot_general3A_23 {dimension_numbers = #tpu.dot_dimension_numbers<[1], [0], [0], [1], [0, 0, 1, 1], [], []>, precision = #tpu.contract_precision<fp32>, transpose_lhs_hint = false} : vector<1000x128xf32>, vector<128x128xf32>, vector<1000x128xf32> -> vector<1000x128xf32>
    %swap3A = arith.constant 0 : index
    %swap3A_25 = arith.constant 0 : index
    %swap3A_26 = vector.load %arg7[%swap3A, %swap3A_25] : memref<1000x128xf32, #tpu.memory_space<vmem>>, vector<1000x128xf32>
    tpu.vector_store %arg7[%swap3A, %swap3A_25], %dot_general3A_24 {strides = array<i32>} : memref<1000x128xf32, #tpu.memory_space<vmem>>, vector<1000x128xf32>,
    return
  }
  func.func @transform_0(%arg0: i32) -> (i32, i32) {
    %c0_i32 = arith.constant 0 : i32
    %c0_i32_0 = arith.constant 0 : i32
    return %arg0, %c0_i32 : i32, i32
  }
  func.func @transform_1(%arg0: i32) -> (i32, i32) {
    %c0_i32 = arith.constant 0 : i32
    %c0_i32_0 = arith.constant 0 : i32
    %c0_i32_1 = arith.constant 0 : i32
    return %c0_i32, %c0_i32_0 : i32, i32
  }
  func.func @transform_2(%arg0: i32) -> (i32, i32) {
    %c0_i32 = arith.constant 0 : i32
    %c0_i32_0 = arith.constant 0 : i32
    %c0_i32_1 = arith.constant 0 : i32
    return %c0_i32, %c0_i32_0 : i32, i32
  }
  func.func @transform_3(%arg0: i32) -> (i32, i32) {
    %c0_i32 = arith.constant 0 : i32
    %c0_i32_0 = arith.constant 0 : i32
    %c0_i32_1 = arith.constant 0 : i32
    return %c0_i32, %c0_i32_0 : i32, i32
  }
  func.func @transform_4(%arg0: i32) -> (i32, i32) {
    %c0_i32 = arith.constant 0 : i32
    %c0_i32_0 = arith.constant 0 : i32
    %c0_i32_1 = arith.constant 0 : i32
    return %c0_i32, %c0_i32_0 : i32, i32
  }
  func.func @transform_5(%arg0: i32) -> (i32, i32) {
    %c0_i32 = arith.constant 0 : i32
    %c0_i32_0 = arith.constant 0 : i32
    %c0_i32_1 = arith.constant 0 : i32
    return %c0_i32, %c0_i32_0 : i32, i32
  }
  func.func @transform_6(%arg0: i32) -> (i32, i32) {
    %c0_i32 = arith.constant 0 : i32
    %c0_i32_0 = arith.constant 0 : i32
    return %arg0, %c0_i32 : i32, i32
  }
}

module attributes {stable_mosaic.version = 14 : i64} {
  func.func @_scale_body(%arg0: i32, %arg1: memref<1000x128xf32, #tpu.memory_space<vmem>>, %arg2: memref<2x1000x128xf32, #tpu.memory_space<vmem>>, %arg3: memref<1000x128xf32, #tpu.memory_space<vmem>>) attributes {dimension_semantics = [#tpu.dimension_semantics<arbitrary>], iteration_bounds = array<i64: 10>, scalar_prefetch = 0 : i64, scratch_operands = 0 : i64, tpu.core_type = #tpu.core_type<tc>, window_params = [{transform_indices = @transform_0, window_bounds = array<i64: 1000, 128>}, {transform_indices = @transform_1, window_bounds = array<i64: 2, 1000, 128>}, {transform_indices = @transform_2, window_bounds = array<i64: 1000, 128>}]} {
    %get3A = arith.constant 0 : index
    %get3A_0 = arith.constant 0 : index
    %get3A_1 = arith.constant 0 : index
    %get3A_2 = vector.load %arg2[%get3A, %get3A_0, %get3A_1] : memref<2x1000x128xf32, #tpu.memory_space<vmem>>, vector<1x1000x1xf32>
    %get3A_3 = vector.shape_cast %get3A_2 : vector<1x1000x1xf32> to vector<1000x1xf32>
    %get3A_4 = arith.constant 1 : index
    %get3A_5 = arith.constant 0 : index
    %get3A_6 = arith.constant 0 : index
    %get3A_7 = vector.load %arg2[%get3A_4, %get3A_5, %get3A_6] : memref<2x1000x128xf32, #tpu.memory_space<vmem>>, vector<1x1000x1xf32>
    %get3A_8 = vector.shape_cast %get3A_7 : vector<1x1000x1xf32> to vector<1000x1xf32>
    %add3A = arith.addf %get3A_3, %get3A_8 : vector<1000x1xf32>
    %add3A_9 = arith.constant 1.000000e+00 : f32
    %add3A_10 = vector.broadcast %add3A_9 : f32 to vector<1000x1xf32>
    %add3A_11 = arith.addf %add3A, %add3A_10 : vector<1000x1xf32>
    %get3A_12 = arith.constant 0 : index
    %get3A_13 = arith.constant 0 : index
    %get3A_14 = vector.load %arg1[%get3A_12, %get3A_13] : memref<1000x128xf32, #tpu.memory_space<vmem>>, vector<1000x128xf32>
    %rsqrt3A = math.rsqrt %add3A_11 : vector<1000x1xf32>
    %mul3A = vector.broadcast %rsqrt3A : vector<1000x1xf32> to vector<1000x128xf32>
    %mul3A_15 = arith.mulf %get3A_14, %mul3A : vector<1000x128xf32>
    %swap3A = arith.constant 0 : index
    %swap3A_16 = arith.constant 0 : index
    %swap3A_17 = vector.load %arg3[%swap3A, %swap3A_16] : memref<1000x128xf32, #tpu.memory_space<vmem>>, vector<1000x128xf32>
    tpu.vector_store %arg3[%swap3A, %swap3A_16], %mul3A_15 {strides = array<i32>} : memref<1000x128xf32, #tpu.memory_space<vmem>>, vector<1000x128xf32>,
    return
  }
  func.func @transform_0(%arg0: i32) -> (i32, i32) {
    %c0_i32 = arith.constant 0 : i32
    %c0_i32_0 = arith.constant 0 : i32
    return %arg0, %c0_i32 : i32, i32
  }
  func.func @transform_1(%arg0: i32) -> (i32, i32, i32) {
    %c0_i32 = arith.constant 0 : i32
    %c0_i32_0 = arith.constant 0 : i32
    %c0_i32_1 = arith.constant 0 : i32
    return %c0_i32, %arg0, %c0_i32_0 : i32, i32, i32
  }
  func.func @transform_2(%arg0: i32) -> (i32, i32) {
    %c0_i32 = arith.constant 0 : i32
    %c0_i32_0 = arith.constant 0 : i32
    return %arg0, %c0_i32 : i32, i32
  }
}

module attributes {stable_mosaic.version = 14 : i64} {
  func.func @_final_body(%arg0: i32, %arg1: memref<2x1000x128xf32, #tpu.memory_space<vmem>>, %arg2: memref<1000x128xf32, #tpu.memory_space<vmem>>, %arg3: memref<2x1000x128xf32, #tpu.memory_space<vmem>>, %arg4: memref<1x128xf32, #tpu.memory_space<vmem>>, %arg5: memref<1000x128xf32, #tpu.memory_space<vmem>>) attributes {dimension_semantics = [#tpu.dimension_semantics<arbitrary>], iteration_bounds = array<i64: 10>, scalar_prefetch = 0 : i64, scratch_operands = 0 : i64, tpu.core_type = #tpu.core_type<tc>, window_params = [{transform_indices = @transform_0, window_bounds = array<i64: 2, 1000, 128>}, {transform_indices = @transform_1, window_bounds = array<i64: 1000, 128>}, {transform_indices = @transform_2, window_bounds = array<i64: 2, 1000, 128>}, {pipeline_mode = #tpu.pipeline_mode<synchronous>, transform_indices = @transform_3, window_bounds = array<i64: 1, 128>}, {transform_indices = @transform_4, window_bounds = array<i64: 1000, 128>}]} {
    %get3A = arith.constant 0 : index
    %get3A_0 = arith.constant 0 : index
    %get3A_1 = arith.constant 0 : index
    %get3A_2 = vector.load %arg3[%get3A, %get3A_0, %get3A_1] : memref<2x1000x128xf32, #tpu.memory_space<vmem>>, vector<1x1000x1xf32>
    %get3A_3 = vector.shape_cast %get3A_2 : vector<1x1000x1xf32> to vector<1000x1xf32>
    %get3A_4 = arith.constant 1 : index
    %get3A_5 = arith.constant 0 : index
    %get3A_6 = arith.constant 0 : index
    %get3A_7 = vector.load %arg3[%get3A_4, %get3A_5, %get3A_6] : memref<2x1000x128xf32, #tpu.memory_space<vmem>>, vector<1x1000x1xf32>
    %get3A_8 = vector.shape_cast %get3A_7 : vector<1x1000x1xf32> to vector<1000x1xf32>
    %add3A = arith.addf %get3A_3, %get3A_8 : vector<1000x1xf32>
    %add3A_9 = arith.constant 1.000000e+00 : f32
    %add3A_10 = vector.broadcast %add3A_9 : f32 to vector<1000x1xf32>
    %add3A_11 = arith.addf %add3A, %add3A_10 : vector<1000x1xf32>
    %rsqrt3A = math.rsqrt %add3A_11 : vector<1000x1xf32>
    %get3A_12 = arith.constant 0 : index
    %get3A_13 = arith.constant 0 : index
    %get3A_14 = arith.constant 0 : index
    %get3A_15 = vector.load %arg1[%get3A_12, %get3A_13, %get3A_14] : memref<2x1000x128xf32, #tpu.memory_space<vmem>>, vector<1x1000x128xf32>
    %get3A_16 = vector.shape_cast %get3A_15 : vector<1x1000x128xf32> to vector<1000x128xf32>
    %get3A_17 = arith.constant 1 : index
    %get3A_18 = arith.constant 0 : index
    %get3A_19 = arith.constant 0 : index
    %get3A_20 = vector.load %arg1[%get3A_17, %get3A_18, %get3A_19] : memref<2x1000x128xf32, #tpu.memory_space<vmem>>, vector<1x1000x128xf32>
    %get3A_21 = vector.shape_cast %get3A_20 : vector<1x1000x128xf32> to vector<1000x128xf32>
    %add3A_22 = arith.addf %get3A_16, %get3A_21 : vector<1000x128xf32>
    %get3A_23 = arith.constant 0 : index
    %get3A_24 = arith.constant 0 : index
    %get3A_25 = vector.load %arg2[%get3A_23, %get3A_24] : memref<1000x128xf32, #tpu.memory_space<vmem>>, vector<1000x128xf32>
    %add3A_26 = arith.addf %add3A_22, %get3A_25 : vector<1000x128xf32>
    %mul3A = vector.broadcast %rsqrt3A : vector<1000x1xf32> to vector<1000x128xf32>
    %mul3A_27 = arith.mulf %mul3A, %add3A_26 : vector<1000x128xf32>
    %get3A_28 = arith.constant 0 : index
    %get3A_29 = arith.constant 0 : index
    %get3A_30 = vector.load %arg4[%get3A_28, %get3A_29] : memref<1x128xf32, #tpu.memory_space<vmem>>, vector<1x128xf32>
    %add3A_31 = vector.broadcast %get3A_30 : vector<1x128xf32> to vector<1000x128xf32>
    %add3A_32 = arith.addf %mul3A_27, %add3A_31 : vector<1000x128xf32>
    %max3A = arith.constant 0.000000e+00 : f32
    %max3A_33 = vector.broadcast %max3A : f32 to vector<1000x128xf32>
    %max3A_34 = arith.maximumf %add3A_32, %max3A_33 : vector<1000x128xf32>
    %swap3A = arith.constant 0 : index
    %swap3A_35 = arith.constant 0 : index
    %swap3A_36 = vector.load %arg5[%swap3A, %swap3A_35] : memref<1000x128xf32, #tpu.memory_space<vmem>>, vector<1000x128xf32>
    tpu.vector_store %arg5[%swap3A, %swap3A_35], %max3A_34 {strides = array<i32>} : memref<1000x128xf32, #tpu.memory_space<vmem>>, vector<1000x128xf32>,
    return
  }
  func.func @transform_0(%arg0: i32) -> (i32, i32, i32) {
    %c0_i32 = arith.constant 0 : i32
    %c0_i32_0 = arith.constant 0 : i32
    %c0_i32_1 = arith.constant 0 : i32
    return %c0_i32, %arg0, %c0_i32_0 : i32, i32, i32
  }
  func.func @transform_1(%arg0: i32) -> (i32, i32) {
    %c0_i32 = arith.constant 0 : i32
    %c0_i32_0 = arith.constant 0 : i32
    return %arg0, %c0_i32 : i32, i32
  }
  func.func @transform_2(%arg0: i32) -> (i32, i32, i32) {
    %c0_i32 = arith.constant 0 : i32
    %c0_i32_0 = arith.constant 0 : i32
    %c0_i32_1 = arith.constant 0 : i32
    return %c0_i32, %arg0, %c0_i32_0 : i32, i32, i32
  }
  func.func @transform_3(%arg0: i32) -> (i32, i32) {
    %c0_i32 = arith.constant 0 : i32
    %c0_i32_0 = arith.constant 0 : i32
    %c0_i32_1 = arith.constant 0 : i32
    return %c0_i32, %c0_i32_0 : i32, i32
  }
  func.func @transform_4(%arg0: i32) -> (i32, i32) {
    %c0_i32 = arith.constant 0 : i32
    %c0_i32_0 = arith.constant 0 : i32
    return %arg0, %c0_i32 : i32, i32
  }
}

</mosaic_0001>

<sc_bundles>
// kernel: kernel.11.cloned.1.call-start
scs
__scs_entry_jumppad:
0x0: {  	(pc) =	sbr.rel $0x88, $3  }
0x1: {  	(tag) =	ssettag $0x0;
	lr =	simm.s32 $0x1  }
0x2: {  	[smem:$0x3F97] =	sst lr;
	_ =	strace $0xD0000000  }
0x3: {  	_ = 	snop  }
0x4: {  	_ = 	snop  }
0x5: {  	_ = 	snop  }
0x6: {  	_ = 	snop  }
0x7: {  	_ = 	snop  }
__scs_overlays_trampoline_lowered:
0x8: {  	[smem:$0x3FA6] =	sst s0  }
0x9: {  	[smem:$0x3FA7] =	sst s1  }
0xa: {  	[smem:$0x3FA8] =	sst s2  }
0xb: {  	[smem:$0x3FA9] =	sst s3  }
0xc: {  	[smem:$0x3FAA] =	sst s4  }
0xd: {  	[smem:$0x3FAB] =	sst s5  }
0xe: {  	[smem:$0x3FAC] =	sst s6  }
0xf: {  	[smem:$0x3FAD] =	sst s7  }
0x10: {  	[smem:$0x3FAE] =	sst s8  }
0x11: {  	[smem:$0x3FAF] =	sst s9;
	s0 =	simm.s32 @!p0 $0x0  }
0x12: {  	s1 =	sld [smem:$0x3F95];
	s0 =	simm.s32 @p0 $0x1  }
0x13: {  	[smem:$0x3FB0] =	sst s0;
	s0 =	simm.s32 @!p1 $0x0  }
0x14: {  	s2 =	sld [smem:$0x3F94];
	s0 =	simm.s32 @p1 $0x1  }
0x15: {  	[smem:$0x3FB1] =	sst s0;
	s0 =	simm.s32 @!p2 $0x0  }
0x16: {  	s3 =	sld [smem:$0x3FDB];
	s0 =	simm.s32 @p2 $0x1  }
0x17: {  	s4 =	simm.s32 $0x1BF5;
	[smem:$0x3FB3] =	sst s0  }
0x18: {  	s0 =	sld [smem:$0x3F96];
	_ =	swait.ge [sflag:s4], $0x0  }
0x19: {  	s7 =	sld [smem:$0x3F97]  }
0x1a: {  	s8 =	sadd.s32 $0xFFFFE003, lr  }
0x1b: {  	s9 =	sadd.s32 $0xFFFFFEF7, lr;
	s5 =	simm.s32 $0xFFFFFFFF;
	p2 =	slt.u32 s8, $0xFFFFF086  }
0x1c: {  	p1 =	slt.u32 s9, $0xF7A;
	s5 =	simm.s32 @!p2 $0x0  }
0x1d: {  	s5 =	simm.s32 @p1 $0x1;
	p0 =	seq.s32 s7, s2  }
0x1e: {  	s7 =	smul.u32 @!p0 $0xF7A, s2;
	p2 =	seq.s32 @!p0 s5, $0x0  }
0x1f: {  	s9 =	smul.u32 $0xF7A, s1;
	s8 =	simm.s32 @!p0 $0x1BF5;
	p2 =	por !p2, p0  }
0x20: {  	[sflag:s8] =	ssyncset.s32 @!p0 $0xFFFFF086;
	s6 =	sadd.s32 @!p0 s3, s7;
	s7 =	simm.s32 @!p0 $0x108  }
0x21: {  	s3 =	sadd.s32 s3, s9;
	s6 =	sadd.s32 @!p0 $0x88, s6;
	s7 =	simm.s32 @p2 $0x1082  }
0x22: {  	[simem:s7], [sflag:s8] =	dma.local @!p0 [hbm:s6], $0xF7A  }
0x23: {  	s9 =	sor.u32 $0xD0000000, s2;
	s6 =	simm.s32 $0x108;
	_ =	swait.ge @!p0 [sflag:s8], $0x0  }
0x24: {  	s3 =	sadd.s32 $0x88, s3;
	s6 =	simm.s32 @!p1 $0x1082;
	[sflag:s4] =	ssyncset.s32 $0xFFFFF086  }
0x25: {  	[simem:s6], [sflag:s4] =	dma.local [hbm:s3], $0xF7A  }
0x26: {  	[smem:$0x3F97] =	sst s1;
	(tag) =	ssettag s2;
	_ =	strace s9  }
0x27: {  	s1 =	sld [smem:$0x3FA7]  }
0x28: {  	s2 =	sld [smem:$0x3FA8]  }
0x29: {  	s4 =	sld [smem:$0x3FAA]  }
0x2a: {  	p0 =	seq.s32 s5, $0x0;
	s5 =	sld [smem:$0x3FAB]  }
0x2b: {  	s6 =	sld [smem:$0x3FAC]  }
0x2c: {  	s7 =	sld [smem:$0x3FAD]  }
0x2d: {  	s3 =	simm.s32 $0x108;
	s8 =	sld [smem:$0x3FAE]  }
0x2e: {  	s3 =	simm.s32 @!p0 $0x1082;
	s9 =	sld [smem:$0x3FAF]  }
0x2f: {  	lr =	sadd.s32 s0, s3;
	s0 =	sld [smem:$0x3FA6]  }
0x30: {  	s3 =	sld [smem:$0x3FA9]  }
0x31: {  	[smem:$0x3FB2] =	sst s10  }
0x32: {  	s10 =	sld [smem:$0x3FB0];
	_ =	sdelay $0x3  }
0x33: {  	p0 =	seq.s32 s10, $0x1;
	s10 =	sld [smem:$0x3FB2];
	_ =	sdelay $0x3  }
0x34: {  	[smem:$0x3FB2] =	sst s10  }
0x35: {  	s10 =	sld [smem:$0x3FB1];
	_ =	sdelay $0x3  }
0x36: {  	p1 =	seq.s32 s10, $0x1;
	s10 =	sld [smem:$0x3FB2];
	_ =	sdelay $0x3  }
0x37: {  	[smem:$0x3FB2] =	sst s10  }
0x38: {  	s10 =	sld [smem:$0x3FB3]  }
0x39: {  	_ = 	snop;
	(pc) =	sbr.ind lr, $3  }
0x3a: {  	_ = 	snop  }
0x3b: {  	_ = 	snop  }
0x3c: {  	p2 =	seq.s32 s10, $0x1;
	s10 =	sld [smem:$0x3FB2]  }
0x3d: {  	_ =	shalt  }
0x3e: {  	_ =	shalt  }
0x3f: {  	_ =	shalt  }
0x40: {  	_ =	shalt  }
0x41: {  	_ =	shalt  }
0x42: {  	_ =	shalt  }
0x43: {  	_ =	shalt  }
0x44: {  	_ =	shalt  }
0x45: {  	_ =	shalt  }
0x46: {  	_ =	shalt  }
0x47: {  	_ =	shalt  }
0x48: {  	_ =	shalt  }
0x49: {  	_ =	shalt  }
0x4a: {  	_ =	shalt  }
0x4b: {  	_ =	shalt  }
0x4c: {  	_ =	shalt  }
0x4d: {  	_ =	shalt  }
0x4e: {  	_ =	shalt  }
0x4f: {  	_ =	shalt  }
0x50: {  	_ =	shalt  }
0x51: {  	_ =	shalt  }
0x52: {  	_ =	shalt  }
0x53: {  	_ =	shalt  }
0x54: {  	_ =	shalt  }
0x55: {  	_ =	shalt  }
0x56: {  	_ =	shalt  }
0x57: {  	_ =	shalt  }
0x58: {  	_ =	shalt  }
0x59: {  	_ =	shalt  }
0x5a: {  	_ =	shalt  }
0x5b: {  	_ =	shalt  }
0x5c: {  	_ =	shalt  }
0x5d: {  	_ =	shalt  }
0x5e: {  	_ =	shalt  }
0x5f: {  	_ =	shalt  }
0x60: {  	_ =	shalt  }
0x61: {  	_ =	shalt  }
0x62: {  	_ =	shalt  }
0x63: {  	_ =	shalt  }
0x64: {  	_ =	shalt  }
0x65: {  	_ =	shalt  }
0x66: {  	_ =	shalt  }
0x67: {  	_ =	shalt  }
0x68: {  	_ =	shalt  }
0x69: {  	_ =	shalt  }
0x6a: {  	_ =	shalt  }
0x6b: {  	_ =	shalt  }
0x6c: {  	_ =	shalt  }
0x6d: {  	_ =	shalt  }
0x6e: {  	_ =	shalt  }
0x6f: {  	_ =	shalt  }
0x70: {  	_ =	shalt  }
0x71: {  	_ =	shalt  }
0x72: {  	_ =	shalt  }
0x73: {  	_ =	shalt  }
0x74: {  	_ =	shalt  }
0x75: {  	_ =	shalt  }
0x76: {  	_ =	shalt  }
0x77: {  	_ =	shalt  }
0x78: {  	_ =	shalt  }
0x79: {  	_ =	shalt  }
0x7a: {  	_ =	shalt  }
0x7b: {  	_ =	shalt  }
0x7c: {  	_ =	shalt  }
0x7d: {  	_ =	shalt  }
0x7e: {  	_ =	shalt  }
0x7f: {  	_ =	shalt  }
0x80: {  	_ =	shalt  }
0x81: {  	_ =	shalt  }
0x82: {  	_ =	shalt  }
0x83: {  	_ =	shalt  }
0x84: {  	_ =	shalt  }
0x85: {  	_ =	shalt  }
0x86: {  	_ =	shalt  }
0x87: {  	_ =	shalt  }
.Lfunc_end0:
.L_simem_size_0:
called_computation.1_lowered:
.L_overlay_start_0:
0x88: {  	s2 =	sld [smem:$0x3FD9]  }
0x89: {  	s3 =	sld [smem:$0x3FFE];
	_ =	sdelay $0x1  }
0x8a: {  	s1 =	srdreg.scid  }
0x8b: {  	s0 =	sand.u32 $0x1, s1  }
0x8c: {  	s17 =	sshll.u32 s0, $0xA;
	s2 =	sadd.s32 s3, s2  }
0x8d: {  	s2 =	sadd.s32 s2, s17  }
0x8e: {  	[smem:$0x3FBE] =	sst s2  }
0x8f: {  	_ = 	snop  }
0x90: {  	s2 =	sld [smem:$0x3FD0];
	(tm) =	ssettm $0x1  }
0x91: {  	s18 =	sld [smem:$0x3FFB];
	_ =	sdelay $0x3  }
0x92: {  	_ =	strace s18  }
0x93: {  	s3 =	sld [smem:$0x3FFC];
	_ =	sdelay $0x3  }
0x94: {  	_ =	strace s3  }
0x95: {  	s3 =	sld [smem:$0x3FFD];
	_ =	sdelay $0x3  }
0x96: {  	_ =	strace s3  }
0x97: {  	_ =	strace $0x8FFFFFFF  }
0x98: {  	s19 =	sld [smem:$0x3FDB];
	_ =	sdelay $0x1  }
0x99: {  	s4 =	simm.s32 $_scs_section_size  }
0x9a: {  	s5 =	simm.s32 $_size__tile_overlayer_lowered;
	s6 =	simm.s32 $_tile_overlayer_lowered  }
0x9b: {  	s22 =	simm.s32 $0x1BFF;
	s21 =	sshll.u32 s6, $0x1;
	s3 =	sadd.s32 s4, s19  }
0x9c: {  	s7 =	simm.s32 $0x0;
	s20 =	sshll.u32 s5, $0x1;
	s5 =	sadd.s32 s21, s3  }
0x9d: {  	[timem:s7], [sflag:s22] =	dma.local [hbm:s5], s20  }
0x9e: {  	_ =	swait.ge [sflag:s22], s20  }
0x9f: {  	s4 =	ssub.s32 $0x0, s20;
	[sflag:s22] =	ssyncset.done $0x0  }
0xa0: {  	[sflag:s22] =	ssyncadd.s32 s4;
	_ =	sdelay $0x1  }
0xa1: {  	s23 =	simm.s32 $0x1B8B  }
0xa2: {  	_ =	swait.ge [sflag:s23], $0x1  }
0xa3: {  	[sflag:s23] =	ssyncset.done $0x0  }
0xa4: {  	s25 =	simm.s32 $0x1B8E;
	s24 =	sld [smem:$0x3FFE];
	[sflag:s23] =	ssyncadd.s32 $0xFFFFFFFF  }
0xa5: {  	s26 =	simm.s32 $execute0_lowered;
	[smem:$0x3FD2] =	sst s25  }
0xa6: {  	s5 =	sshll.u32 s26, $0x1;
	_ =	strace $0x80000049;
	[dreg:$0x1] =	wrdreg $0xFFFFFFFF  }
0xa7: {  	s28 =	simm.s32 $_size_execute0_lowered;
	s3 =	sadd.s32 s3, s5;
	[dreg:$0x0] =	wrdreg $0x0  }
0xa8: {  	s5 =	sshll.u32 s28, $0x1;
	[dreg:$0x2] =	wrdreg s3  }
0xa9: {  	[dreg:$0x3] =	wrdreg s5  }
0xaa: {  	[dreg:$0x4] =	wrdreg $0xC0  }
0xab: {  	_ =	task [dreg:s7], $0x5FFFF  }
0xac: {  	[dreg:$0x1] =	wrdreg $0xFFFFFFFF  }
0xad: {  	[dreg:$0x0] =	wrdreg $0x60  }
0xae: {  	[dreg:$0x2] =	wrdreg s24  }
0xaf: {  	[dreg:$0x3] =	wrdreg s2  }
0xb0: {  	[dreg:$0x4] =	wrdreg $0x82000  }
0xb1: {  	[dreg:$0x5] =	wrdreg $0x9  }
0xb2: {  	_ =	task.clear_ibuf [dreg:s7], $0x6FFFF;
	_ =	strace $0x90000049  }
0xb3: {  	s29 =	simm.s32 $0x9;
	_ =	strace $0x8000004B  }
0xb4: {  	_ =	swait.ge [sflag:s29], $0x1  }
0xb5: {  	[sflag:s29] =	ssyncadd.s32 $0xFFFFFFFF  }
0xb6: {  	_ =	strace $0x9000004B  }
0xb7: {  	_ =	sfence  }
0xb8: {  	s30 =	sld [smem:$0x0];
	_ =	sdelay $0x2  }
0xb9: {  	s31 =	sshll.u32 s1, $0xD;
	s1 =	sshrl.u32 s1, $0x2  }
0xba: {  	s3 =	sand.u32 $0x4000, s31;
	s1 =	sadd.s32 s1, s30  }
0xbb: {  	s0 =	sor.u32 s3, s0;
	s1 =	sshll.u32 s1, $0x11  }
0xbc: {  	s0 =	sor.u32 s1, s0  }
0xbd: {  	s0 =	sadd.s32 $0x8F2B, s0  }
0xbe: {  	[sflag:s0] =	ssyncadd.remote.s32 $0x1  }
0xbf: {  	_ =	sfence.sel $0xFFFF  }
0xc0: {  	[dreg:$0x0] =	wrdreg $0xFFFFFFFF;
	(pc) =	sbr.abs _section_cstart, $3  }
0xc1: {  	[dreg:$0x1] =	wrdreg $0xFFFFFFFF  }
0xc2: {  	_ =	task.clear_ibuf [dreg:s7], $0x2FFFF;
	_ =	strace $0x9FFFFFFF  }
0xc3: {  	(tm) =	ssettm $0x7FFFFFFF  }
tec
execute0_lowered:
.L_overlay_start_1:
0x0: {  	(tag) =	ssettag $0x1  }
0x1: {  	s9 =	rddreg [dreg:$0x0]  }
0x2: {  	s1 =	rddreg [dreg:$0x1]  }
0x3: {  	s2 =	rddreg [dreg:$0x2]  }
0x4: {  	s3 =	srdreg.scid;
	s0 =	rddreg [dreg:$0x3]  }
0x5: {  	s4 =	simm.s32 $0x0;
	s17 =	simm.s32 $0x3;
	s18 =	simm.s32 $0x80  }
0x6: {  	s19 =	simm.s32 $0x200;
	s20 =	simm.s32 $0x100;
	s21 =	simm.s32 $0x180  }
0x7: {  	s22 =	simm.s32 $0x4200;
	s23 =	simm.s32 $0x1;
	s24 =	simm.s32 $0x2  }
0x8: {  	s25 =	simm.s32 $0x0;
	s8 =	sand.u32 $0x1, s3;
	s3 =	stileid.u32  }
0x9: {  	[smem:$0x7FF] =	sst s4;
	s5 =	sadd.s32 $0x66600, s9;
	s10 =	smul.u32 $0x140000, s8  }
0xa: {  	s6 =	sadd.s32 $0x5C600, s9;
	s7 =	sadd.s32 $0x70600, s9;
	s11 =	smul.u32 $0x14000, s3  }
0xb: {  	_ =	strace $0x8000004A;
	s26 =	sshll.u32 s8, $0x4;
	s12 =	ssub.s32 $0x2, s8  }
0xc: {  	s29 =	smul.u32 $0x50000, s3;
	s31 =	sshll.u32 s3, $0x6;
	s28 =	sor.u32 s3, s26  }
0xd: {  	s13 =	sshrl.u32 s12, $0x1;
	s10 =	sadd.s32 s11, s10;
	s8 =	smul.u32 $0x2800, s28  }
0xe: {  	s13 =	ssub.s32 s12, s13;
	s30 =	sshrl.u32 s29, $0x2;
	s10 =	sshrl.u32 s10, $0x3  }
0xf: {  	s16 =	sadd.s32 s30, s2;
	s13 =	smax.u32 s13, $0x1;
	s14 =	sadd.s32 s10, s9  }
0x10: {  	s15 =	sshrl.u32 s8, $0x3;
	s9 =	sor.u32 $0x1C03, s31;
	s16 =	sshrl.u32 s16, $0x3  }
0x11: {  	s10 =	sadd.s32 s5, s15;
	s11 =	sadd.s32 s6, s15;
	s15 =	sadd.s32 $0x4F0, s15  }
0x12: {  	s12 =	sadd.s32 $0x97800, s14;
	s14 =	sadd.s32 s5, s15;
	s15 =	sadd.s32 s6, s15  }
.LBB2_1:
0x13: {  	[spmem:s16], [sflag:s9] =	dma.local [hbm:s1], $0x2800  }
0x14: {  	_ =	swait.ge [sflag:s17], $0x2800  }
0x15: {  	[sflag:s17] =	ssyncset.done $0x0  }
0x16: {  	[sflag:s17] =	ssyncadd.s32 $0xFFFFD800  }
0x17: {  	[bflag:$0x0] =	sbarrier.arrive $0xFFFF  }
0x18: {  	[tilespmem:s4], [sflag:$0x3] =	stream.linear.gather [hbm4b:s10+s4], $0x80, $0x38;
	[tilespmem:$0x1C200] =	vst v63  }
0x19: {  	s26 =	simm.s32 $0x0;
	_ =	swait.ge [sflag:s17], $0x80  }
0x1a: {  	s28 =	sand.u32 $0x3C00, s26;
	[sflag:s17] =	ssyncset.done $0x0  }
0x1b: {  	s26 =	sand.u32 $0x300, s26;
	s28 =	sadd.s32 s8, s28;
	[sflag:s17] =	ssyncadd.s32 $0xFFFFFF80  }
0x1c: {  	[tilespmem:s18], [sflag:$0x3] =	stream.linear.gather [hbm4b:s11+s4], $0x80, $0x38;
	[tilespmem:$0x1C200] =	vst v63  }
0x1d: {  	s26 =	sor.u32 s28, s26;
	_ =	swait.ge [sflag:s17], $0x80  }
0x1e: {  	s26 =	sor.u32 $0x80, s26;
	[sflag:s17] =	ssyncset.done $0x0  }
0x1f: {  	s26 =	sshrl.u32 s26, $0x3;
	[sflag:s17] =	ssyncadd.s32 $0xFFFFFF80  }
0x20: {  	[tilespmem:s19], [sflag:$0x1] =	stream.indirect.gather [hbm4b:s7+s18], $0x80, s4, s18, $0xb8;
	[tilespmem:$0x1C200] =	vst v63  }
0x21: {  	s28 =	sadd.s32 s5, s26  }
0x22: {  	[tilespmem:s20], [sflag:$0x3] =	stream.linear.gather [hbm4b:s28+s4], $0x80, $0x38;
	[tilespmem:$0x1C200] =	vst v63  }
0x23: {  	_ =	swait.ge [sflag:s17], $0x80  }
0x24: {  	[sflag:s17] =	ssyncset.done $0x0  }
0x25: {  	s26 =	sadd.s32 s6, s26;
	[sflag:s17] =	ssyncadd.s32 $0xFFFFFF80  }
0x26: {  	[tilespmem:s21], [sflag:$0x3] =	stream.linear.gather [hbm4b:s26+s4], $0x80, $0x38;
	[tilespmem:$0x1C200] =	vst v63  }
0x27: {  	_ =	swait.ge [sflag:s17], $0x80  }
0x28: {  	[sflag:s17] =	ssyncset.done $0x0  }
0x29: {  	[sflag:s17] =	ssyncadd.s32 $0xFFFFFF80  }
0x2a: {  	[tilespmem:s22], [sflag:$0x2] =	stream.indirect.gather [hbm4b:s7+s18], $0x80, s20, s18, $0xb8;
	[tilespmem:$0x1C200] =	vst v63  }
0x2b: {  	_ =	swait.ge [sflag:s23], $0x4000  }
0x2c: {  	s31 =	sand.u32 $0x7C00, s20;
	[sflag:s23] =	ssyncset.done $0x0  }
0x2d: {  	s28 =	sand.u32 $0x300, s20;
	s26 =	sadd.s32 s8, s31;
	[sflag:s23] =	ssyncadd.s32 $0xFFFFC000  }
0x2e: {  	[spmem:s2] =	stream.indirect.scatter.add.f32 [tilespmem:s19], [sflag:$0x3], $0x80, s18, s18, $0xb8;
	[tilespmem:$0x1C200] =	vst v63  }
0x2f: {  	s26 =	sor.u32 s28, s26;
	_ =	swait.ge [sflag:s17], $0x4000  }
0x30: {  	s26 =	sshrl.u32 s26, $0x3;
	[sflag:s17] =	ssyncset.done $0x0  }
0x31: {  	s28 =	sadd.s32 s5, s26;
	[sflag:s17] =	ssyncadd.s32 $0xFFFFC000  }
0x32: {  	[tilespmem:s4], [sflag:$0x3] =	stream.linear.gather [hbm4b:s28+s4], $0x80, $0x38;
	[tilespmem:$0x1C200] =	vst v63  }
0x33: {  	_ =	swait.ge [sflag:s17], $0x80  }
0x34: {  	[sflag:s17] =	ssyncset.done $0x0  }
0x35: {  	s26 =	sadd.s32 s6, s26;
	[sflag:s17] =	ssyncadd.s32 $0xFFFFFF80  }
0x36: {  	[tilespmem:s18], [sflag:$0x3] =	stream.linear.gather [hbm4b:s26+s4], $0x80, $0x38;
	[tilespmem:$0x1C200] =	vst v63  }
0x37: {  	s28 =	simm.s32 $0x100;
	_ =	swait.ge [sflag:s17], $0x80  }
0x38: {  	s29 =	sand.u32 $0x3C00, s28;
	s30 =	sand.u32 $0x300, s28;
	[sflag:s17] =	ssyncset.done $0x0  }
0x39: {  	s28 =	simm.s32 $0x300;
	s29 =	sadd.s32 s8, s29;
	[sflag:s17] =	ssyncadd.s32 $0xFFFFFF80  }
0x3a: {  	[tilespmem:s19], [sflag:$0x1] =	stream.indirect.gather [hbm4b:s7+s18], $0x80, s4, s18, $0xb8;
	[tilespmem:$0x1C200] =	vst v63  }
0x3b: {  	s29 =	sor.u32 s29, s30;
	s26 =	simm.s32 $0x200;
	_ =	swait.ge [sflag:s24], $0x4000  }
.LBB2_2:
0x3c: {  	p0 =	sne.s32 s28, $0x2700  }
0x3d: {  	[sflag:s24] =	ssyncset.done $0x0;
	s30 =	smov.u32 s28;
	s28 =	sadd.s32 $0x100, s28  }
0x3e: {  	[sflag:s24] =	ssyncadd.s32 $0xFFFFC000  }
0x3f: {  	[spmem:s2] =	stream.indirect.scatter.add.f32 [tilespmem:s22], [sflag:$0x3], $0x80, s21, s18, $0xb8;
	[tilespmem:$0x1C200] =	vst v63  }
0x40: {  	s29 =	sor.u32 $0x80, s29;
	_ =	swait.ge [sflag:s17], $0x4000  }
0x41: {  	s29 =	sshrl.u32 s29, $0x3;
	[sflag:s17] =	ssyncset.done $0x0  }
0x42: {  	s31 =	sadd.s32 s5, s29;
	[sflag:s17] =	ssyncadd.s32 $0xFFFFC000  }
0x43: {  	[tilespmem:s20], [sflag:$0x3] =	stream.linear.gather [hbm4b:s31+s4], $0x80, $0x38;
	[tilespmem:$0x1C200] =	vst v63  }
0x44: {  	_ =	swait.ge [sflag:s17], $0x80  }
0x45: {  	[sflag:s17] =	ssyncset.done $0x0  }
0x46: {  	s29 =	sadd.s32 s6, s29;
	[sflag:s17] =	ssyncadd.s32 $0xFFFFFF80  }
0x47: {  	[tilespmem:s21], [sflag:$0x3] =	stream.linear.gather [hbm4b:s29+s4], $0x80, $0x38;
	[tilespmem:$0x1C200] =	vst v63  }
0x48: {  	_ =	swait.ge [sflag:s17], $0x80  }
0x49: {  	[sflag:s17] =	ssyncset.done $0x0  }
0x4a: {  	[sflag:s17] =	ssyncadd.s32 $0xFFFFFF80  }
0x4b: {  	[tilespmem:s22], [sflag:$0x2] =	stream.indirect.gather [hbm4b:s7+s18], $0x80, s20, s18, $0xb8;
	[tilespmem:$0x1C200] =	vst v63  }
0x4c: {  	_ =	swait.ge [sflag:s23], $0x4000  }
0x4d: {  	[sflag:s23] =	ssyncset.done $0x0  }
0x4e: {  	s31 =	sand.u32 $0x300, s26;
	s29 =	sand.u32 $0x7C00, s26;
	[sflag:s23] =	ssyncadd.s32 $0xFFFFC000  }
0x4f: {  	[spmem:s2] =	stream.indirect.scatter.add.f32 [tilespmem:s19], [sflag:$0x3], $0x80, s18, s18, $0xb8;
	[tilespmem:$0x1C200] =	vst v63  }
0x50: {  	s26 =	smov.u32 s30;
	s29 =	sadd.s32 s8, s29;
	_ =	swait.ge [sflag:s17], $0x4000  }
0x51: {  	s29 =	sor.u32 s31, s29;
	[sflag:s17] =	ssyncset.done $0x0  }
0x52: {  	s29 =	sshrl.u32 s29, $0x3;
	[sflag:s17] =	ssyncadd.s32 $0xFFFFC000  }
0x53: {  	s30 =	sadd.s32 s5, s29  }
0x54: {  	[tilespmem:s4], [sflag:$0x3] =	stream.linear.gather [hbm4b:s30+s4], $0x80, $0x38;
	[tilespmem:$0x1C200] =	vst v63  }
0x55: {  	_ =	swait.ge [sflag:s17], $0x80  }
0x56: {  	s29 =	sadd.s32 s6, s29;
	[sflag:s17] =	ssyncset.done $0x0  }
0x57: {  	[sflag:s17] =	ssyncadd.s32 $0xFFFFFF80  }
0x58: {  	[tilespmem:s18], [sflag:$0x3] =	stream.linear.gather [hbm4b:s29+s4], $0x80, $0x38;
	[tilespmem:$0x1C200] =	vst v63  }
.Ltmp0:
0x59: {  	s29 =	sadd.s32 $0xFFFFFF00, s26;
	_ =	swait.ge [sflag:s17], $0x80;
	(pc) =	sbr.rel @p0 .LBB2_2-.Ltmp0, $4  }
0x5a: {  	s30 =	sand.u32 $0x3C00, s29;
	[sflag:s17] =	ssyncset.done $0x0  }
0x5b: {  	s29 =	sand.u32 $0x300, s29;
	s30 =	sadd.s32 s8, s30;
	[sflag:s17] =	ssyncadd.s32 $0xFFFFFF80  }
0x5c: {  	[tilespmem:s19], [sflag:$0x1] =	stream.indirect.gather [hbm4b:s7+s18], $0x80, s4, s18, $0xb8;
	[tilespmem:$0x1C200] =	vst v63  }
0x5d: {  	s29 =	sor.u32 s30, s29;
	_ =	swait.ge [sflag:s24], $0x4000  }
0x5e: {  	[sflag:s24] =	ssyncset.done $0x0  }
0x5f: {  	[sflag:s24] =	ssyncadd.s32 $0xFFFFC000  }
0x60: {  	[spmem:s2] =	stream.indirect.scatter.add.f32 [tilespmem:s22], [sflag:$0x3], $0x80, s21, s18, $0xb8;
	[tilespmem:$0x1C200] =	vst v63  }
0x61: {  	s28 =	sor.u32 $0x80, s29;
	_ =	swait.ge [sflag:s17], $0x4000  }
0x62: {  	s28 =	sshrl.u32 s28, $0x3;
	[sflag:s17] =	ssyncset.done $0x0  }
0x63: {  	s31 =	sadd.s32 s5, s28;
	[sflag:s17] =	ssyncadd.s32 $0xFFFFC000  }
0x64: {  	[tilespmem:s20], [sflag:$0x3] =	stream.linear.gather [hbm4b:s31+s4], $0x80, $0x38;
	[tilespmem:$0x1C200] =	vst v63  }
0x65: {  	_ =	swait.ge [sflag:s17], $0x80  }
0x66: {  	[sflag:s17] =	ssyncset.done $0x0  }
0x67: {  	s28 =	sadd.s32 s6, s28;
	[sflag:s17] =	ssyncadd.s32 $0xFFFFFF80  }
0x68: {  	[tilespmem:s21], [sflag:$0x3] =	stream.linear.gather [hbm4b:s28+s4], $0x80, $0x38;
	[tilespmem:$0x1C200] =	vst v63  }
0x69: {  	_ =	swait.ge [sflag:s17], $0x80  }
0x6a: {  	[sflag:s17] =	ssyncset.done $0x0  }
0x6b: {  	[sflag:s17] =	ssyncadd.s32 $0xFFFFFF80  }
0x6c: {  	[tilespmem:s22], [sflag:$0x2] =	stream.indirect.gather [hbm4b:s7+s18], $0x80, s20, s18, $0xb8;
	[tilespmem:$0x1C200] =	vst v63  }
0x6d: {  	_ =	swait.ge [sflag:s23], $0x4000  }
0x6e: {  	s29 =	sand.u32 $0x7C00, s26;
	[sflag:s23] =	ssyncset.done $0x0  }
0x6f: {  	s30 =	sand.u32 $0x300, s26;
	s28 =	sadd.s32 s8, s29;
	[sflag:s23] =	ssyncadd.s32 $0xFFFFC000  }
0x70: {  	[spmem:s2] =	stream.indirect.scatter.add.f32 [tilespmem:s19], [sflag:$0x3], $0x80, s18, s18, $0xb8;
	[tilespmem:$0x1C200] =	vst v63  }
0x71: {  	s26 =	sor.u32 s30, s28;
	_ =	swait.ge [sflag:s17], $0x4000  }
0x72: {  	s26 =	sshrl.u32 s26, $0x3;
	[sflag:s17] =	ssyncset.done $0x0  }
0x73: {  	s31 =	sadd.s32 s5, s26;
	[sflag:s17] =	ssyncadd.s32 $0xFFFFC000  }
0x74: {  	[tilespmem:s4], [sflag:$0x3] =	stream.linear.gather [hbm4b:s31+s4], $0x80, $0x38;
	[tilespmem:$0x1C200] =	vst v63  }
0x75: {  	_ =	swait.ge [sflag:s17], $0x80  }
0x76: {  	[sflag:s17] =	ssyncset.done $0x0  }
0x77: {  	s26 =	sadd.s32 s6, s26;
	[sflag:s17] =	ssyncadd.s32 $0xFFFFFF80  }
0x78: {  	[tilespmem:s18], [sflag:$0x3] =	stream.linear.gather [hbm4b:s26+s4], $0x80, $0x38;
	[tilespmem:$0x1C200] =	vst v63  }
0x79: {  	_ =	swait.ge [sflag:s17], $0x80  }
0x7a: {  	[sflag:s17] =	ssyncset.done $0x0  }
0x7b: {  	[sflag:s17] =	ssyncadd.s32 $0xFFFFFF80  }
0x7c: {  	[tilespmem:s19], [sflag:$0x1] =	stream.indirect.gather [hbm4b:s7+s18], $0x80, s4, s18, $0xb8;
	[tilespmem:$0x1C200] =	vst v63  }
0x7d: {  	_ =	swait.ge [sflag:s24], $0x4000  }
0x7e: {  	[sflag:s24] =	ssyncset.done $0x0  }
0x7f: {  	[sflag:s24] =	ssyncadd.s32 $0xFFFFC000  }
0x80: {  	[spmem:s2] =	stream.indirect.scatter.add.f32 [tilespmem:s22], [sflag:$0x3], $0x80, s21, s18, $0xb8;
	[tilespmem:$0x1C200] =	vst v63  }
0x81: {  	_ =	swait.ge [sflag:s17], $0x4000  }
0x82: {  	[sflag:s17] =	ssyncset.done $0x0  }
0x83: {  	[sflag:s17] =	ssyncadd.s32 $0xFFFFC000  }
0x84: {  	[tilespmem:s20], [sflag:$0x3] =	stream.linear.gather [hbm4b:s14+s4], $0x80, $0x38;
	[tilespmem:$0x1C200] =	vst v63  }
0x85: {  	_ =	swait.ge [sflag:s17], $0x80  }
0x86: {  	[sflag:s17] =	ssyncset.done $0x0  }
0x87: {  	[sflag:s17] =	ssyncadd.s32 $0xFFFFFF80  }
0x88: {  	[tilespmem:s21], [sflag:$0x3] =	stream.linear.gather [hbm4b:s15+s4], $0x80, $0x38;
	[tilespmem:$0x1C200] =	vst v63  }
0x89: {  	_ =	swait.ge [sflag:s17], $0x80  }
0x8a: {  	[sflag:s17] =	ssyncset.done $0x0  }
0x8b: {  	[sflag:s17] =	ssyncadd.s32 $0xFFFFFF80  }
0x8c: {  	[tilespmem:s22], [sflag:$0x2] =	stream.indirect.gather [hbm4b:s7+s18], $0x80, s20, s18, $0xb8;
	[tilespmem:$0x1C200] =	vst v63  }
0x8d: {  	_ =	swait.ge [sflag:s23], $0x4000  }
0x8e: {  	[sflag:s23] =	ssyncset.done $0x0  }
0x8f: {  	[sflag:s23] =	ssyncadd.s32 $0xFFFFC000  }
0x90: {  	[spmem:s2] =	stream.indirect.scatter.add.f32 [tilespmem:s19], [sflag:$0x3], $0x80, s18, s18, $0xb8;
	[tilespmem:$0x1C200] =	vst v63  }
0x91: {  	_ =	swait.ge [sflag:s17], $0x4000  }
0x92: {  	[sflag:s17] =	ssyncset.done $0x0  }
0x93: {  	[sflag:s17] =	ssyncadd.s32 $0xFFFFC000  }
0x94: {  	_ =	swait.ge [sflag:s24], $0x4000  }
0x95: {  	[sflag:s24] =	ssyncset.done $0x0  }
0x96: {  	[sflag:s24] =	ssyncadd.s32 $0xFFFFC000  }
0x97: {  	[spmem:s2] =	stream.indirect.scatter.add.f32 [tilespmem:s22], [sflag:$0x3], $0x80, s21, s18, $0xb8;
	[tilespmem:$0x1C200] =	vst v63  }
0x98: {  	_ =	swait.ge [sflag:s17], $0x4000  }
0x99: {  	s25 =	sadd.s32 $0x1, s25;
	[sflag:s17] =	ssyncset.done $0x0  }
0x9a: {  	p0 =	sne.s32 s25, s13;
	[sflag:s17] =	ssyncadd.s32 $0xFFFFC000  }
.Ltmp1:
0x9b: {  	[bflag:$0x0] =	sbarrier.arrive $0xFFFF;
	(pc) =	sbr.rel @p0 .LBB2_1-.Ltmp1, $4  }
0x9c: {  	[hbm:s12], [sflag:s9] =	dma.local [spmem:s16], $0x2800  }
0x9d: {  	_ =	swait.ge [sflag:s17], $0x2800  }
0x9e: {  	[sflag:s17] =	ssyncset.done $0x0  }
0x9f: {  	[sflag:s17] =	ssyncadd.s32 $0xFFFFD800  }
0xa0: {  	_ =	sfence.sel $0x180000  }
0xa1: {  	[bflag:$0x0] =	sbarrier.arrive $0xFFFF  }
0xa2: {  	p0 =	sne.s32 s3, $0x0;
	_ =	strace $0x9000004A  }
0xa3: {  	s0 =	sadd.s32 @!p0 $0x100000, s0;
	[bflag:$0x2] =	sbarrier.arrive $0xFFFF  }
0xa4: {  	[sflag:s0] =	ssyncadd.tile.s32 @!p0 $0x1;
	_ =	shalt  }
.Lfunc_end2:
_tile_overlayer_lowered:
.L_overlay_start_2:
0xa5: {  	(tag) =	ssettag $0x2  }
0xa6: {  	s0 =	rddreg [dreg:$0x0];
	s2 =	stileid.u32  }
0xa7: {  	s1 =	rddreg [dreg:$0x1];
	p0 =	sne.s32 s2, $0x0  }
0xa8: {  	s3 =	rddreg [dreg:$0x2];
	[bflag:$0x3] =	sbarrier.arrive $0xFFFF;
	s2 =	simm.s32 @!p0 $0x1C03  }
0xa9: {  	[timem:s3], [sflag:s2] =	dma.local @!p0 [hbm:s0], s1  }
0xaa: {  	s0 =	simm.s32 @!p0 $0x3  }
0xab: {  	_ =	swait.ge @!p0 [sflag:s0], s1  }
0xac: {  	s1 =	ssub.s32 @!p0 $0x0, s1;
	[sflag:s0] =	ssyncset.done @!p0 $0x0  }
0xad: {  	[sflag:s0] =	ssyncadd.s32 @!p0 s1  }
0xae: {  	[bflag:$0x3] =	sbarrier.arrive $0xFFFF  }
0xaf: {  	_ =	shalt  }

// kernel: kernel.14.cloned.1.call-start
scs
__scs_entry_jumppad:
0x0: {  	(pc) =	sbr.rel $0x88, $3  }
0x1: {  	(tag) =	ssettag $0x0;
	lr =	simm.s32 $0x1  }
0x2: {  	[smem:$0x3F97] =	sst lr;
	_ =	strace $0xD0000000  }
0x3: {  	_ = 	snop  }
0x4: {  	_ = 	snop  }
0x5: {  	_ = 	snop  }
0x6: {  	_ = 	snop  }
0x7: {  	_ = 	snop  }
__scs_overlays_trampoline_lowered:
0x8: {  	[smem:$0x3FA6] =	sst s0  }
0x9: {  	[smem:$0x3FA7] =	sst s1  }
0xa: {  	[smem:$0x3FA8] =	sst s2  }
0xb: {  	[smem:$0x3FA9] =	sst s3  }
0xc: {  	[smem:$0x3FAA] =	sst s4  }
0xd: {  	[smem:$0x3FAB] =	sst s5  }
0xe: {  	[smem:$0x3FAC] =	sst s6  }
0xf: {  	[smem:$0x3FAD] =	sst s7  }
0x10: {  	[smem:$0x3FAE] =	sst s8  }
0x11: {  	[smem:$0x3FAF] =	sst s9;
	s0 =	simm.s32 @!p0 $0x0  }
0x12: {  	s1 =	sld [smem:$0x3F95];
	s0 =	simm.s32 @p0 $0x1  }
0x13: {  	[smem:$0x3FB0] =	sst s0;
	s0 =	simm.s32 @!p1 $0x0  }
0x14: {  	s2 =	sld [smem:$0x3F94];
	s0 =	simm.s32 @p1 $0x1  }
0x15: {  	[smem:$0x3FB1] =	sst s0;
	s0 =	simm.s32 @!p2 $0x0  }
0x16: {  	s3 =	sld [smem:$0x3FDB];
	s0 =	simm.s32 @p2 $0x1  }
0x17: {  	s4 =	simm.s32 $0x1BF5;
	[smem:$0x3FB3] =	sst s0  }
0x18: {  	s0 =	sld [smem:$0x3F96];
	_ =	swait.ge [sflag:s4], $0x0  }
0x19: {  	s7 =	sld [smem:$0x3F97]  }
0x1a: {  	s8 =	sadd.s32 $0xFFFFE003, lr  }
0x1b: {  	s9 =	sadd.s32 $0xFFFFFEF7, lr;
	s5 =	simm.s32 $0xFFFFFFFF;
	p2 =	slt.u32 s8, $0xFFFFF086  }
0x1c: {  	p1 =	slt.u32 s9, $0xF7A;
	s5 =	simm.s32 @!p2 $0x0  }
0x1d: {  	s5 =	simm.s32 @p1 $0x1;
	p0 =	seq.s32 s7, s2  }
0x1e: {  	s7 =	smul.u32 @!p0 $0xF7A, s2;
	p2 =	seq.s32 @!p0 s5, $0x0  }
0x1f: {  	s9 =	smul.u32 $0xF7A, s1;
	s8 =	simm.s32 @!p0 $0x1BF5;
	p2 =	por !p2, p0  }
0x20: {  	[sflag:s8] =	ssyncset.s32 @!p0 $0xFFFFF086;
	s6 =	sadd.s32 @!p0 s3, s7;
	s7 =	simm.s32 @!p0 $0x108  }
0x21: {  	s3 =	sadd.s32 s3, s9;
	s6 =	sadd.s32 @!p0 $0x88, s6;
	s7 =	simm.s32 @p2 $0x1082  }
0x22: {  	[simem:s7], [sflag:s8] =	dma.local @!p0 [hbm:s6], $0xF7A  }
0x23: {  	s9 =	sor.u32 $0xD0000000, s2;
	s6 =	simm.s32 $0x108;
	_ =	swait.ge @!p0 [sflag:s8], $0x0  }
0x24: {  	s3 =	sadd.s32 $0x88, s3;
	s6 =	simm.s32 @!p1 $0x1082;
	[sflag:s4] =	ssyncset.s32 $0xFFFFF086  }
0x25: {  	[simem:s6], [sflag:s4] =	dma.local [hbm:s3], $0xF7A  }
0x26: {  	[smem:$0x3F97] =	sst s1;
	(tag) =	ssettag s2;
	_ =	strace s9  }
0x27: {  	s1 =	sld [smem:$0x3FA7]  }
0x28: {  	s2 =	sld [smem:$0x3FA8]  }
0x29: {  	s4 =	sld [smem:$0x3FAA]  }
0x2a: {  	p0 =	seq.s32 s5, $0x0;
	s5 =	sld [smem:$0x3FAB]  }
0x2b: {  	s6 =	sld [smem:$0x3FAC]  }
0x2c: {  	s7 =	sld [smem:$0x3FAD]  }
0x2d: {  	s3 =	simm.s32 $0x108;
	s8 =	sld [smem:$0x3FAE]  }
0x2e: {  	s3 =	simm.s32 @!p0 $0x1082;
	s9 =	sld [smem:$0x3FAF]  }
0x2f: {  	lr =	sadd.s32 s0, s3;
	s0 =	sld [smem:$0x3FA6]  }
0x30: {  	s3 =	sld [smem:$0x3FA9]  }
0x31: {  	[smem:$0x3FB2] =	sst s10  }
0x32: {  	s10 =	sld [smem:$0x3FB0];
	_ =	sdelay $0x3  }
0x33: {  	p0 =	seq.s32 s10, $0x1;
	s10 =	sld [smem:$0x3FB2];
	_ =	sdelay $0x3  }
0x34: {  	[smem:$0x3FB2] =	sst s10  }
0x35: {  	s10 =	sld [smem:$0x3FB1];
	_ =	sdelay $0x3  }
0x36: {  	p1 =	seq.s32 s10, $0x1;
	s10 =	sld [smem:$0x3FB2];
	_ =	sdelay $0x3  }
0x37: {  	[smem:$0x3FB2] =	sst s10  }
0x38: {  	s10 =	sld [smem:$0x3FB3]  }
0x39: {  	_ = 	snop;
	(pc) =	sbr.ind lr, $3  }
0x3a: {  	_ = 	snop  }
0x3b: {  	_ = 	snop  }
0x3c: {  	p2 =	seq.s32 s10, $0x1;
	s10 =	sld [smem:$0x3FB2]  }
0x3d: {  	_ =	shalt  }
0x3e: {  	_ =	shalt  }
0x3f: {  	_ =	shalt  }
0x40: {  	_ =	shalt  }
0x41: {  	_ =	shalt  }
0x42: {  	_ =	shalt  }
0x43: {  	_ =	shalt  }
0x44: {  	_ =	shalt  }
0x45: {  	_ =	shalt  }
0x46: {  	_ =	shalt  }
0x47: {  	_ =	shalt  }
0x48: {  	_ =	shalt  }
0x49: {  	_ =	shalt  }
0x4a: {  	_ =	shalt  }
0x4b: {  	_ =	shalt  }
0x4c: {  	_ =	shalt  }
0x4d: {  	_ =	shalt  }
0x4e: {  	_ =	shalt  }
0x4f: {  	_ =	shalt  }
0x50: {  	_ =	shalt  }
0x51: {  	_ =	shalt  }
0x52: {  	_ =	shalt  }
0x53: {  	_ =	shalt  }
0x54: {  	_ =	shalt  }
0x55: {  	_ =	shalt  }
0x56: {  	_ =	shalt  }
0x57: {  	_ =	shalt  }
0x58: {  	_ =	shalt  }
0x59: {  	_ =	shalt  }
0x5a: {  	_ =	shalt  }
0x5b: {  	_ =	shalt  }
0x5c: {  	_ =	shalt  }
0x5d: {  	_ =	shalt  }
0x5e: {  	_ =	shalt  }
0x5f: {  	_ =	shalt  }
0x60: {  	_ =	shalt  }
0x61: {  	_ =	shalt  }
0x62: {  	_ =	shalt  }
0x63: {  	_ =	shalt  }
0x64: {  	_ =	shalt  }
0x65: {  	_ =	shalt  }
0x66: {  	_ =	shalt  }
0x67: {  	_ =	shalt  }
0x68: {  	_ =	shalt  }
0x69: {  	_ =	shalt  }
0x6a: {  	_ =	shalt  }
0x6b: {  	_ =	shalt  }
0x6c: {  	_ =	shalt  }
0x6d: {  	_ =	shalt  }
0x6e: {  	_ =	shalt  }
0x6f: {  	_ =	shalt  }
0x70: {  	_ =	shalt  }
0x71: {  	_ =	shalt  }
0x72: {  	_ =	shalt  }
0x73: {  	_ =	shalt  }
0x74: {  	_ =	shalt  }
0x75: {  	_ =	shalt  }
0x76: {  	_ =	shalt  }
0x77: {  	_ =	shalt  }
0x78: {  	_ =	shalt  }
0x79: {  	_ =	shalt  }
0x7a: {  	_ =	shalt  }
0x7b: {  	_ =	shalt  }
0x7c: {  	_ =	shalt  }
0x7d: {  	_ =	shalt  }
0x7e: {  	_ =	shalt  }
0x7f: {  	_ =	shalt  }
0x80: {  	_ =	shalt  }
0x81: {  	_ =	shalt  }
0x82: {  	_ =	shalt  }
0x83: {  	_ =	shalt  }
0x84: {  	_ =	shalt  }
0x85: {  	_ =	shalt  }
0x86: {  	_ =	shalt  }
0x87: {  	_ =	shalt  }
.Lfunc_end0:
.L_simem_size_0:
called_computation.2_lowered:
.L_overlay_start_0:
0x88: {  	s2 =	sld [smem:$0x3FD9]  }
0x89: {  	s3 =	sld [smem:$0x3FFE];
	_ =	sdelay $0x1  }
0x8a: {  	s1 =	srdreg.scid  }
0x8b: {  	s0 =	sand.u32 $0x1, s1  }
0x8c: {  	s16 =	sshll.u32 s0, $0xA;
	s2 =	sadd.s32 s3, s2  }
0x8d: {  	s2 =	sadd.s32 s2, s16  }
0x8e: {  	[smem:$0x3FBE] =	sst s2  }
0x8f: {  	_ = 	snop  }
0x90: {  	(tm) =	ssettm $0x1  }
0x91: {  	s17 =	sld [smem:$0x3FFB];
	_ =	sdelay $0x3  }
0x92: {  	_ =	strace s17  }
0x93: {  	s2 =	sld [smem:$0x3FFC];
	_ =	sdelay $0x3  }
0x94: {  	_ =	strace s2  }
0x95: {  	s2 =	sld [smem:$0x3FFD];
	_ =	sdelay $0x3  }
0x96: {  	_ =	strace s2  }
0x97: {  	_ =	strace $0x8FFFFFFF  }
0x98: {  	s18 =	sld [smem:$0x3FDB];
	_ =	sdelay $0x1  }
0x99: {  	s19 =	simm.s32 $_scs_section_size  }
0x9a: {  	s4 =	simm.s32 $_size__tile_overlayer_lowered;
	s5 =	simm.s32 $_tile_overlayer_lowered  }
0x9b: {  	s22 =	simm.s32 $0x1BFF;
	s21 =	sshll.u32 s5, $0x1;
	s2 =	sadd.s32 s19, s18  }
0x9c: {  	s6 =	simm.s32 $0x0;
	s20 =	sshll.u32 s4, $0x1;
	s4 =	sadd.s32 s21, s2  }
0x9d: {  	[timem:s6], [sflag:s22] =	dma.local [hbm:s4], s20  }
0x9e: {  	_ =	swait.ge [sflag:s22], s20  }
0x9f: {  	s3 =	ssub.s32 $0x0, s20;
	[sflag:s22] =	ssyncset.done $0x0  }
0xa0: {  	[sflag:s22] =	ssyncadd.s32 s3;
	_ =	sdelay $0x1  }
0xa1: {  	s23 =	simm.s32 $0x1B8B  }
0xa2: {  	_ =	swait.ge [sflag:s23], $0x1  }
0xa3: {  	[sflag:s23] =	ssyncset.done $0x0  }
0xa4: {  	s25 =	simm.s32 $0x1B8E;
	s24 =	sld [smem:$0x3FFE];
	[sflag:s23] =	ssyncadd.s32 $0xFFFFFFFF  }
0xa5: {  	s26 =	simm.s32 $execute0_lowered;
	[smem:$0x3FD2] =	sst s25  }
0xa6: {  	s4 =	sshll.u32 s26, $0x1;
	_ =	strace $0x8000004C;
	[dreg:$0x1] =	wrdreg $0xFFFFFFFF  }
0xa7: {  	s28 =	simm.s32 $_size_execute0_lowered;
	s2 =	sadd.s32 s2, s4;
	[dreg:$0x0] =	wrdreg $0x0  }
0xa8: {  	s4 =	sshll.u32 s28, $0x1;
	[dreg:$0x2] =	wrdreg s2  }
0xa9: {  	[dreg:$0x3] =	wrdreg s4  }
0xaa: {  	[dreg:$0x4] =	wrdreg $0xC0  }
0xab: {  	_ =	task [dreg:s6], $0x5FFFF  }
0xac: {  	[dreg:$0x1] =	wrdreg $0xFFFFFFFF  }
0xad: {  	[dreg:$0x0] =	wrdreg $0x60  }
0xae: {  	[dreg:$0x2] =	wrdreg s24  }
0xaf: {  	[dreg:$0x3] =	wrdreg $0x9  }
0xb0: {  	_ =	task.clear_ibuf [dreg:s6], $0x4FFFF;
	_ =	strace $0x9000004C  }
0xb1: {  	s29 =	simm.s32 $0x9;
	_ =	strace $0x8000004E  }
0xb2: {  	_ =	swait.ge [sflag:s29], $0x1  }
0xb3: {  	[sflag:s29] =	ssyncadd.s32 $0xFFFFFFFF  }
0xb4: {  	_ =	strace $0x9000004E  }
0xb5: {  	_ =	sfence  }
0xb6: {  	s30 =	sld [smem:$0x0];
	_ =	sdelay $0x2  }
0xb7: {  	s31 =	sshll.u32 s1, $0xD;
	s1 =	sshrl.u32 s1, $0x2  }
0xb8: {  	s3 =	sand.u32 $0x4000, s31;
	s1 =	sadd.s32 s1, s30  }
0xb9: {  	s0 =	sor.u32 s3, s0;
	s1 =	sshll.u32 s1, $0x11  }
0xba: {  	s0 =	sor.u32 s1, s0  }
0xbb: {  	s0 =	sadd.s32 $0x8F2B, s0  }
0xbc: {  	[sflag:s0] =	ssyncadd.remote.s32 $0x1  }
0xbd: {  	_ =	sfence.sel $0xFFFF  }
0xbe: {  	[dreg:$0x0] =	wrdreg $0xFFFFFFFF;
	(pc) =	sbr.abs _section_cstart, $3  }
0xbf: {  	[dreg:$0x1] =	wrdreg $0xFFFFFFFF  }
0xc0: {  	_ =	task.clear_ibuf [dreg:s6], $0x2FFFF;
	_ =	strace $0x9FFFFFFF  }
0xc1: {  	(tm) =	ssettm $0x7FFFFFFF  }
tec
execute0_lowered:
.L_overlay_start_1:
0x0: {  	(tag) =	ssettag $0x1  }
0x1: {  	s7 =	rddreg [dreg:$0x0]  }
0x2: {  	s0 =	rddreg [dreg:$0x1];
	s1 =	simm.s32 $0x0  }
0x3: {  	s4 =	srdreg.scid;
	s2 =	stileid.u32;
	v0 =	vlaneseq.u32;
	s11 =	simm.s32 $0x5  }
0x4: {  	s12 =	simm.s32 $0x80;
	s13 =	simm.s32 $0x200;
	s14 =	simm.s32 $0x4200;
	v0 =	vmul.u32 $0x80, v0  }
0x5: {  	s15 =	simm.s32 $0x100;
	s16 =	simm.s32 $0x180;
	[smem:$0x7FF] =	sst s1  }
0x6: {  	s17 =	simm.s32 $0x8200;
	s18 =	simm.s32 $0xC200;
	_ =	strace $0x8000004D;
	v1 =	vor.u32 $0x3800, v0;
	[tilespmem:$0x1FF90] =	vst v0  }
0x7: {  	s19 =	simm.s32 $0x1;
	s20 =	simm.s32 $0x2;
	s21 =	simm.s32 $0x10200;
	v3 =	vor.u32 $0x800, v0;
	[tilespmem:$0x1FF80] =	vst v1  }
0x8: {  	s22 =	simm.s32 $0x3;
	s23 =	simm.s32 $0x4;
	s24 =	simm.s32 $0x0;
	v15 =	vor.u32 $0x3000, v0;
	[tilespmem:$0x1FFA0] =	vst v3  }
0x9: {  	s3 =	sadd.s32 $0x1E00, s7;
	s6 =	sand.u32 $0x1, s4;
	s4 =	sadd.s32 $0x5E00, s7;
	v4 =	vor.u32 $0x1000, v0;
	[tilespmem:$0x1FFB0] =	vst v15  }
0xa: {  	s9 =	sshll.u32 s2, $0xC;
	s8 =	sshll.u32 s6, $0x10;
	s10 =	ssub.s32 $0x2, s6;
	v5 =	vor.u32 $0x1800, v0;
	[tilespmem:$0x1FFC0] =	vst v4  }
0xb: {  	s5 =	sadd.s32 $0x9E00, s7;
	s6 =	sor.u32 s9, s8;
	s31 =	sshrl.u32 s10, $0x1;
	v6 =	vor.u32 $0x2000, v0;
	[tilespmem:$0x1FFD0] =	vst v5  }
0xc: {  	s7 =	sadd.s32 $0x31000, s7;
	v7 =	vor.u32 $0x2800, v0;
	s9 =	sshrl.u32 s6, $0x3;
	s10 =	ssub.s32 s10, s31;
	[tilespmem:$0x1FFE0] =	vst v6  }
0xd: {  	[tilespmem:$0x1FFF0] =	vst v7;
	s8 =	sadd.s32 s3, s9;
	s9 =	sadd.s32 s4, s9;
	s10 =	smax.u32 s10, $0x1  }
.LBB2_1:
0xe: {  	[tilespmem:s1], [sflag:$0x5] =	stream.linear.gather [hbm4b:s8+s1], $0x80, $0x38;
	[tilespmem:$0x10280] =	vst v63  }
0xf: {  	_ =	swait.ge [sflag:s11], $0x80  }
0x10: {  	[sflag:s11] =	ssyncset.done $0x0  }
0x11: {  	[sflag:s11] =	ssyncadd.s32 $0xFFFFFF80  }
0x12: {  	[tilespmem:s12], [sflag:$0x5] =	stream.linear.gather [hbm4b:s9+s1], $0x80, $0x38;
	[tilespmem:$0x10280] =	vst v63  }
0x13: {  	_ =	swait.ge [sflag:s11], $0x80  }
0x14: {  	[sflag:s11] =	ssyncset.done $0x0  }
0x15: {  	[sflag:s11] =	ssyncadd.s32 $0xFFFFFF80  }
0x16: {  	[tilespmem:s13], [sflag:$0x1] =	stream.indirect.gather [hbm4b:s5+s12], $0x80, s1, s12, $0xb8;
	[tilespmem:$0x10280] =	vst v63  }
0x17: {  	s25 =	simm.s32 $0x0  }
0x18: {  	[tilespmem:s14], [sflag:$0x2] =	stream.indirect.gather [hbm4b:s5+s12], $0x80, s12, s12, $0xb8;
	[tilespmem:$0x10280] =	vst v63  }
.LBB2_2:
0x19: {  	s28 =	sshll.u32 s25, $0x8  }
0x1a: {  	s26 =	sor.u32 s6, s28  }
0x1b: {  	s29 =	sshrl.u32 s26, $0x3  }
0x1c: {  	s26 =	sor.u32 $0x10, s29  }
0x1d: {  	s30 =	sadd.s32 s3, s26  }
0x1e: {  	[tilespmem:s15], [sflag:$0x5] =	stream.linear.gather [hbm4b:s30+s1], $0x80, $0x38;
	[tilespmem:$0x10280] =	vst v63  }
0x1f: {  	_ =	swait.ge [sflag:s11], $0x80  }
0x20: {  	[sflag:s11] =	ssyncset.done $0x0  }
0x21: {  	s30 =	sadd.s32 s4, s26;
	[sflag:s11] =	ssyncadd.s32 $0xFFFFFF80  }
0x22: {  	[tilespmem:s16], [sflag:$0x5] =	stream.linear.gather [hbm4b:s30+s1], $0x80, $0x38;
	[tilespmem:$0x10280] =	vst v63  }
0x23: {  	_ =	swait.ge [sflag:s11], $0x80  }
0x24: {  	[sflag:s11] =	ssyncset.done $0x0  }
0x25: {  	[sflag:s11] =	ssyncadd.s32 $0xFFFFFF80  }
0x26: {  	[tilespmem:s17], [sflag:$0x3] =	stream.indirect.gather [hbm4b:s5+s12], $0x80, s15, s12, $0xb8;
	[tilespmem:$0x10280] =	vst v63  }
0x27: {  	v8 =	vimm.s32 $0x0  }
0x28: {  	v12 =	vand.u32 $0x7C, v8;
	v1 =	vand.u32 $0xFFFFFF80, v8;
	[tilespmem:s18], [sflag:$0x4] =	stream.indirect.gather [hbm4b:s5+s12], $0x80, s16, s12, $0xb8;
	[tilespmem:$0x10280] =	vst v63  }
0x29: {  	v0 =	vadd.s32 v0, v1;
	v11 =	vor.u32 $0x3, v12;
	_ =	swait.ge [sflag:s19], $0x4000  }
0x2a: {  	v2 =	vor.u32 v11, v0;
	[sflag:s19] =	ssyncset.done $0x0  }
0x2b: {  	v3 =	vadd.s32 v3, v1;
	[sflag:s19] =	ssyncadd.s32 $0xFFFFC000  }
0x2c: {  	v9 =	vor.u32 v11, v3;
	_ =	swait.ge [sflag:s20], $0x4000  }
0x2d: {  	v13 =	vadd.s32 v4, v1;
	[sflag:s20] =	ssyncset.done $0x0  }
0x2e: {  	v10 =	vor.u32 v11, v13;
	v4 =	vld [tilespmem:$0x1FF80];
	[sflag:s20] =	ssyncadd.s32 $0xFFFFC000  }
0x2f: {  	v14 =	vadd.s32 v5, v1;
	v46 =	vld.idx.msk [tilespmem:v2+s13+$0x0], $0xffff  }
0x30: {  	v16 =	vor.u32 v11, v14;
	v48 =	vld.idx.msk [tilespmem:v2+s14+$0x0], $0xffff  }
0x31: {  	v54 =	vadd.s32 v15, v1;
	v49 =	vld.idx.msk [tilespmem:v9+s13+$0x0], $0xffff  }
0x32: {  	v23 =	vor.u32 $0x2, v12;
	v17 =	vor.u32 v11, v54;
	v60 =	vld.idx.msk [tilespmem:v9+s14+$0x0], $0xffff  }
0x33: {  	v18 =	vor.u32 v23, v0;
	v27 =	vld.idx.msk [tilespmem:v10+s13+$0x0], $0xffff  }
0x34: {  	v62 =	vld.idx.msk [tilespmem:v10+s14+$0x0], $0xffff  }
0x35: {  	v19 =	vor.u32 v23, v3;
	v45 =	vld.idx.msk [tilespmem:v16+s13+$0x0], $0xffff  }
0x36: {  	v24 =	vor.u32 v23, v13;
	v61 =	vld.idx.msk [tilespmem:v16+s14+$0x0], $0xffff  }
0x37: {  	v28 =	vor.u32 $0x1, v12;
	v2 =	vld.idx.msk [tilespmem:v17+s13+$0x0], $0xffff  }
0x38: {  	v26 =	vor.u32 v28, v3;
	v21 =	vld.idx.msk [tilespmem:v18+s13+$0x0], $0xffff  }
0x39: {  	v22 =	vld.idx.msk [tilespmem:v18+s14+$0x0], $0xffff  }
0x3a: {  	v33 =	vor.u32 v28, v13;
	v16 =	vld.idx.msk [tilespmem:v19+s13+$0x0], $0xffff  }
0x3b: {  	v29 =	vld.idx.msk [tilespmem:v24+s13+$0x0], $0xffff  }
0x3c: {  	v59 =	vor.u32 v12, v3;
	v30 =	vld.idx.msk [tilespmem:v24+s14+$0x0], $0xffff  }
0x3d: {  	v20 =	vadd.s32 v6, v1;
	v52 =	vld.idx.msk [tilespmem:v26+s13+$0x0], $0xffff  }
0x3e: {  	v9 =	vor.u32 v11, v20;
	v53 =	vld.idx.msk [tilespmem:v26+s14+$0x0], $0xffff  }
0x3f: {  	v25 =	vadd.s32 v7, v1;
	v38 =	vld.idx.msk [tilespmem:v33+s13+$0x0], $0xffff  }
0x40: {  	v10 =	vor.u32 v11, v25;
	v42 =	vld.idx.msk [tilespmem:v33+s14+$0x0], $0xffff  }
0x41: {  	v58 =	vld.idx.msk [tilespmem:v59+s13+$0x0], $0xffff  }
0x42: {  	v59 =	vld.idx.msk [tilespmem:v59+s14+$0x0], $0xffff  }
0x43: {  	v18 =	vor.u32 v23, v20;
	v55 =	vld.idx.msk [tilespmem:v9+s13+$0x0], $0xffff  }
0x44: {  	v63 =	vld.idx.msk [tilespmem:v9+s14+$0x0], $0xffff  }
0x45: {  	v24 =	vor.u32 v28, v0;
	v15 =	vld.idx.msk [tilespmem:v10+s13+$0x0], $0xffff  }
0x46: {  	v37 =	vld.idx.msk [tilespmem:v10+s14+$0x0], $0xffff  }
0x47: {  	v26 =	vor.u32 v28, v25;
	[tilespmem:$0x1FF20] =	vst v2;
	v2 =	vld.idx.msk [tilespmem:v17+s14+$0x0], $0xffff  }
0x48: {  	v35 =	vld.idx.msk [tilespmem:v18+s13+$0x0], $0xffff  }
0x49: {  	v17 =	vor.u32 v23, v14;
	v43 =	vld.idx.msk [tilespmem:v18+s14+$0x0], $0xffff  }
0x4a: {  	v50 =	vld.idx.msk [tilespmem:v24+s13+$0x0], $0xffff  }
0x4b: {  	v51 =	vld.idx.msk [tilespmem:v24+s14+$0x0], $0xffff  }
0x4c: {  	v0 =	vor.u32 v12, v0;
	v33 =	vld.idx.msk [tilespmem:v26+s13+$0x0], $0xffff  }
0x4d: {  	[tilespmem:$0x1FF30] =	vst v2;
	v2 =	vld.idx.msk [tilespmem:v19+s14+$0x0], $0xffff;
	v19 =	vor.u32 v23, v25  }
0x4e: {  	v31 =	vld.idx.msk [tilespmem:v17+s13+$0x0], $0xffff  }
0x4f: {  	v32 =	vld.idx.msk [tilespmem:v17+s14+$0x0], $0xffff;
	v17 =	vor.u32 v23, v54  }
0x50: {  	v39 =	vld.idx.msk [tilespmem:v26+s14+$0x0], $0xffff  }
0x51: {  	v56 =	vld.idx.msk [tilespmem:v0+s13+$0x0], $0xffff  }
0x52: {  	v13 =	vor.u32 v12, v13;
	v44 =	vld.idx.msk [tilespmem:v19+s13+$0x0], $0xffff  }
0x53: {  	v47 =	vld.idx.msk [tilespmem:v19+s14+$0x0], $0xffff  }
0x54: {  	v24 =	vor.u32 v28, v20;
	v18 =	vld.idx.msk [tilespmem:v17+s13+$0x0], $0xffff  }
0x55: {  	v19 =	vld.idx.msk [tilespmem:v17+s14+$0x0], $0xffff;
	v17 =	vor.u32 v28, v14  }
0x56: {  	v57 =	vld.idx.msk [tilespmem:v0+s14+$0x0], $0xffff  }
0x57: {  	v49 =	vmul.f32 v60, v49;
	v60 =	vld.idx.msk [tilespmem:v13+s13+$0x0], $0xffff  }
0x58: {  	v3 =	vor.u32 v12, v20;
	v48 =	vmul.f32 v48, v46;
	v46 =	vmul.f32 v62, v27;
	v62 =	vld.idx.msk [tilespmem:v13+s14+$0x0], $0xffff  }
0x59: {  	v34 =	vld.idx.msk [tilespmem:v24+s13+$0x0], $0xffff;
	v14 =	vor.u32 v12, v14  }
0x5a: {  	v36 =	vld.idx.msk [tilespmem:v17+s13+$0x0], $0xffff  }
0x5b: {  	v40 =	vld.idx.msk [tilespmem:v17+s14+$0x0], $0xffff;
	v17 =	vor.u32 v28, v54  }
0x5c: {  	v0 =	vor.u32 v12, v25;
	v41 =	vld.idx.msk [tilespmem:v24+s14+$0x0], $0xffff  }
0x5d: {  	v27 =	vmul.f32 v63, v55;
	v63 =	vadd.s32 v4, v1;
	v4 =	vimm.f32 $0.0e+00;
	v55 =	vld.idx.msk [tilespmem:v3+s13+$0x0], $0xffff  }
0x5e: {  	v45 =	vmul.f32 v61, v45;
	v61 =	vor.u32 v12, v54;
	[tilespmem:$0x1FF40] =	vst v4;
	v4 =	vimm.f32 $0.0e+00;
	v1 =	vld.idx.msk [tilespmem:v14+s13+$0x0], $0xffff  }
0x5f: {  	v20 =	vimm.f32 $0.0e+00;
	[tilespmem:$0x1FF50] =	vst v4;
	v4 =	vimm.f32 $0.0e+00;
	v54 =	vmul.f32 v2, v16;
	v2 =	vld.idx.msk [tilespmem:v14+s14+$0x0], $0xffff  }
0x60: {  	v25 =	vmul.f32 v37, v15;
	v37 =	vmul.f32 v22, v21;
	[tilespmem:$0x1FF60] =	vst v4;
	v4 =	vimm.f32 $0.0e+00;
	v24 =	vld.idx.msk [tilespmem:v17+s13+$0x0], $0xffff  }
0x61: {  	s30 =	simm.s32 $0x1F;
	v22 =	vimm.f32 $0.0e+00;
	v21 =	vimm.f32 $0.0e+00;
	[tilespmem:$0x1FF70] =	vst v4;
	v26 =	vld.idx.msk [tilespmem:v17+s14+$0x0], $0xffff;
	v17 =	vimm.f32 $0.0e+00  }
.LBB2_3:
0x62: {  	v3 =	vld.idx.msk [tilespmem:v3+s14+$0x0], $0xffff;
	_ =	sdelay $0x1  }
0x63: {  	v4 =	vld [tilespmem:$0x1FF40];
	_ =	sdelay $0x1  }
0x64: {  	v29 =	vmul.f32 v30, v29;
	v30 =	vmul.f32 v32, v31;
	v31 =	vld.idx.msk [tilespmem:v0+s13+$0x0], $0xffff  }
0x65: {  	v0 =	vld.idx.msk [tilespmem:v0+s14+$0x0], $0xffff;
	v3 =	vmul.f32 v3, v55;
	_ =	sdelay $0x1  }
0x66: {  	v3 =	vadd.f32 v3, v4;
	v4 =	vld [tilespmem:$0x1FF50];
	_ =	sdelay $0x1  }
0x67: {  	v12 =	vor.u32 v12, v63;
	v32 =	vmul.f32 v43, v35;
	v43 =	vmul.f32 v51, v50;
	v51 =	vld.idx.msk [tilespmem:v61+s13+$0x0], $0xffff  }
0x68: {  	v1 =	vmul.f32 v2, v1;
	v2 =	vld.idx.msk [tilespmem:v61+s14+$0x0], $0xffff;
	v0 =	vmul.f32 v0, v31;
	_ =	sdelay $0x1  }
0x69: {  	v57 =	vmul.f32 v57, v56;
	v0 =	vadd.f32 v0, v4;
	v4 =	vld [tilespmem:$0x1FF60];
	_ =	sdelay $0x1  }
0x6a: {  	v17 =	vadd.f32 v57, v17;
	v57 =	vld.idx.msk [tilespmem:v12+s13+$0x0], $0xffff  }
0x6b: {  	v28 =	vor.u32 v28, v63;
	v12 =	vld.idx.msk [tilespmem:v12+s14+$0x0], $0xffff;
	v2 =	vmul.f32 v2, v51;
	_ =	sdelay $0x1  }
0x6c: {  	v59 =	vmul.f32 v59, v58;
	v2 =	vadd.f32 v2, v4;
	v4 =	vld [tilespmem:$0x1FF70]  }
0x6d: {  	v35 =	vmul.f32 v47, v44;
	v44 =	vmul.f32 v53, v52;
	v23 =	vor.u32 v23, v63  }
0x6e: {  	v11 =	vor.u32 v11, v63;
	v5 =	vld [tilespmem:$0x1FF30];
	v56 =	vmul.f32 v62, v60;
	v22 =	vadd.f32 v59, v22  }
0x6f: {  	v58 =	vld.idx.msk [tilespmem:v28+s13+$0x0], $0xffff;
	v1 =	vadd.f32 v1, v21;
	v21 =	vmul.f32 v40, v36;
	v12 =	vmul.f32 v12, v57  }
0x70: {  	v38 =	vmul.f32 v42, v38;
	v28 =	vld.idx.msk [tilespmem:v28+s14+$0x0], $0xffff;
	v20 =	vadd.f32 v56, v20;
	v22 =	vadd.f32 v44, v22  }
0x71: {  	v1 =	vadd.f32 v21, v1;
	v12 =	vadd.f32 v12, v4;
	v4 =	vld [tilespmem:$0x1FF20]  }
0x72: {  	v59 =	vld.idx.msk [tilespmem:v23+s13+$0x0], $0xffff;
	v20 =	vadd.f32 v38, v20;
	v21 =	vadd.f32 v54, v22  }
0x73: {  	v8 =	vadd.s32 $0x4, v8;
	v33 =	vmul.f32 v39, v33;
	v23 =	vld.idx.msk [tilespmem:v23+s14+$0x0], $0xffff;
	v1 =	vadd.f32 v30, v1  }
0x74: {  	v34 =	vmul.f32 v41, v34;
	v20 =	vadd.f32 v29, v20;
	v29 =	vld.idx.msk [tilespmem:v11+s13+$0x0], $0xffff;
	v22 =	vadd.f32 v49, v21  }
0x75: {  	v21 =	vadd.f32 v45, v1;
	v1 =	vld.idx.msk [tilespmem:v11+s14+$0x0], $0xffff;
	v11 =	vmul.f32 v26, v24;
	v0 =	vadd.f32 v33, v0  }
0x76: {  	v17 =	vadd.f32 v43, v17;
	v13 =	vmul.f32 v28, v58;
	v9 =	vmul.f32 v5, v4;
	v4 =	vld [tilespmem:$0x1FFC0]  }
0x77: {  	v14 =	vmul.f32 v19, v18;
	v0 =	vadd.f32 v35, v0;
	v2 =	vadd.f32 v11, v2  }
0x78: {  	v17 =	vadd.f32 v37, v17;
	v11 =	vadd.f32 v13, v12;
	v12 =	vmul.f32 v23, v59  }
0x79: {  	v37 =	vand.u32 $0xFFFFFF80, v8;
	v0 =	vadd.f32 v25, v0;
	v2 =	vadd.f32 v14, v2  }
0x7a: {  	v1 =	vmul.f32 v1, v29;
	v10 =	vadd.f32 v12, v11;
	v12 =	vand.u32 $0x7C, v8  }
0x7b: {  	[tilespmem:$0x1FF50] =	vst v0;
	v11 =	vor.u32 $0x3, v12;
	v0 =	vadd.f32 v9, v2;
	v25 =	vadd.s32 v4, v37;
	v4 =	vld [tilespmem:$0x1FFD0]  }
0x7c: {  	v3 =	vadd.f32 v34, v3;
	v9 =	vor.u32 v11, v25  }
0x7d: {  	v23 =	vor.u32 $0x2, v12;
	v2 =	vld [tilespmem:$0x1FFA0];
	[tilespmem:$0x1FF60] =	vst v0;
	v0 =	vadd.f32 v1, v10  }
0x7e: {  	v3 =	vadd.f32 v32, v3;
	v19 =	vor.u32 v23, v25  }
0x7f: {  	v28 =	vor.u32 $0x1, v12;
	[tilespmem:$0x1FF70] =	vst v0;
	v0 =	vld [tilespmem:$0x1FF90]  }
0x80: {  	v3 =	vadd.f32 v27, v3;
	v60 =	vor.u32 v28, v25;
	v27 =	vadd.s32 v4, v37;
	v4 =	vld [tilespmem:$0x1FFE0]  }
0x81: {  	v55 =	vld.idx.msk [tilespmem:v9+s13+$0x0], $0xffff  }
0x82: {  	v25 =	vor.u32 v12, v25;
	v2 =	vadd.s32 v2, v37;
	v61 =	vld.idx.msk [tilespmem:v9+s14+$0x0], $0xffff  }
0x83: {  	[tilespmem:$0x1FF40] =	vst v3;
	v3 =	vor.u32 v11, v2;
	v29 =	vld.idx.msk [tilespmem:v19+s13+$0x0], $0xffff  }
0x84: {  	v30 =	vld.idx.msk [tilespmem:v19+s14+$0x0], $0xffff  }
0x85: {  	v38 =	vld.idx.msk [tilespmem:v60+s13+$0x0], $0xffff  }
0x86: {  	v0 =	vadd.s32 v0, v37;
	v10 =	vor.u32 v11, v27;
	v42 =	vld.idx.msk [tilespmem:v60+s14+$0x0], $0xffff  }
0x87: {  	v60 =	vld.idx.msk [tilespmem:v25+s13+$0x0], $0xffff;
	v1 =	vor.u32 v11, v0  }
0x88: {  	v49 =	vld.idx.msk [tilespmem:v3+s13+$0x0], $0xffff  }
0x89: {  	v26 =	vor.u32 v28, v0;
	v54 =	vld.idx.msk [tilespmem:v3+s14+$0x0], $0xffff  }
0x8a: {  	v20 =	vadd.f32 v46, v20;
	v46 =	vadd.s32 v4, v37;
	v4 =	vld [tilespmem:$0x1FFF0]  }
0x8b: {  	v5 =	vld.idx.msk [tilespmem:v10+s14+$0x0], $0xffff  }
0x8c: {  	v18 =	vor.u32 v23, v0;
	v0 =	vor.u32 v12, v0;
	v45 =	vld.idx.msk [tilespmem:v1+s13+$0x0], $0xffff  }
0x8d: {  	v3 =	vor.u32 v11, v46;
	v1 =	vld.idx.msk [tilespmem:v1+s14+$0x0], $0xffff  }
0x8e: {  	v50 =	vld.idx.msk [tilespmem:v26+s13+$0x0], $0xffff  }
0x8f: {  	v51 =	vld.idx.msk [tilespmem:v26+s14+$0x0], $0xffff  }
0x90: {  	v17 =	vadd.f32 v48, v17;
	v48 =	vadd.s32 v4, v37;
	v4 =	vld [tilespmem:$0x1FFB0]  }
0x91: {  	v56 =	vld.idx.msk [tilespmem:v0+s13+$0x0], $0xffff;
	v9 =	vor.u32 v11, v48  }
0x92: {  	v6 =	vld.idx.msk [tilespmem:v3+s13+$0x0], $0xffff  }
0x93: {  	v7 =	vld.idx.msk [tilespmem:v3+s14+$0x0], $0xffff;
	v3 =	vor.u32 v23, v2  }
0x94: {  	v57 =	vld.idx.msk [tilespmem:v0+s14+$0x0], $0xffff  }
0x95: {  	v19 =	vor.u32 v23, v48;
	v63 =	vadd.s32 v4, v37;
	v4 =	vld.idx.msk [tilespmem:v10+s13+$0x0], $0xffff  }
0x96: {  	v13 =	vld.idx.msk [tilespmem:v9+s13+$0x0], $0xffff  }
0x97: {  	v26 =	vor.u32 v28, v48;
	v9 =	vld.idx.msk [tilespmem:v9+s14+$0x0], $0xffff  }
0x98: {  	v10 =	vor.u32 v11, v63;
	v15 =	vld.idx.msk [tilespmem:v3+s13+$0x0], $0xffff  }
0x99: {  	v16 =	vld.idx.msk [tilespmem:v3+s14+$0x0], $0xffff  }
0x9a: {  	v44 =	vld.idx.msk [tilespmem:v19+s13+$0x0], $0xffff  }
0x9b: {  	v47 =	vld.idx.msk [tilespmem:v19+s14+$0x0], $0xffff  }
0x9c: {  	v3 =	vor.u32 v23, v46;
	v33 =	vld.idx.msk [tilespmem:v26+s13+$0x0], $0xffff  }
0x9d: {  	v14 =	vld.idx.msk [tilespmem:v10+s13+$0x0], $0xffff  }
0x9e: {  	v10 =	vld.idx.msk [tilespmem:v10+s14+$0x0], $0xffff  }
0x9f: {  	v0 =	vor.u32 v12, v48;
	v39 =	vld.idx.msk [tilespmem:v26+s14+$0x0], $0xffff  }
0xa0: {  	v48 =	vmul.f32 v1, v45;
	v24 =	vor.u32 v23, v63;
	v45 =	vmul.f32 v5, v4;
	v4 =	vld [tilespmem:$0x1FF80]  }
0xa1: {  	v62 =	vor.u32 v28, v63;
	v35 =	vld.idx.msk [tilespmem:v3+s13+$0x0], $0xffff  }
0xa2: {  	v43 =	vld.idx.msk [tilespmem:v3+s14+$0x0], $0xffff;
	v3 =	vor.u32 v28, v2  }
0xa3: {  	[tilespmem:$0x1FF30] =	vst v10;
	v10 =	vld.idx.msk [tilespmem:v18+s13+$0x0], $0xffff  }
0xa4: {  	[tilespmem:$0x1FF20] =	vst v14;
	v14 =	vld.idx.msk [tilespmem:v18+s14+$0x0], $0xffff;
	v18 =	vor.u32 v23, v27  }
0xa5: {  	v19 =	vld.idx.msk [tilespmem:v24+s14+$0x0], $0xffff  }
0xa6: {  	v26 =	vld.idx.msk [tilespmem:v62+s14+$0x0], $0xffff  }
0xa7: {  	v2 =	vor.u32 v12, v2;
	v52 =	vld.idx.msk [tilespmem:v3+s13+$0x0], $0xffff  }
0xa8: {  	v53 =	vld.idx.msk [tilespmem:v3+s14+$0x0], $0xffff  }
0xa9: {  	v3 =	vor.u32 v28, v46;
	v31 =	vld.idx.msk [tilespmem:v18+s13+$0x0], $0xffff  }
0xaa: {  	v32 =	vld.idx.msk [tilespmem:v18+s14+$0x0], $0xffff  }
0xab: {  	v18 =	vld.idx.msk [tilespmem:v24+s13+$0x0], $0xffff;
	v24 =	vor.u32 v28, v27  }
0xac: {  	v58 =	vld.idx.msk [tilespmem:v2+s13+$0x0], $0xffff  }
0xad: {  	v59 =	vld.idx.msk [tilespmem:v2+s14+$0x0], $0xffff  }
0xae: {  	v34 =	vld.idx.msk [tilespmem:v3+s13+$0x0], $0xffff  }
0xaf: {  	v41 =	vld.idx.msk [tilespmem:v3+s14+$0x0], $0xffff;
	v27 =	vor.u32 v12, v27  }
0xb0: {  	v36 =	vld.idx.msk [tilespmem:v24+s13+$0x0], $0xffff  }
0xb1: {  	p0 =	sne.s32 s30, $0x1;
	v3 =	vor.u32 v12, v46;
	v40 =	vld.idx.msk [tilespmem:v24+s14+$0x0], $0xffff  }
.Ltmp0:
0xb2: {  	v24 =	vld.idx.msk [tilespmem:v62+s13+$0x0], $0xffff;
	(pc) =	sbr.rel @p0 .LBB2_3-.Ltmp0, $4  }
0xb3: {  	v49 =	vmul.f32 v54, v49;
	v62 =	vld.idx.msk [tilespmem:v25+s14+$0x0], $0xffff  }
0xb4: {  	v54 =	vmul.f32 v16, v15;
	v46 =	vmul.f32 v61, v55;
	v1 =	vld.idx.msk [tilespmem:v27+s13+$0x0], $0xffff  }
0xb5: {  	v61 =	vor.u32 v12, v63;
	v63 =	vadd.s32 v4, v37;
	v37 =	vmul.f32 v14, v10;
	v2 =	vld.idx.msk [tilespmem:v27+s14+$0x0], $0xffff  }
0xb6: {  	s30 =	sadd.s32 $0xFFFFFFFF, s30;
	v27 =	vmul.f32 v7, v6;
	v25 =	vmul.f32 v9, v13;
	v55 =	vld.idx.msk [tilespmem:v3+s13+$0x0], $0xffff  }
0xb7: {  	_ =	sdelay $0x3  }
0xb8: {  	v3 =	vld.idx.msk [tilespmem:v3+s14+$0x0], $0xffff;
	v8 =	vor.u32 v12, v63;
	v14 =	vmul.f32 v57, v56;
	v15 =	vmul.f32 v59, v58  }
0xb9: {  	v12 =	vld.idx.msk [tilespmem:v0+s13+$0x0], $0xffff;
	v16 =	vmul.f32 v62, v60  }
0xba: {  	v10 =	vmul.f32 v53, v52;
	v0 =	vld.idx.msk [tilespmem:v0+s14+$0x0], $0xffff;
	v14 =	vadd.f32 v14, v17;
	v15 =	vadd.f32 v15, v22  }
0xbb: {  	v17 =	vmul.f32 v42, v38;
	v22 =	vld.idx.msk [tilespmem:v61+s14+$0x0], $0xffff;
	v1 =	vmul.f32 v2, v1;
	v16 =	vadd.f32 v16, v20  }
0xbc: {  	v13 =	vor.u32 v28, v63;
	v2 =	vor.u32 v23, v63;
	v23 =	vld.idx.msk [tilespmem:v61+s13+$0x0], $0xffff;
	v10 =	vadd.f32 v10, v15  }
0xbd: {  	v4 =	vmul.f32 v30, v29;
	v1 =	vadd.f32 v1, v21;
	v21 =	vld.idx.msk [tilespmem:v8+s13+$0x0], $0xffff;
	v15 =	vadd.f32 v17, v16  }
0xbe: {  	v20 =	vmul.f32 v40, v36;
	v8 =	vld.idx.msk [tilespmem:v8+s14+$0x0], $0xffff  }
0xbf: {  	v4 =	vadd.f32 v4, v15;
	v15 =	vld [tilespmem:$0x1FF40]  }
0xc0: {  	v5 =	vmul.f32 v32, v31;
	v1 =	vadd.f32 v20, v1;
	v20 =	vld [tilespmem:$0x1FF50]  }
0xc1: {  	v9 =	vmul.f32 v51, v50;
	v16 =	vld.idx.msk [tilespmem:v13+s13+$0x0], $0xffff  }
0xc2: {  	v11 =	vor.u32 v11, v63;
	v3 =	vmul.f32 v3, v55;
	v1 =	vadd.f32 v5, v1;
	v5 =	vld.idx.msk [tilespmem:v2+s13+$0x0], $0xffff  }
0xc3: {  	v0 =	vmul.f32 v0, v12;
	v2 =	vld.idx.msk [tilespmem:v2+s14+$0x0], $0xffff  }
0xc4: {  	v9 =	vadd.f32 v9, v14;
	v14 =	vmul.f32 v41, v34;
	v13 =	vld.idx.msk [tilespmem:v13+s14+$0x0], $0xffff;
	v3 =	vadd.f32 v3, v15  }
0xc5: {  	v17 =	vmul.f32 v39, v33;
	v8 =	vmul.f32 v8, v21;
	v21 =	vld [tilespmem:$0x1FF60];
	v0 =	vadd.f32 v0, v20  }
0xc6: {  	v3 =	vadd.f32 v14, v3;
	v14 =	vld [tilespmem:$0x1FF70]  }
0xc7: {  	v7 =	vmul.f32 v47, v44;
	v9 =	vadd.f32 v37, v9;
	v15 =	vld.idx.msk [tilespmem:v11+s13+$0x0], $0xffff;
	v0 =	vadd.f32 v17, v0  }
0xc8: {  	v10 =	vadd.f32 v54, v10;
	v12 =	vmul.f32 v22, v23;
	v2 =	vmul.f32 v2, v5;
	v5 =	vld [tilespmem:$0x1FF20]  }
0xc9: {  	v6 =	vmul.f32 v43, v35;
	v9 =	vadd.f32 v48, v9;
	v0 =	vadd.f32 v7, v0;
	v7 =	vld [tilespmem:$0x1FF30]  }
0xca: {  	v10 =	vadd.f32 v49, v10;
	v11 =	vld.idx.msk [tilespmem:v11+s14+$0x0], $0xffff;
	v20 =	vmul.f32 v26, v24;
	v12 =	vadd.f32 v12, v21  }
0xcb: {  	v4 =	vadd.f32 v46, v4;
	v13 =	vmul.f32 v13, v16;
	v8 =	vadd.f32 v8, v14  }
0xcc: {  	[tilespmem:$0x10200] =	vst v9;
	v3 =	vadd.f32 v6, v3;
	v12 =	vadd.f32 v20, v12;
	v14 =	vmul.f32 v19, v18  }
0xcd: {  	v1 =	vadd.f32 v45, v1;
	[tilespmem:$0x10210] =	vst v10;
	v6 =	vadd.f32 v13, v8  }
0xce: {  	[tilespmem:$0x10220] =	vst v4;
	v3 =	vadd.f32 v27, v3;
	v5 =	vmul.f32 v7, v5;
	v7 =	vadd.f32 v14, v12  }
0xcf: {  	[tilespmem:$0x10230] =	vst v1;
	v4 =	vmul.f32 v11, v15;
	v0 =	vadd.f32 v25, v0;
	v2 =	vadd.f32 v2, v6  }
0xd0: {  	[tilespmem:$0x10240] =	vst v3;
	v1 =	vadd.f32 v5, v7  }
0xd1: {  	[tilespmem:$0x10250] =	vst v0;
	v2 =	vadd.f32 v4, v2  }
0xd2: {  	p0 =	seq.s32 s25, $0xC;
	[tilespmem:$0x10260] =	vst v1  }
0xd3: {  	s29 =	sadd.s32 s7, s29;
	s28 =	sadd.s32 @!p0 $0x100, s28;
	[tilespmem:$0x10270] =	vst v2  }
0xd4: {  	[hbm4b:s29+s1] =	stream.linear.scatter [tilespmem:s21], [sflag:$0x5], $0x80, $0x38;
	[tilespmem:$0x10280] =	vst v63  }
0xd5: {  	s29 =	sand.u32 @!p0 $0x1C00, s28  }
0xd6: {  	s28 =	sand.u32 @!p0 $0x300, s28;
	s29 =	sadd.s32 @!p0 s6, s29  }
0xd7: {  	_ =	swait.ge [sflag:s11], $0x80;
	s28 =	sor.u32 @!p0 s28, s29  }
0xd8: {  	[sflag:s11] =	ssyncset.done $0x0;
	s28 =	sshrl.u32 @!p0 s28, $0x3  }
0xd9: {  	s30 =	simm.s32 @!p0 $0x0;
	[sflag:s11] =	ssyncadd.s32 $0xFFFFFF80;
	s29 =	sadd.s32 @!p0 s3, s28  }
0xda: {  	[tilespmem:s30], [sflag:$0x5] =	stream.linear.gather @!p0 [hbm4b:s29+s30], $0x80, $0x38;
	[tilespmem:$0x10280] =	vst v63  }
0xdb: {  	s29 =	simm.s32 @!p0 $0x5  }
0xdc: {  	_ =	swait.ge @!p0 [sflag:s29], $0x80  }
0xdd: {  	[sflag:s29] =	ssyncset.done @!p0 $0x0  }
0xde: {  	s31 =	simm.s32 @!p0 $0x80;
	s28 =	sadd.s32 @!p0 s4, s28;
	[sflag:s29] =	ssyncadd.s32 @!p0 $0xFFFFFF80  }
0xdf: {  	[tilespmem:s31], [sflag:$0x5] =	stream.linear.gather @!p0 [hbm4b:s28+s30], $0x80, $0x38;
	[tilespmem:$0x10280] =	vst v63  }
0xe0: {  	_ =	swait.ge @!p0 [sflag:s29], $0x80  }
0xe1: {  	[sflag:s29] =	ssyncset.done @!p0 $0x0  }
0xe2: {  	s28 =	simm.s32 @!p0 $0x200;
	[sflag:s29] =	ssyncadd.s32 @!p0 $0xFFFFFF80  }
0xe3: {  	[tilespmem:s28], [sflag:$0x1] =	stream.indirect.gather @!p0 [hbm4b:s5+s31], $0x80, s30, s31, $0xb8;
	[tilespmem:$0x10280] =	vst v63  }
0xe4: {  	s28 =	simm.s32 @!p0 $0x4200  }
0xe5: {  	[tilespmem:s28], [sflag:$0x2] =	stream.indirect.gather @!p0 [hbm4b:s5+s31], $0x80, s31, s31, $0xb8;
	[tilespmem:$0x10280] =	vst v63  }
0xe6: {  	_ =	swait.ge [sflag:s22], $0x4000  }
0xe7: {  	v0 =	vld [tilespmem:$0x1FF90];
	_ =	sdelay $0x2  }
0xe8: {  	v8 =	vimm.s32 $0x0;
	v3 =	vld [tilespmem:$0x1FFA0]  }
0xe9: {  	v12 =	vand.u32 $0x7C, v8;
	v1 =	vand.u32 $0xFFFFFF80, v8  }
0xea: {  	v11 =	vor.u32 $0x3, v12;
	v0 =	vadd.s32 v0, v1  }
0xeb: {  	[sflag:s22] =	ssyncset.done $0x0;
	v2 =	vor.u32 v11, v0  }
0xec: {  	[sflag:s22] =	ssyncadd.s32 $0xFFFFC000  }
0xed: {  	_ =	swait.ge [sflag:s23], $0x4000;
	v3 =	vadd.s32 v3, v1  }
0xee: {  	[sflag:s23] =	ssyncset.done $0x0;
	v5 =	vld [tilespmem:$0x1FFC0];
	v4 =	vor.u32 v11, v3  }
0xef: {  	v23 =	vor.u32 $0x2, v12;
	v7 =	vld [tilespmem:$0x1FFD0];
	[sflag:s23] =	ssyncadd.s32 $0xFFFFC000  }
0xf0: {  	v19 =	vor.u32 v23, v0;
	v45 =	vld.idx.msk [tilespmem:v2+s17+$0x0], $0xffff  }
0xf1: {  	v24 =	vor.u32 v23, v3;
	v46 =	vld.idx.msk [tilespmem:v2+s18+$0x0], $0xffff  }
0xf2: {  	v2 =	vld [tilespmem:$0x1FFE0]  }
0xf3: {  	v28 =	vor.u32 $0x1, v12;
	v49 =	vld.idx.msk [tilespmem:v4+s17+$0x0], $0xffff  }
0xf4: {  	v26 =	vor.u32 v28, v0;
	v60 =	vld.idx.msk [tilespmem:v4+s18+$0x0], $0xffff  }
0xf5: {  	v13 =	vld.idx.msk [tilespmem:v19+s17+$0x0], $0xffff  }
0xf6: {  	v61 =	vor.u32 v28, v3;
	v15 =	vld.idx.msk [tilespmem:v24+s17+$0x0], $0xffff  }
0xf7: {  	v14 =	vadd.s32 v2, v1;
	v2 =	vld [tilespmem:$0x1FFF0]  }
0xf8: {  	v4 =	vld.idx.msk [tilespmem:v24+s18+$0x0], $0xffff  }
0xf9: {  	v0 =	vor.u32 v12, v0;
	v50 =	vld.idx.msk [tilespmem:v26+s17+$0x0], $0xffff  }
0xfa: {  	v51 =	vld.idx.msk [tilespmem:v26+s18+$0x0], $0xffff  }
0xfb: {  	v63 =	vor.u32 v12, v3;
	v52 =	vld.idx.msk [tilespmem:v61+s17+$0x0], $0xffff  }
0xfc: {  	v5 =	vadd.s32 v5, v1;
	v16 =	vadd.s32 v2, v1;
	v2 =	vld [tilespmem:$0x1FFB0]  }
0xfd: {  	v6 =	vor.u32 v11, v5;
	v53 =	vld.idx.msk [tilespmem:v61+s18+$0x0], $0xffff  }
0xfe: {  	v56 =	vld.idx.msk [tilespmem:v0+s17+$0x0], $0xffff  }
0xff: {  	v57 =	vld.idx.msk [tilespmem:v0+s18+$0x0], $0xffff;
	v17 =	vor.u32 v11, v16  }
0x100: {  	v7 =	vadd.s32 v7, v1;
	v58 =	vld.idx.msk [tilespmem:v63+s17+$0x0], $0xffff  }
0x101: {  	v9 =	vor.u32 v11, v7;
	v59 =	vld.idx.msk [tilespmem:v63+s18+$0x0], $0xffff;
	v21 =	vadd.s32 v2, v1  }
0x102: {  	v20 =	vld.idx.msk [tilespmem:v6+s17+$0x0], $0xffff;
	v18 =	vor.u32 v11, v21  }
0x103: {  	v6 =	vld.idx.msk [tilespmem:v6+s18+$0x0], $0xffff  }
0x104: {  	v10 =	vor.u32 v11, v14;
	v54 =	vld.idx.msk [tilespmem:v17+s17+$0x0], $0xffff  }
0x105: {  	v55 =	vld.idx.msk [tilespmem:v17+s18+$0x0], $0xffff;
	v17 =	vor.u32 v23, v5  }
0x106: {  	v22 =	vld.idx.msk [tilespmem:v9+s17+$0x0], $0xffff  }
0x107: {  	v2 =	vld.idx.msk [tilespmem:v18+s17+$0x0], $0xffff  }
0x108: {  	v25 =	vld.idx.msk [tilespmem:v9+s18+$0x0], $0xffff  }
0x109: {  	v26 =	vor.u32 v28, v14;
	v27 =	vld.idx.msk [tilespmem:v10+s17+$0x0], $0xffff  }
0x10a: {  	v29 =	vld.idx.msk [tilespmem:v17+s17+$0x0], $0xffff  }
0x10b: {  	v30 =	vld.idx.msk [tilespmem:v17+s18+$0x0], $0xffff;
	v17 =	vor.u32 v23, v16  }
0x10c: {  	[tilespmem:$0x1FEB0] =	vst v2;
	v2 =	vld.idx.msk [tilespmem:v18+s18+$0x0], $0xffff  }
0x10d: {  	v37 =	vld.idx.msk [tilespmem:v10+s18+$0x0], $0xffff  }
0x10e: {  	v34 =	vld.idx.msk [tilespmem:v26+s17+$0x0], $0xffff;
	v18 =	vor.u32 v23, v7  }
0x10f: {  	v41 =	vld.idx.msk [tilespmem:v26+s18+$0x0], $0xffff  }
0x110: {  	v24 =	vor.u32 v23, v21;
	v44 =	vld.idx.msk [tilespmem:v17+s17+$0x0], $0xffff  }
0x111: {  	[tilespmem:$0x1FEC0] =	vst v2;
	v2 =	vld.idx.msk [tilespmem:v19+s18+$0x0], $0xffff;
	v19 =	vor.u32 v23, v14  }
0x112: {  	v47 =	vld.idx.msk [tilespmem:v17+s18+$0x0], $0xffff  }
0x113: {  	v31 =	vld.idx.msk [tilespmem:v18+s17+$0x0], $0xffff  }
0x114: {  	v62 =	vor.u32 v28, v21;
	v32 =	vld.idx.msk [tilespmem:v18+s18+$0x0], $0xffff  }
0x115: {  	v17 =	vor.u32 v28, v5;
	v18 =	vld.idx.msk [tilespmem:v24+s17+$0x0], $0xffff  }
0x116: {  	v35 =	vld.idx.msk [tilespmem:v19+s17+$0x0], $0xffff  }
0x117: {  	v5 =	vor.u32 v12, v5;
	v43 =	vld.idx.msk [tilespmem:v19+s18+$0x0], $0xffff  }
0x118: {  	v19 =	vld.idx.msk [tilespmem:v24+s18+$0x0], $0xffff;
	v24 =	vor.u32 v28, v7  }
0x119: {  	v26 =	vld.idx.msk [tilespmem:v62+s18+$0x0], $0xffff  }
0x11a: {  	v38 =	vld.idx.msk [tilespmem:v17+s17+$0x0], $0xffff  }
0x11b: {  	v42 =	vld.idx.msk [tilespmem:v17+s18+$0x0], $0xffff  }
0x11c: {  	v49 =	vmul.f32 v60, v49;
	v60 =	vld.idx.msk [tilespmem:v5+s17+$0x0], $0xffff  }
0x11d: {  	v3 =	vor.u32 v12, v14;
	v36 =	vld.idx.msk [tilespmem:v24+s17+$0x0], $0xffff  }
0x11e: {  	v17 =	vor.u32 v28, v16;
	v40 =	vld.idx.msk [tilespmem:v24+s18+$0x0], $0xffff  }
0x11f: {  	v24 =	vld.idx.msk [tilespmem:v62+s17+$0x0], $0xffff  }
0x120: {  	v7 =	vor.u32 v12, v7;
	v62 =	vld.idx.msk [tilespmem:v5+s18+$0x0], $0xffff  }
0x121: {  	v0 =	vimm.f32 $0.0e+00;
	v48 =	vmul.f32 v46, v45;
	v45 =	vmul.f32 v25, v22;
	v5 =	vld [tilespmem:$0x1FF80]  }
0x122: {  	[tilespmem:$0x1FED0] =	vst v0;
	v25 =	vmul.f32 v55, v54;
	v54 =	vmul.f32 v4, v15;
	v4 =	vimm.f32 $0.0e+00;
	v55 =	vld.idx.msk [tilespmem:v3+s17+$0x0], $0xffff  }
0x123: {  	v46 =	vmul.f32 v6, v20;
	v22 =	vimm.f32 $0.0e+00;
	[tilespmem:$0x1FEE0] =	vst v4;
	v4 =	vimm.f32 $0.0e+00;
	v33 =	vld.idx.msk [tilespmem:v17+s17+$0x0], $0xffff  }
0x124: {  	v20 =	vimm.f32 $0.0e+00;
	v0 =	vor.u32 v12, v16;
	[tilespmem:$0x1FEF0] =	vst v4;
	v4 =	vimm.f32 $0.0e+00;
	v39 =	vld.idx.msk [tilespmem:v17+s18+$0x0], $0xffff  }
0x125: {  	v27 =	vmul.f32 v37, v27;
	[tilespmem:$0x1FF00] =	vst v4;
	v4 =	vimm.f32 $0.0e+00;
	v37 =	vmul.f32 v2, v13;
	v2 =	vld.idx.msk [tilespmem:v7+s18+$0x0], $0xffff  }
0x126: {  	s28 =	simm.s32 $0x1F;
	v61 =	vor.u32 v12, v21;
	v21 =	vimm.f32 $0.0e+00;
	[tilespmem:$0x1FF10] =	vst v4;
	v63 =	vadd.s32 v5, v1;
	v1 =	vld.idx.msk [tilespmem:v7+s17+$0x0], $0xffff  }
.LBB2_5:
0x127: {  	v5 =	vmul.f32 v30, v29;
	v30 =	vmul.f32 v51, v50  }
0x128: {  	v9 =	vld [tilespmem:$0x1FED0];
	v51 =	vmul.f32 v57, v56;
	v56 =	vmul.f32 v62, v60  }
0x129: {  	v3 =	vld.idx.msk [tilespmem:v3+s18+$0x0], $0xffff;
	v4 =	vor.u32 v12, v63;
	v6 =	vmul.f32 v32, v31;
	v31 =	vmul.f32 v53, v52  }
0x12a: {  	v7 =	vld.idx.msk [tilespmem:v0+s17+$0x0], $0xffff;
	v52 =	vmul.f32 v59, v58;
	v58 =	vmul.f32 v42, v38;
	v20 =	vadd.f32 v56, v20  }
0x12b: {  	v53 =	vld.idx.msk [tilespmem:v61+s17+$0x0], $0xffff  }
0x12c: {  	v1 =	vmul.f32 v2, v1;
	v2 =	vld.idx.msk [tilespmem:v61+s18+$0x0], $0xffff;
	v20 =	vadd.f32 v58, v20  }
0x12d: {  	v0 =	vld.idx.msk [tilespmem:v0+s18+$0x0], $0xffff;
	v23 =	vor.u32 v23, v63;
	v17 =	vadd.f32 v51, v9;
	v22 =	vadd.f32 v52, v22  }
0x12e: {  	v1 =	vadd.f32 v1, v21;
	v21 =	vmul.f32 v40, v36;
	v9 =	vld [tilespmem:$0x1FF00];
	v5 =	vadd.f32 v5, v20  }
0x12f: {  	v11 =	vor.u32 v11, v63;
	v57 =	vld.idx.msk [tilespmem:v4+s17+$0x0], $0xffff;
	v17 =	vadd.f32 v30, v17;
	v22 =	vadd.f32 v31, v22  }
0x130: {  	v1 =	vadd.f32 v21, v1;
	v20 =	vadd.f32 v46, v5;
	v5 =	vld [tilespmem:$0x1FEE0]  }
0x131: {  	v28 =	vor.u32 v28, v63;
	v4 =	vld.idx.msk [tilespmem:v4+s18+$0x0], $0xffff;
	v2 =	vmul.f32 v2, v53;
	v17 =	vadd.f32 v37, v17  }
0x132: {  	v3 =	vmul.f32 v3, v55;
	v59 =	vld.idx.msk [tilespmem:v23+s17+$0x0], $0xffff;
	v21 =	vadd.f32 v54, v22;
	v1 =	vadd.f32 v6, v1  }
0x133: {  	v0 =	vmul.f32 v0, v7;
	v2 =	vadd.f32 v2, v9;
	v9 =	vld [tilespmem:$0x1FF10];
	v7 =	vadd.f32 v48, v17  }
0x134: {  	v22 =	vadd.f32 v49, v21;
	v21 =	vadd.f32 v45, v1;
	v1 =	vld.idx.msk [tilespmem:v11+s18+$0x0], $0xffff  }
0x135: {  	v3 =	vadd.f32 v3, v5;
	v5 =	vld [tilespmem:$0x1FEF0]  }
0x136: {  	[tilespmem:$0x1FED0] =	vst v7;
	v7 =	vld.idx.msk [tilespmem:v11+s17+$0x0], $0xffff  }
0x137: {  	v6 =	vld.idx.msk [tilespmem:v23+s18+$0x0], $0xffff  }
0x138: {  	v31 =	vld.idx.msk [tilespmem:v28+s17+$0x0], $0xffff;
	v4 =	vmul.f32 v4, v57  }
0x139: {  	v28 =	vld.idx.msk [tilespmem:v28+s18+$0x0], $0xffff  }
0x13a: {  	v4 =	vadd.f32 v4, v9;
	v9 =	vld [tilespmem:$0x1FEC0];
	v0 =	vadd.f32 v0, v5;
	v5 =	vmul.f32 v26, v24  }
0x13b: {  	v33 =	vmul.f32 v39, v33;
	v1 =	vmul.f32 v1, v7;
	v7 =	vld [tilespmem:$0x1FFE0]  }
0x13c: {  	v2 =	vadd.f32 v5, v2;
	v5 =	vmul.f32 v6, v59;
	v6 =	vld [tilespmem:$0x1FEB0]  }
0x13d: {  	v29 =	vmul.f32 v47, v44;
	v0 =	vadd.f32 v33, v0  }
0x13e: {  	v13 =	vmul.f32 v19, v18  }
0x13f: {  	v8 =	vadd.s32 $0x4, v8;
	v30 =	vmul.f32 v41, v34;
	v0 =	vadd.f32 v29, v0  }
0x140: {  	v37 =	vand.u32 $0xFFFFFF80, v8;
	v11 =	vmul.f32 v28, v31;
	v2 =	vadd.f32 v13, v2  }
0x141: {  	v0 =	vadd.f32 v25, v0;
	v25 =	vadd.s32 v7, v37;
	v7 =	vld [tilespmem:$0x1FFF0];
	v6 =	vmul.f32 v9, v6  }
0x142: {  	v4 =	vadd.f32 v11, v4  }
0x143: {  	v12 =	vmul.f32 v43, v35;
	v3 =	vadd.f32 v30, v3;
	[tilespmem:$0x1FEF0] =	vst v0;
	v0 =	vadd.f32 v6, v2;
	v2 =	vld [tilespmem:$0x1FFA0];
	_ =	sdelay $0x1  }
0x144: {  	v3 =	vadd.f32 v12, v3;
	v12 =	vand.u32 $0x7C, v8;
	v4 =	vadd.f32 v5, v4;
	v6 =	vld [tilespmem:$0x1FFD0]  }
0x145: {  	v11 =	vor.u32 $0x3, v12;
	v46 =	vadd.s32 v7, v37  }
0x146: {  	v3 =	vadd.f32 v27, v3;
	[tilespmem:$0x1FF00] =	vst v0;
	v0 =	vadd.f32 v1, v4;
	v4 =	vld [tilespmem:$0x1FFC0];
	v10 =	vor.u32 v11, v46  }
0x147: {  	v2 =	vadd.s32 v2, v37  }
0x148: {  	[tilespmem:$0x1FEE0] =	vst v3;
	v7 =	vld [tilespmem:$0x1FFB0];
	v3 =	vor.u32 v11, v2  }
0x149: {  	v6 =	vadd.s32 v6, v37  }
0x14a: {  	[tilespmem:$0x1FF10] =	vst v0;
	v0 =	vld [tilespmem:$0x1FF90];
	v9 =	vor.u32 v11, v6  }
0x14b: {  	v4 =	vadd.s32 v4, v37;
	v14 =	vld.idx.msk [tilespmem:v10+s17+$0x0], $0xffff  }
0x14c: {  	v5 =	vor.u32 v11, v4;
	v10 =	vld.idx.msk [tilespmem:v10+s18+$0x0], $0xffff  }
0x14d: {  	v55 =	vadd.s32 v7, v37;
	v27 =	vld.idx.msk [tilespmem:v3+s17+$0x0], $0xffff  }
0x14e: {  	v23 =	vor.u32 $0x2, v12;
	v18 =	vor.u32 v11, v55;
	v45 =	vld.idx.msk [tilespmem:v3+s18+$0x0], $0xffff  }
0x14f: {  	v24 =	vor.u32 v23, v4;
	v61 =	vld.idx.msk [tilespmem:v9+s17+$0x0], $0xffff  }
0x150: {  	v28 =	vor.u32 $0x1, v12;
	v63 =	vld.idx.msk [tilespmem:v9+s18+$0x0], $0xffff  }
0x151: {  	v60 =	vor.u32 v28, v4;
	v54 =	vld.idx.msk [tilespmem:v5+s17+$0x0], $0xffff  }
0x152: {  	v5 =	vld.idx.msk [tilespmem:v5+s18+$0x0], $0xffff  }
0x153: {  	v4 =	vor.u32 v12, v4;
	v0 =	vadd.s32 v0, v37;
	v7 =	vld.idx.msk [tilespmem:v18+s17+$0x0], $0xffff  }
0x154: {  	v1 =	vor.u32 v11, v0;
	v29 =	vld.idx.msk [tilespmem:v24+s17+$0x0], $0xffff  }
0x155: {  	v30 =	vld.idx.msk [tilespmem:v24+s18+$0x0], $0xffff  }
0x156: {  	v19 =	vor.u32 v23, v0;
	v38 =	vld.idx.msk [tilespmem:v60+s17+$0x0], $0xffff  }
0x157: {  	v42 =	vld.idx.msk [tilespmem:v60+s18+$0x0], $0xffff  }
0x158: {  	v26 =	vor.u32 v28, v0;
	v60 =	vld.idx.msk [tilespmem:v4+s17+$0x0], $0xffff  }
0x159: {  	v48 =	vld.idx.msk [tilespmem:v1+s17+$0x0], $0xffff  }
0x15a: {  	v0 =	vor.u32 v12, v0;
	v1 =	vld.idx.msk [tilespmem:v1+s18+$0x0], $0xffff  }
0x15b: {  	v3 =	vor.u32 v11, v25;
	v15 =	vld.idx.msk [tilespmem:v19+s17+$0x0], $0xffff  }
0x15c: {  	v16 =	vld.idx.msk [tilespmem:v19+s18+$0x0], $0xffff  }
0x15d: {  	v50 =	vld.idx.msk [tilespmem:v26+s17+$0x0], $0xffff  }
0x15e: {  	v51 =	vld.idx.msk [tilespmem:v26+s18+$0x0], $0xffff  }
0x15f: {  	v19 =	vor.u32 v23, v46;
	v56 =	vld.idx.msk [tilespmem:v0+s17+$0x0], $0xffff  }
0x160: {  	v9 =	vld.idx.msk [tilespmem:v3+s17+$0x0], $0xffff  }
0x161: {  	v13 =	vld.idx.msk [tilespmem:v3+s18+$0x0], $0xffff;
	v3 =	vor.u32 v23, v2  }
0x162: {  	[tilespmem:$0x1FEB0] =	vst v7;
	v7 =	vld.idx.msk [tilespmem:v18+s18+$0x0], $0xffff  }
0x163: {  	v24 =	vor.u32 v23, v55;
	v57 =	vld.idx.msk [tilespmem:v0+s18+$0x0], $0xffff  }
0x164: {  	v18 =	vor.u32 v23, v6;
	v44 =	vld.idx.msk [tilespmem:v19+s17+$0x0], $0xffff  }
0x165: {  	v47 =	vld.idx.msk [tilespmem:v19+s18+$0x0], $0xffff  }
0x166: {  	v17 =	vld.idx.msk [tilespmem:v3+s18+$0x0], $0xffff  }
0x167: {  	[tilespmem:$0x1FEC0] =	vst v7;
	v7 =	vld.idx.msk [tilespmem:v3+s17+$0x0], $0xffff;
	v3 =	vor.u32 v23, v25  }
0x168: {  	v19 =	vld.idx.msk [tilespmem:v24+s18+$0x0], $0xffff  }
0x169: {  	v26 =	vor.u32 v28, v46;
	v31 =	vld.idx.msk [tilespmem:v18+s17+$0x0], $0xffff  }
0x16a: {  	v32 =	vld.idx.msk [tilespmem:v18+s18+$0x0], $0xffff  }
0x16b: {  	v62 =	vor.u32 v28, v55;
	v18 =	vld.idx.msk [tilespmem:v24+s17+$0x0], $0xffff  }
0x16c: {  	v24 =	vor.u32 v28, v6;
	v35 =	vld.idx.msk [tilespmem:v3+s17+$0x0], $0xffff  }
0x16d: {  	v43 =	vld.idx.msk [tilespmem:v3+s18+$0x0], $0xffff;
	v3 =	vor.u32 v28, v2  }
0x16e: {  	v33 =	vld.idx.msk [tilespmem:v26+s17+$0x0], $0xffff  }
0x16f: {  	v39 =	vld.idx.msk [tilespmem:v26+s18+$0x0], $0xffff  }
0x170: {  	v26 =	vld.idx.msk [tilespmem:v62+s18+$0x0], $0xffff  }
0x171: {  	v36 =	vld.idx.msk [tilespmem:v24+s17+$0x0], $0xffff  }
0x172: {  	v52 =	vld.idx.msk [tilespmem:v3+s17+$0x0], $0xffff  }
0x173: {  	v53 =	vld.idx.msk [tilespmem:v3+s18+$0x0], $0xffff;
	v3 =	vor.u32 v28, v25  }
0x174: {  	v40 =	vld.idx.msk [tilespmem:v24+s18+$0x0], $0xffff  }
0x175: {  	v6 =	vor.u32 v12, v6;
	v24 =	vld.idx.msk [tilespmem:v62+s17+$0x0], $0xffff  }
0x176: {  	v2 =	vor.u32 v12, v2;
	v62 =	vld.idx.msk [tilespmem:v4+s18+$0x0], $0xffff  }
0x177: {  	v4 =	vld [tilespmem:$0x1FF80]  }
0x178: {  	v34 =	vld.idx.msk [tilespmem:v3+s17+$0x0], $0xffff  }
0x179: {  	p0 =	sne.s32 s28, $0x1;
	v41 =	vld.idx.msk [tilespmem:v3+s18+$0x0], $0xffff;
	v3 =	vor.u32 v12, v25  }
.Ltmp1:
0x17a: {  	v48 =	vmul.f32 v1, v48;
	v1 =	vld.idx.msk [tilespmem:v6+s17+$0x0], $0xffff;
	(pc) =	sbr.rel @p0 .LBB2_5-.Ltmp1, $4  }
0x17b: {  	v49 =	vmul.f32 v45, v27;
	v58 =	vld.idx.msk [tilespmem:v2+s17+$0x0], $0xffff  }
0x17c: {  	v0 =	vor.u32 v12, v46;
	v45 =	vmul.f32 v63, v61;
	v46 =	vmul.f32 v5, v54;
	v59 =	vld.idx.msk [tilespmem:v2+s18+$0x0], $0xffff  }
0x17d: {  	v61 =	vor.u32 v12, v55;
	v27 =	vmul.f32 v13, v9;
	v54 =	vmul.f32 v17, v7;
	v2 =	vld.idx.msk [tilespmem:v6+s18+$0x0], $0xffff  }
0x17e: {  	s28 =	sadd.s32 $0xFFFFFFFF, s28;
	v63 =	vadd.s32 v4, v37;
	v37 =	vmul.f32 v16, v15;
	v25 =	vmul.f32 v10, v14;
	v55 =	vld.idx.msk [tilespmem:v3+s17+$0x0], $0xffff  }
0x17f: {  	_ =	sdelay $0x3  }
0x180: {  	v3 =	vld.idx.msk [tilespmem:v3+s18+$0x0], $0xffff  }
0x181: {  	v8 =	vor.u32 v12, v63;
	v12 =	vld.idx.msk [tilespmem:v0+s17+$0x0], $0xffff  }
0x182: {  	v0 =	vld.idx.msk [tilespmem:v0+s18+$0x0], $0xffff;
	v16 =	vmul.f32 v62, v60;
	v15 =	vmul.f32 v59, v58  }
0x183: {  	v4 =	vmul.f32 v30, v29;
	v10 =	vmul.f32 v53, v52;
	v13 =	vor.u32 v28, v63;
	v17 =	vld.idx.msk [tilespmem:v61+s17+$0x0], $0xffff  }
0x184: {  	v58 =	vmul.f32 v42, v38;
	v59 =	vld.idx.msk [tilespmem:v61+s18+$0x0], $0xffff;
	v16 =	vadd.f32 v16, v20;
	v15 =	vadd.f32 v15, v22  }
0x185: {  	v14 =	vmul.f32 v57, v56;
	v57 =	vld [tilespmem:$0x1FED0];
	v11 =	vor.u32 v11, v63;
	v1 =	vmul.f32 v2, v1  }
0x186: {  	v2 =	vor.u32 v23, v63;
	v63 =	vld [tilespmem:$0x1FF00];
	v10 =	vadd.f32 v10, v15;
	v15 =	vadd.f32 v58, v16  }
0x187: {  	v60 =	vmul.f32 v40, v36;
	v1 =	vadd.f32 v1, v21;
	v61 =	vld.idx.msk [tilespmem:v8+s17+$0x0], $0xffff  }
0x188: {  	v5 =	vmul.f32 v32, v31;
	v4 =	vadd.f32 v4, v15;
	v15 =	vld [tilespmem:$0x1FEE0]  }
0x189: {  	v0 =	vmul.f32 v0, v12;
	v1 =	vadd.f32 v60, v1;
	v12 =	vmul.f32 v59, v17;
	v17 =	vld [tilespmem:$0x1FEF0]  }
0x18a: {  	v9 =	vmul.f32 v51, v50;
	v8 =	vld.idx.msk [tilespmem:v8+s18+$0x0], $0xffff  }
0x18b: {  	v14 =	vadd.f32 v14, v57;
	v3 =	vmul.f32 v3, v55;
	v1 =	vadd.f32 v5, v1;
	v5 =	vld.idx.msk [tilespmem:v2+s17+$0x0], $0xffff  }
0x18c: {  	v2 =	vld.idx.msk [tilespmem:v2+s18+$0x0], $0xffff  }
0x18d: {  	v16 =	vld.idx.msk [tilespmem:v13+s17+$0x0], $0xffff;
	v9 =	vadd.f32 v9, v14;
	v14 =	vmul.f32 v41, v34;
	v3 =	vadd.f32 v3, v15  }
0x18e: {  	v62 =	vmul.f32 v39, v33;
	v13 =	vld.idx.msk [tilespmem:v13+s18+$0x0], $0xffff;
	v0 =	vadd.f32 v0, v17  }
0x18f: {  	v3 =	vadd.f32 v14, v3;
	v14 =	vld [tilespmem:$0x1FF10]  }
0x190: {  	v6 =	vmul.f32 v43, v35;
	v7 =	vmul.f32 v47, v44;
	v15 =	vld.idx.msk [tilespmem:v11+s17+$0x0], $0xffff;
	v0 =	vadd.f32 v62, v0  }
0x191: {  	v10 =	vadd.f32 v54, v10;
	v9 =	vadd.f32 v37, v9;
	v2 =	vmul.f32 v2, v5;
	v5 =	vld [tilespmem:$0x1FEB0]  }
0x192: {  	v12 =	vadd.f32 v12, v63;
	v8 =	vmul.f32 v8, v61;
	v0 =	vadd.f32 v7, v0;
	v7 =	vld [tilespmem:$0x1FEC0]  }
0x193: {  	v10 =	vadd.f32 v49, v10;
	v9 =	vadd.f32 v48, v9;
	v17 =	vmul.f32 v26, v24;
	v11 =	vld.idx.msk [tilespmem:v11+s18+$0x0], $0xffff  }
0x194: {  	v4 =	vadd.f32 v46, v4;
	v13 =	vmul.f32 v13, v16;
	v8 =	vadd.f32 v8, v14  }
0x195: {  	v1 =	vadd.f32 v45, v1;
	[tilespmem:$0x10200] =	vst v9;
	v12 =	vadd.f32 v17, v12;
	v14 =	vmul.f32 v19, v18  }
0x196: {  	[tilespmem:$0x10210] =	vst v10;
	v3 =	vadd.f32 v6, v3;
	v6 =	vadd.f32 v13, v8  }
0x197: {  	[tilespmem:$0x10220] =	vst v4;
	v0 =	vadd.f32 v25, v0;
	v5 =	vmul.f32 v7, v5;
	v7 =	vadd.f32 v14, v12  }
0x198: {  	[tilespmem:$0x10230] =	vst v1;
	v4 =	vmul.f32 v11, v15;
	v3 =	vadd.f32 v27, v3;
	v2 =	vadd.f32 v2, v6  }
0x199: {  	[tilespmem:$0x10250] =	vst v0;
	v1 =	vadd.f32 v5, v7  }
0x19a: {  	[tilespmem:$0x10240] =	vst v3;
	v2 =	vadd.f32 v4, v2  }
0x19b: {  	[tilespmem:$0x10260] =	vst v1  }
0x19c: {  	s26 =	sadd.s32 s7, s26;
	[tilespmem:$0x10270] =	vst v2  }
0x19d: {  	[hbm4b:s26+s1] =	stream.linear.scatter [tilespmem:s21], [sflag:$0x5], $0x80, $0x38;
	[tilespmem:$0x10280] =	vst v63  }
0x19e: {  	_ =	swait.ge [sflag:s11], $0x80  }
0x19f: {  	s25 =	sadd.s32 $0x1, s25;
	v0 =	vld [tilespmem:$0x1FF90]  }
0x1a0: {  	p0 =	sne.s32 s25, $0xD;
	v3 =	vld [tilespmem:$0x1FFA0]  }
.Ltmp2:
0x1a1: {  	v4 =	vld [tilespmem:$0x1FFC0];
	(pc) =	sbr.rel @p0 .LBB2_2-.Ltmp2, $4  }
0x1a2: {  	v5 =	vld [tilespmem:$0x1FFD0]  }
0x1a3: {  	v6 =	vld [tilespmem:$0x1FFE0]  }
0x1a4: {  	[sflag:s11] =	ssyncset.done $0x0;
	v7 =	vld [tilespmem:$0x1FFF0]  }
0x1a5: {  	v15 =	vld [tilespmem:$0x1FFB0];
	[sflag:s11] =	ssyncadd.s32 $0xFFFFFF80  }
0x1a6: {  	s24 =	sadd.s32 $0x1, s24  }
0x1a7: {  	p0 =	sne.s32 s24, s10  }
.Ltmp3:
0x1a8: {  	_ = 	snop;
	(pc) =	sbr.rel @p0 .LBB2_1-.Ltmp3, $1  }
0x1a9: {  	_ =	sdelay $0x3  }
0x1aa: {  	_ =	sfence.sel $0x180000  }
0x1ab: {  	[bflag:$0x0] =	sbarrier.arrive $0xFFFF  }
0x1ac: {  	p0 =	sne.s32 s2, $0x0;
	_ =	strace $0x9000004D  }
0x1ad: {  	s0 =	sadd.s32 @!p0 $0x100000, s0;
	[bflag:$0x2] =	sbarrier.arrive $0xFFFF  }
0x1ae: {  	[sflag:s0] =	ssyncadd.tile.s32 @!p0 $0x1;
	_ =	shalt  }
.Lfunc_end2:
_tile_overlayer_lowered:
.L_overlay_start_2:
0x1af: {  	(tag) =	ssettag $0x2  }
0x1b0: {  	s0 =	rddreg [dreg:$0x0];
	s2 =	stileid.u32  }
0x1b1: {  	s1 =	rddreg [dreg:$0x1];
	p0 =	sne.s32 s2, $0x0  }
0x1b2: {  	s3 =	rddreg [dreg:$0x2];
	[bflag:$0x3] =	sbarrier.arrive $0xFFFF;
	s2 =	simm.s32 @!p0 $0x1C05  }
0x1b3: {  	[timem:s3], [sflag:s2] =	dma.local @!p0 [hbm:s0], s1  }
0x1b4: {  	s0 =	simm.s32 @!p0 $0x5  }
0x1b5: {  	_ =	swait.ge @!p0 [sflag:s0], s1  }
0x1b6: {  	s1 =	ssub.s32 @!p0 $0x0, s1;
	[sflag:s0] =	ssyncset.done @!p0 $0x0  }
0x1b7: {  	[sflag:s0] =	ssyncadd.s32 @!p0 s1  }
0x1b8: {  	[bflag:$0x3] =	sbarrier.arrive $0xFFFF  }
0x1b9: {  	_ =	shalt  }

// kernel: kernel.8.cloned.1.call-start
scs
__scs_entry_jumppad:
0x0: {  	(pc) =	sbr.rel $0x88, $3  }
0x1: {  	(tag) =	ssettag $0x0;
	lr =	simm.s32 $0x1  }
0x2: {  	[smem:$0x3F97] =	sst lr;
	_ =	strace $0xD0000000  }
0x3: {  	_ = 	snop  }
0x4: {  	_ = 	snop  }
0x5: {  	_ = 	snop  }
0x6: {  	_ = 	snop  }
0x7: {  	_ = 	snop  }
__scs_overlays_trampoline_lowered:
0x8: {  	[smem:$0x3FA6] =	sst s0  }
0x9: {  	[smem:$0x3FA7] =	sst s1  }
0xa: {  	[smem:$0x3FA8] =	sst s2  }
0xb: {  	[smem:$0x3FA9] =	sst s3  }
0xc: {  	[smem:$0x3FAA] =	sst s4  }
0xd: {  	[smem:$0x3FAB] =	sst s5  }
0xe: {  	[smem:$0x3FAC] =	sst s6  }
0xf: {  	[smem:$0x3FAD] =	sst s7  }
0x10: {  	[smem:$0x3FAE] =	sst s8  }
0x11: {  	[smem:$0x3FAF] =	sst s9;
	s0 =	simm.s32 @!p0 $0x0  }
0x12: {  	s1 =	sld [smem:$0x3F95];
	s0 =	simm.s32 @p0 $0x1  }
0x13: {  	[smem:$0x3FB0] =	sst s0;
	s0 =	simm.s32 @!p1 $0x0  }
0x14: {  	s2 =	sld [smem:$0x3F94];
	s0 =	simm.s32 @p1 $0x1  }
0x15: {  	[smem:$0x3FB1] =	sst s0;
	s0 =	simm.s32 @!p2 $0x0  }
0x16: {  	s3 =	sld [smem:$0x3FDB];
	s0 =	simm.s32 @p2 $0x1  }
0x17: {  	s4 =	simm.s32 $0x1BF5;
	[smem:$0x3FB3] =	sst s0  }
0x18: {  	s0 =	sld [smem:$0x3F96];
	_ =	swait.ge [sflag:s4], $0x0  }
0x19: {  	s7 =	sld [smem:$0x3F97]  }
0x1a: {  	s8 =	sadd.s32 $0xFFFFE003, lr  }
0x1b: {  	s9 =	sadd.s32 $0xFFFFFEF7, lr;
	s5 =	simm.s32 $0xFFFFFFFF;
	p2 =	slt.u32 s8, $0xFFFFF086  }
0x1c: {  	p1 =	slt.u32 s9, $0xF7A;
	s5 =	simm.s32 @!p2 $0x0  }
0x1d: {  	s5 =	simm.s32 @p1 $0x1;
	p0 =	seq.s32 s7, s2  }
0x1e: {  	s7 =	smul.u32 @!p0 $0xF7A, s2;
	p2 =	seq.s32 @!p0 s5, $0x0  }
0x1f: {  	s9 =	smul.u32 $0xF7A, s1;
	s8 =	simm.s32 @!p0 $0x1BF5;
	p2 =	por !p2, p0  }
0x20: {  	[sflag:s8] =	ssyncset.s32 @!p0 $0xFFFFF086;
	s6 =	sadd.s32 @!p0 s3, s7;
	s7 =	simm.s32 @!p0 $0x108  }
0x21: {  	s3 =	sadd.s32 s3, s9;
	s6 =	sadd.s32 @!p0 $0x88, s6;
	s7 =	simm.s32 @p2 $0x1082  }
0x22: {  	[simem:s7], [sflag:s8] =	dma.local @!p0 [hbm:s6], $0xF7A  }
0x23: {  	s9 =	sor.u32 $0xD0000000, s2;
	s6 =	simm.s32 $0x108;
	_ =	swait.ge @!p0 [sflag:s8], $0x0  }
0x24: {  	s3 =	sadd.s32 $0x88, s3;
	s6 =	simm.s32 @!p1 $0x1082;
	[sflag:s4] =	ssyncset.s32 $0xFFFFF086  }
0x25: {  	[simem:s6], [sflag:s4] =	dma.local [hbm:s3], $0xF7A  }
0x26: {  	[smem:$0x3F97] =	sst s1;
	(tag) =	ssettag s2;
	_ =	strace s9  }
0x27: {  	s1 =	sld [smem:$0x3FA7]  }
0x28: {  	s2 =	sld [smem:$0x3FA8]  }
0x29: {  	s4 =	sld [smem:$0x3FAA]  }
0x2a: {  	p0 =	seq.s32 s5, $0x0;
	s5 =	sld [smem:$0x3FAB]  }
0x2b: {  	s6 =	sld [smem:$0x3FAC]  }
0x2c: {  	s7 =	sld [smem:$0x3FAD]  }
0x2d: {  	s3 =	simm.s32 $0x108;
	s8 =	sld [smem:$0x3FAE]  }
0x2e: {  	s3 =	simm.s32 @!p0 $0x1082;
	s9 =	sld [smem:$0x3FAF]  }
0x2f: {  	lr =	sadd.s32 s0, s3;
	s0 =	sld [smem:$0x3FA6]  }
0x30: {  	s3 =	sld [smem:$0x3FA9]  }
0x31: {  	[smem:$0x3FB2] =	sst s10  }
0x32: {  	s10 =	sld [smem:$0x3FB0];
	_ =	sdelay $0x3  }
0x33: {  	p0 =	seq.s32 s10, $0x1;
	s10 =	sld [smem:$0x3FB2];
	_ =	sdelay $0x3  }
0x34: {  	[smem:$0x3FB2] =	sst s10  }
0x35: {  	s10 =	sld [smem:$0x3FB1];
	_ =	sdelay $0x3  }
0x36: {  	p1 =	seq.s32 s10, $0x1;
	s10 =	sld [smem:$0x3FB2];
	_ =	sdelay $0x3  }
0x37: {  	[smem:$0x3FB2] =	sst s10  }
0x38: {  	s10 =	sld [smem:$0x3FB3]  }
0x39: {  	_ = 	snop;
	(pc) =	sbr.ind lr, $3  }
0x3a: {  	_ = 	snop  }
0x3b: {  	_ = 	snop  }
0x3c: {  	p2 =	seq.s32 s10, $0x1;
	s10 =	sld [smem:$0x3FB2]  }
0x3d: {  	_ =	shalt  }
0x3e: {  	_ =	shalt  }
0x3f: {  	_ =	shalt  }
0x40: {  	_ =	shalt  }
0x41: {  	_ =	shalt  }
0x42: {  	_ =	shalt  }
0x43: {  	_ =	shalt  }
0x44: {  	_ =	shalt  }
0x45: {  	_ =	shalt  }
0x46: {  	_ =	shalt  }
0x47: {  	_ =	shalt  }
0x48: {  	_ =	shalt  }
0x49: {  	_ =	shalt  }
0x4a: {  	_ =	shalt  }
0x4b: {  	_ =	shalt  }
0x4c: {  	_ =	shalt  }
0x4d: {  	_ =	shalt  }
0x4e: {  	_ =	shalt  }
0x4f: {  	_ =	shalt  }
0x50: {  	_ =	shalt  }
0x51: {  	_ =	shalt  }
0x52: {  	_ =	shalt  }
0x53: {  	_ =	shalt  }
0x54: {  	_ =	shalt  }
0x55: {  	_ =	shalt  }
0x56: {  	_ =	shalt  }
0x57: {  	_ =	shalt  }
0x58: {  	_ =	shalt  }
0x59: {  	_ =	shalt  }
0x5a: {  	_ =	shalt  }
0x5b: {  	_ =	shalt  }
0x5c: {  	_ =	shalt  }
0x5d: {  	_ =	shalt  }
0x5e: {  	_ =	shalt  }
0x5f: {  	_ =	shalt  }
0x60: {  	_ =	shalt  }
0x61: {  	_ =	shalt  }
0x62: {  	_ =	shalt  }
0x63: {  	_ =	shalt  }
0x64: {  	_ =	shalt  }
0x65: {  	_ =	shalt  }
0x66: {  	_ =	shalt  }
0x67: {  	_ =	shalt  }
0x68: {  	_ =	shalt  }
0x69: {  	_ =	shalt  }
0x6a: {  	_ =	shalt  }
0x6b: {  	_ =	shalt  }
0x6c: {  	_ =	shalt  }
0x6d: {  	_ =	shalt  }
0x6e: {  	_ =	shalt  }
0x6f: {  	_ =	shalt  }
0x70: {  	_ =	shalt  }
0x71: {  	_ =	shalt  }
0x72: {  	_ =	shalt  }
0x73: {  	_ =	shalt  }
0x74: {  	_ =	shalt  }
0x75: {  	_ =	shalt  }
0x76: {  	_ =	shalt  }
0x77: {  	_ =	shalt  }
0x78: {  	_ =	shalt  }
0x79: {  	_ =	shalt  }
0x7a: {  	_ =	shalt  }
0x7b: {  	_ =	shalt  }
0x7c: {  	_ =	shalt  }
0x7d: {  	_ =	shalt  }
0x7e: {  	_ =	shalt  }
0x7f: {  	_ =	shalt  }
0x80: {  	_ =	shalt  }
0x81: {  	_ =	shalt  }
0x82: {  	_ =	shalt  }
0x83: {  	_ =	shalt  }
0x84: {  	_ =	shalt  }
0x85: {  	_ =	shalt  }
0x86: {  	_ =	shalt  }
0x87: {  	_ =	shalt  }
.Lfunc_end0:
.L_simem_size_0:
called_computation_lowered:
.L_overlay_start_0:
0x88: {  	s2 =	sld [smem:$0x3FD9]  }
0x89: {  	s3 =	sld [smem:$0x3FFE];
	_ =	sdelay $0x1  }
0x8a: {  	s1 =	srdreg.scid  }
0x8b: {  	s0 =	sand.u32 $0x1, s1  }
0x8c: {  	s17 =	sshll.u32 s0, $0xA;
	s2 =	sadd.s32 s3, s2  }
0x8d: {  	s2 =	sadd.s32 s2, s17  }
0x8e: {  	[smem:$0x3FBE] =	sst s2  }
0x8f: {  	_ = 	snop  }
0x90: {  	s2 =	sld [smem:$0x3FD0];
	(tm) =	ssettm $0x1  }
0x91: {  	s18 =	sld [smem:$0x3FFB];
	_ =	sdelay $0x3  }
0x92: {  	_ =	strace s18  }
0x93: {  	s3 =	sld [smem:$0x3FFC];
	_ =	sdelay $0x3  }
0x94: {  	_ =	strace s3  }
0x95: {  	s3 =	sld [smem:$0x3FFD];
	_ =	sdelay $0x3  }
0x96: {  	_ =	strace s3  }
0x97: {  	_ =	strace $0x8FFFFFFF  }
0x98: {  	s19 =	sld [smem:$0x3FDB];
	_ =	sdelay $0x1  }
0x99: {  	s4 =	simm.s32 $_scs_section_size  }
0x9a: {  	s5 =	simm.s32 $_size__tile_overlayer_lowered;
	s6 =	simm.s32 $_tile_overlayer_lowered  }
0x9b: {  	s22 =	simm.s32 $0x1BFF;
	s21 =	sshll.u32 s6, $0x1;
	s3 =	sadd.s32 s4, s19  }
0x9c: {  	s7 =	simm.s32 $0x0;
	s20 =	sshll.u32 s5, $0x1;
	s5 =	sadd.s32 s21, s3  }
0x9d: {  	[timem:s7], [sflag:s22] =	dma.local [hbm:s5], s20  }
0x9e: {  	_ =	swait.ge [sflag:s22], s20  }
0x9f: {  	s4 =	ssub.s32 $0x0, s20;
	[sflag:s22] =	ssyncset.done $0x0  }
0xa0: {  	[sflag:s22] =	ssyncadd.s32 s4;
	_ =	sdelay $0x1  }
0xa1: {  	s23 =	simm.s32 $0x1B8B  }
0xa2: {  	_ =	swait.ge [sflag:s23], $0x1  }
0xa3: {  	[sflag:s23] =	ssyncset.done $0x0  }
0xa4: {  	s25 =	simm.s32 $0x1B8E;
	s24 =	sld [smem:$0x3FFE];
	[sflag:s23] =	ssyncadd.s32 $0xFFFFFFFF  }
0xa5: {  	s26 =	simm.s32 $execute0_lowered;
	[smem:$0x3FD2] =	sst s25  }
0xa6: {  	s5 =	sshll.u32 s26, $0x1;
	_ =	strace $0x80000046;
	[dreg:$0x1] =	wrdreg $0xFFFFFFFF  }
0xa7: {  	s28 =	simm.s32 $_size_execute0_lowered;
	s3 =	sadd.s32 s3, s5;
	[dreg:$0x0] =	wrdreg $0x0  }
0xa8: {  	s5 =	sshll.u32 s28, $0x1;
	[dreg:$0x2] =	wrdreg s3  }
0xa9: {  	[dreg:$0x3] =	wrdreg s5  }
0xaa: {  	[dreg:$0x4] =	wrdreg $0xC0  }
0xab: {  	_ =	task [dreg:s7], $0x5FFFF  }
0xac: {  	[dreg:$0x1] =	wrdreg $0xFFFFFFFF  }
0xad: {  	[dreg:$0x0] =	wrdreg $0x60  }
0xae: {  	[dreg:$0x2] =	wrdreg s24  }
0xaf: {  	[dreg:$0x3] =	wrdreg s2  }
0xb0: {  	[dreg:$0x4] =	wrdreg $0x40800  }
0xb1: {  	[dreg:$0x5] =	wrdreg $0x9  }
0xb2: {  	_ =	task.clear_ibuf [dreg:s7], $0x6FFFF;
	_ =	strace $0x90000046  }
0xb3: {  	s29 =	simm.s32 $0x9;
	_ =	strace $0x80000048  }
0xb4: {  	_ =	swait.ge [sflag:s29], $0x1  }
0xb5: {  	[sflag:s29] =	ssyncadd.s32 $0xFFFFFFFF  }
0xb6: {  	_ =	strace $0x90000048  }
0xb7: {  	_ =	sfence  }
0xb8: {  	s30 =	sld [smem:$0x0];
	_ =	sdelay $0x2  }
0xb9: {  	s31 =	sshll.u32 s1, $0xD;
	s1 =	sshrl.u32 s1, $0x2  }
0xba: {  	s3 =	sand.u32 $0x4000, s31;
	s1 =	sadd.s32 s1, s30  }
0xbb: {  	s0 =	sor.u32 s3, s0;
	s1 =	sshll.u32 s1, $0x11  }
0xbc: {  	s0 =	sor.u32 s1, s0  }
0xbd: {  	s0 =	sadd.s32 $0x8F2B, s0  }
0xbe: {  	[sflag:s0] =	ssyncadd.remote.s32 $0x1  }
0xbf: {  	_ =	sfence.sel $0xFFFF  }
0xc0: {  	[dreg:$0x0] =	wrdreg $0xFFFFFFFF;
	(pc) =	sbr.abs _section_cstart, $3  }
0xc1: {  	[dreg:$0x1] =	wrdreg $0xFFFFFFFF  }
0xc2: {  	_ =	task.clear_ibuf [dreg:s7], $0x2FFFF;
	_ =	strace $0x9FFFFFFF  }
0xc3: {  	(tm) =	ssettm $0x7FFFFFFF  }
tec
execute0_lowered:
.L_overlay_start_1:
0x0: {  	(tag) =	ssettag $0x1  }
0x1: {  	s7 =	rddreg [dreg:$0x0]  }
0x2: {  	s1 =	rddreg [dreg:$0x1]  }
0x3: {  	s2 =	rddreg [dreg:$0x2];
	s3 =	srdreg.scid  }
0x4: {  	s0 =	rddreg [dreg:$0x3];
	s4 =	simm.s32 $0x0;
	s13 =	simm.s32 $0x80  }
0x5: {  	s14 =	simm.s32 $0x0;
	s8 =	sand.u32 $0x1, s3;
	s3 =	stileid.u32  }
0x6: {  	[smem:$0x7FF] =	sst s4;
	s5 =	sadd.s32 $0x1E00, s7;
	s9 =	smul.u32 $0x140000, s8  }
0x7: {  	s6 =	sadd.s32 $0xBE00, s7;
	s10 =	smul.u32 $0x14000, s3;
	_ =	strace $0x80000047  }
0x8: {  	s28 =	ssub.s32 $0x2, s8;
	s12 =	smul.u32 $0x50000, s3;
	s29 =	sshll.u32 s8, $0x4  }
0x9: {  	s31 =	sshll.u32 s3, $0x6;
	s11 =	sshrl.u32 s28, $0x1;
	s8 =	sor.u32 s3, s29  }
0xa: {  	s9 =	sadd.s32 s10, s9;
	s10 =	ssub.s32 s28, s11;
	s30 =	sshrl.u32 s12, $0x2  }
0xb: {  	s8 =	smul.u32 $0x2800, s8;
	s9 =	sshrl.u32 s9, $0x3;
	s12 =	sadd.s32 s30, s2  }
0xc: {  	s10 =	smax.u32 s10, $0x1;
	s9 =	sadd.s32 s9, s7;
	s7 =	sor.u32 $0x1C01, s31  }
0xd: {  	s11 =	sshrl.u32 s12, $0x3;
	s12 =	simm.s32 $0x1;
	s9 =	sadd.s32 $0xC600, s9  }
.LBB2_1:
0xe: {  	[spmem:s11], [sflag:s7] =	dma.local [hbm:s1], $0x2800  }
0xf: {  	_ =	swait.ge [sflag:s12], $0x2800  }
0x10: {  	[sflag:s12] =	ssyncset.done $0x0  }
0x11: {  	s15 =	sand.u32 $0x3C00, s4;
	[sflag:s12] =	ssyncadd.s32 $0xFFFFD800  }
0x12: {  	[tilespmem:s13], [sflag:$0x1] =	stream.linear.gather [hbm4b:s6+s4], $0x4000, $0x38;
	[tilespmem:$0x18080] =	vst v63  }
0x13: {  	s16 =	sand.u32 $0x380, s4;
	s15 =	sadd.s32 s8, s15;
	_ =	swait.ge [sflag:s12], $0x4000  }
0x14: {  	s15 =	sor.u32 s16, s15;
	[sflag:s12] =	ssyncset.done $0x0  }
0x15: {  	s15 =	sshrl.u32 s15, $0x3;
	[sflag:s12] =	ssyncadd.s32 $0xFFFFC000  }
0x16: {  	s15 =	sadd.s32 s5, s15;
	[bflag:$0x0] =	sbarrier.arrive $0xFFFF  }
0x17: {  	[tilespmem:s4], [sflag:$0x1] =	stream.linear.gather [hbm4b:s15+s4], $0x80, $0x38;
	[tilespmem:$0x18080] =	vst v63  }
0x18: {  	_ =	swait.ge [sflag:s12], $0x80  }
0x19: {  	s30 =	simm.s32 $0x80;
	[sflag:s12] =	ssyncset.done $0x0  }
0x1a: {  	s31 =	sand.u32 $0x3C00, s30;
	[sflag:s12] =	ssyncadd.s32 $0xFFFFFF80  }
0x1b: {  	[spmem:s2] =	stream.indirect.scatter.add.f32 [tilespmem:s13], [sflag:$0x1], $0x80, s4, s13, $0xb8;
	[tilespmem:$0x18080] =	vst v63  }
0x1c: {  	s17 =	sand.u32 $0x380, s30;
	s16 =	sadd.s32 s8, s31;
	_ =	swait.ge [sflag:s12], $0x4000  }
0x1d: {  	s16 =	sor.u32 s17, s16;
	s15 =	simm.s32 $0x100;
	[sflag:s12] =	ssyncset.done $0x0  }
.LBB2_2:
0x1e: {  	s16 =	sshrl.u32 s16, $0x3  }
0x1f: {  	[sflag:s12] =	ssyncadd.s32 $0xFFFFC000;
	s17 =	smov.u32 s15;
	s18 =	sadd.s32 $0x80, s15  }
0x20: {  	p0 =	sne.s32 s15, $0x2780;
	s15 =	sadd.s32 s5, s16  }
0x21: {  	[tilespmem:s4], [sflag:$0x1] =	stream.linear.gather [hbm4b:s15+s4], $0x80, $0x38;
	[tilespmem:$0x18080] =	vst v63  }
0x22: {  	_ =	swait.ge [sflag:s12], $0x80  }
.Ltmp0:
0x23: {  	[sflag:s12] =	ssyncset.done $0x0;
	(pc) =	sbr.rel @p0 .LBB2_2-.Ltmp0, $4  }
0x24: {  	s15 =	sand.u32 $0x3C00, s17;
	[sflag:s12] =	ssyncadd.s32 $0xFFFFFF80  }
0x25: {  	[spmem:s2] =	stream.indirect.scatter.add.f32 [tilespmem:s13], [sflag:$0x1], $0x80, s4, s13, $0xb8;
	[tilespmem:$0x18080] =	vst v63  }
0x26: {  	s16 =	sand.u32 $0x380, s17;
	s15 =	sadd.s32 s8, s15;
	_ =	swait.ge [sflag:s12], $0x4000  }
0x27: {  	s16 =	sor.u32 s16, s15;
	s15 =	smov.u32 s18;
	[sflag:s12] =	ssyncset.done $0x0  }
0x28: {  	s15 =	sshrl.u32 s16, $0x3  }
0x29: {  	[sflag:s12] =	ssyncadd.s32 $0xFFFFC000;
	s15 =	sadd.s32 s5, s15  }
0x2a: {  	[tilespmem:s4], [sflag:$0x1] =	stream.linear.gather [hbm4b:s15+s4], $0x80, $0x38;
	[tilespmem:$0x18080] =	vst v63  }
0x2b: {  	_ =	swait.ge [sflag:s12], $0x80  }
0x2c: {  	[sflag:s12] =	ssyncset.done $0x0  }
0x2d: {  	[sflag:s12] =	ssyncadd.s32 $0xFFFFFF80  }
0x2e: {  	[spmem:s2] =	stream.indirect.scatter.add.f32 [tilespmem:s13], [sflag:$0x1], $0x80, s4, s13, $0xb8;
	[tilespmem:$0x18080] =	vst v63  }
0x2f: {  	_ =	swait.ge [sflag:s12], $0x4000  }
0x30: {  	s14 =	sadd.s32 $0x1, s14;
	[sflag:s12] =	ssyncset.done $0x0  }
0x31: {  	p0 =	sne.s32 s14, s10;
	[sflag:s12] =	ssyncadd.s32 $0xFFFFC000  }
.Ltmp1:
0x32: {  	[bflag:$0x0] =	sbarrier.arrive $0xFFFF;
	(pc) =	sbr.rel @p0 .LBB2_1-.Ltmp1, $4  }
0x33: {  	[hbm:s9], [sflag:s7] =	dma.local [spmem:s11], $0x2800  }
0x34: {  	_ =	swait.ge [sflag:s12], $0x2800  }
0x35: {  	[sflag:s12] =	ssyncset.done $0x0  }
0x36: {  	[sflag:s12] =	ssyncadd.s32 $0xFFFFD800  }
0x37: {  	_ =	sfence.sel $0x180000  }
0x38: {  	[bflag:$0x0] =	sbarrier.arrive $0xFFFF  }
0x39: {  	p0 =	sne.s32 s3, $0x0;
	_ =	strace $0x90000047  }
0x3a: {  	s0 =	sadd.s32 @!p0 $0x100000, s0;
	[bflag:$0x2] =	sbarrier.arrive $0xFFFF  }
0x3b: {  	[sflag:s0] =	ssyncadd.tile.s32 @!p0 $0x1;
	_ =	shalt  }
.Lfunc_end2:
_tile_overlayer_lowered:
.L_overlay_start_2:
0x3c: {  	(tag) =	ssettag $0x2  }
0x3d: {  	s0 =	rddreg [dreg:$0x0];
	s2 =	stileid.u32  }
0x3e: {  	s1 =	rddreg [dreg:$0x1];
	p0 =	sne.s32 s2, $0x0  }
0x3f: {  	s3 =	rddreg [dreg:$0x2];
	[bflag:$0x3] =	sbarrier.arrive $0xFFFF;
	s2 =	simm.s32 @!p0 $0x1C01  }
0x40: {  	[timem:s3], [sflag:s2] =	dma.local @!p0 [hbm:s0], s1  }
0x41: {  	s0 =	simm.s32 @!p0 $0x1  }
0x42: {  	_ =	swait.ge @!p0 [sflag:s0], s1  }
0x43: {  	s1 =	ssub.s32 @!p0 $0x0, s1;
	[sflag:s0] =	ssyncset.done @!p0 $0x0  }
0x44: {  	[sflag:s0] =	ssyncadd.s32 @!p0 s1  }
0x45: {  	[bflag:$0x3] =	sbarrier.arrive $0xFFFF  }
0x46: {  	_ =	shalt  }

</sc_bundles>
